<compile_context>
chip_gen: v7x
topology: tpu7x:2x2x1
jax: 0.10.2.dev20260603
libtpu: 0.0.44.dev20260713+nightly
codegen_flags: <defaults>
</compile_context>

<pallas_src>
import functools

import jax
import jax.numpy as jnp
from jax import lax
from jax.experimental import pallas as pl
from jax.experimental.pallas import tpu as pltpu
from jax.experimental.pallas import tpu_sc as plsc

N = 10000
E = 320000
D = 128
HD = D // 2
NP = 10240

NC = 2
NS = 16
NW = NC * NS
K = 80
EPW = E // NW
NCH = EPW // K
KE = 80
EPT = E // NS
KCH = EPT // KE
R = NP // NS
ZR = 64

_mesh = plsc.VectorSubcoreMesh(core_axis_name="c", subcore_axis_name="s")


@functools.partial(
    pl.kernel,
    out_type=jax.ShapeDtypeStruct((NC, NP, 16), jnp.float32),
    mesh=_mesh,
    scratch_types=[
        pltpu.VMEM((EPW,), jnp.int32),
        pltpu.VMEM((K, 16), jnp.float32),
        pltpu.VMEM((R, 16), jnp.float32),
        pltpu.VMEM_SHARED((NP, 16), jnp.float32),
        pltpu.SemaphoreType.DMA,
    ],
    compiler_params=pltpu.CompilerParams(use_tc_tiling_on_sc=False),
)
def _deg_sc(ei_hbm, out_hbm, idx_v, ones_v, zero_v, acc_sh, ssem):
    c = lax.axis_index("c")
    s = lax.axis_index("s")
    wid = c * NS + s
    pltpu.sync_copy(ei_hbm.at[1].at[pl.ds(wid * EPW, EPW)], idx_v)

    def _fill(i, _):
        ones_v[i] = jnp.ones((16,), jnp.float32)
        return 0

    lax.fori_loop(0, K, _fill, 0)

    def _fillz(i, _):
        zero_v[i] = jnp.zeros((16,), jnp.float32)
        return 0

    lax.fori_loop(0, R, _fillz, 0)
    pltpu.sync_copy(zero_v, acc_sh.at[pl.ds(s * R, R)])
    plsc.subcore_barrier()

    def _body(j, _):
        pltpu.async_copy(ones_v, acc_sh.at[idx_v.at[pl.ds(j * K, K)]], ssem,
                         add=True)
        return 0

    lax.fori_loop(0, NCH, _body, 0)

    def _drain(j, _):
        pltpu.make_async_copy(
            ones_v, acc_sh.at[idx_v.at[pl.ds(j * K, K)]], ssem).wait()
        return 0

    lax.fori_loop(0, NCH, _drain, 0)
    plsc.subcore_barrier()
    pltpu.sync_copy(acc_sh.at[pl.ds(s * R, R)], out_hbm.at[c].at[pl.ds(s * R, R)])


@functools.partial(
    pl.kernel,
    out_type=jax.ShapeDtypeStruct((NC, NP, HD), jnp.float32),
    mesh=_mesh,
    scratch_types=[
        pltpu.VMEM((EPT,), jnp.int32),
        pltpu.VMEM((EPT,), jnp.int32),
        [pltpu.VMEM((KE, HD), jnp.float32)] * 5,
        pltpu.VMEM((ZR, HD), jnp.float32),
        pltpu.VMEM_SHARED((NP, HD), jnp.float32),
        [pltpu.SemaphoreType.DMA] * 5,
        pltpu.SemaphoreType.DMA,
        pltpu.SemaphoreType.DMA,
    ],
    compiler_params=pltpu.CompilerParams(use_tc_tiling_on_sc=False),
)
def _edge_sc(table_hbm, ei_hbm, out_hbm,
             src_v, dst_v, rows, zero_v, acc_sh,
             gsem, isem0, isem1):
    c = lax.axis_index("c")
    s = lax.axis_index("s")
    tb = table_hbm.at[c]
    pltpu.async_copy(ei_hbm.at[0].at[pl.ds(s * EPT, EPT)], src_v, isem0)
    pltpu.async_copy(ei_hbm.at[1].at[pl.ds(s * EPT, EPT)], dst_v, isem1)

    def _fillz(i, _):
        for q in range(HD // 16):
            zero_v[i, pl.ds(q * 16, 16)] = jnp.zeros((16,), jnp.float32)
        return 0

    lax.fori_loop(0, ZR, _fillz, 0)
    for t in range(R // ZR):
        pltpu.sync_copy(zero_v, acc_sh.at[pl.ds(s * R + t * ZR, ZR)])
    pltpu.make_async_copy(ei_hbm.at[0].at[pl.ds(s * EPT, EPT)],
                          src_v, isem0).wait()
    pltpu.make_async_copy(ei_hbm.at[1].at[pl.ds(s * EPT, EPT)],
                          dst_v, isem1).wait()
    plsc.subcore_barrier()

    for p in range(5):
        pltpu.async_copy(tb.at[src_v.at[pl.ds(p * KE, KE)]], rows[p], gsem[p])

    def _body(jj, _):
        j0 = 5 * jj
        for p in range(5):
            j = j0 + p
            pltpu.make_async_copy(tb.at[src_v.at[pl.ds(j * KE, KE)]],
                                  rows[p], gsem[p]).wait()
            pltpu.sync_copy(rows[p],
                            acc_sh.at[dst_v.at[pl.ds(j * KE, KE)]], add=True)

            @pl.when(j + 5 < KCH)
            def _():
                pltpu.async_copy(tb.at[src_v.at[pl.ds((j + 5) * KE, KE)]],
                                 rows[p], gsem[p])

        return 0

    lax.fori_loop(0, KCH // 5, _body, 0)
    plsc.subcore_barrier()
    pltpu.sync_copy(acc_sh.at[pl.ds(s * R, R)], out_hbm.at[c].at[pl.ds(s * R, R)])


_BR = 2048


def _split_cols(m):
    return jnp.stack([m[:, :HD], m[:, HD:]])


def _tc_scale_body(x_ref, degp_ref, xnt_ref, normb_ref):
    deg = degp_ref[0, :, 0:1] + degp_ref[1, :, 0:1] + 1.0
    norm = lax.rsqrt(deg)
    nb = jnp.broadcast_to(norm, (_BR, D))
    normb_ref[...] = nb
    xnt_ref[...] = _split_cols(x_ref[...] * nb)


def _tc_mid_body(sp_ref, x_ref, normb_ref, b_ref, w_ref, x1_ref, xnt_ref):
    nb = normb_ref[...]
    sfull = jnp.concatenate([sp_ref[0], sp_ref[1]], axis=1)
    u = nb * sfull + (nb * nb) * x_ref[...]
    x1 = jnp.maximum(
        jnp.dot(u, w_ref[...], preferred_element_type=jnp.float32)
        + b_ref[...], 0.0)
    x1_ref[...] = x1
    xnt_ref[...] = _split_cols(x1 * nb)


def _tc_post_body(sp_ref, x_ref, normb_ref, b_ref, w_ref, x2_ref):
    nb = normb_ref[...]
    sfull = jnp.concatenate([sp_ref[0], sp_ref[1]], axis=1)
    u = nb * sfull + (nb * nb) * x_ref[...]
    x2_ref[...] = jnp.maximum(
        jnp.dot(u, w_ref[...], preferred_element_type=jnp.float32)
        + b_ref[...], 0.0)


_row_spec = pl.BlockSpec((_BR, D), lambda i: (i, 0))
_t_spec = pl.BlockSpec((NC, _BR, HD), lambda i: (0, i, 0))
_dgp_spec = pl.BlockSpec((NC, _BR, 16), lambda i: (0, i, 0))
_w_spec = pl.BlockSpec((D, D), lambda i: (0, 0))
_b_spec = pl.BlockSpec((1, D), lambda i: (0, 0))
_grid = (NP // _BR,)

_row_shape = jax.ShapeDtypeStruct((NP, D), jnp.float32)
_t_shape = jax.ShapeDtypeStruct((NC, NP, HD), jnp.float32)

_tc_scale = pl.pallas_call(
    _tc_scale_body,
    grid=_grid,
    in_specs=[_row_spec, _dgp_spec],
    out_specs=[_t_spec, _row_spec],
    out_shape=[_t_shape, _row_shape],
)

_tc_mid = pl.pallas_call(
    _tc_mid_body,
    grid=_grid,
    in_specs=[_t_spec, _row_spec, _row_spec, _b_spec, _w_spec],
    out_specs=[_row_spec, _t_spec],
    out_shape=[_row_shape, _t_shape],
)

_tc_post = pl.pallas_call(
    _tc_post_body,
    grid=_grid,
    in_specs=[_t_spec, _row_spec, _row_spec, _b_spec, _w_spec],
    out_specs=_row_spec,
    out_shape=_row_shape,
)


def kernel(data, edge_index, W1, b1, W2, b2):
    data_p = jnp.pad(data, ((0, NP - N), (0, 0)))
    degp = _deg_sc(edge_index)
    xnt1, normb = _tc_scale(data_p, degp)
    s1 = _edge_sc(xnt1, edge_index)
    x1, xnt2 = _tc_mid(s1, data_p, normb, b1.reshape(1, D), W1)
    s2 = _edge_sc(xnt2, edge_index)
    x2 = _tc_post(s2, x1, normb, b2.reshape(1, D), W2)
    return (x2[:N], x1[:N], x2[:N])

# --- scband reference (transcript-rebuilt; emitter-appended) ---
"""Pipeline reference for scband-encoder-1503238553727 (READ-ONLY COPY).

The authoritative reference and input builder live on the scoring server;
editing this copy changes nothing except your own understanding.
"""

import jax, jax.numpy as jnp
import numpy as np

N = 10000
E = 320000
D = 128
H = 128


def setup_inputs(seed: int = 0) -> dict:
    key = jax.random.key(seed)
    k1, k2, k3, k4, k5, k6 = jax.random.split(key, 6)
    data = jax.random.normal(k1, (N, D), dtype=jnp.float32)
    edge_index = jax.random.randint(k2, (2, E), 0, N, dtype=jnp.int32)
    W1 = jax.random.normal(k3, (D, H), dtype=jnp.float32) * (1.0 / np.sqrt(D))
    b1 = jnp.zeros((H,), dtype=jnp.float32)
    W2 = jax.random.normal(k4, (H, H), dtype=jnp.float32) * (1.0 / np.sqrt(H))
    b2 = jnp.zeros((H,), dtype=jnp.float32)
    return {"data": data, "edge_index": edge_index, "W1": W1, "b1": b1, "W2": W2, "b2": b2}


def _gcn_layer(x, W, b, src, dst, n):
    # GCN conv with self-loops and symmetric normalization
    h = x @ W
    deg = jnp.zeros((n,), dtype=x.dtype).at[dst].add(1.0) + 1.0  # +1 for self-loop
    norm = jax.lax.rsqrt(deg)
    coef = (norm[src] * norm[dst])[:, None]
    msgs = h[src] * coef
    agg = jnp.zeros_like(h).at[dst].add(msgs)
    agg = agg + h * (norm * norm)[:, None]  # self-loop contribution
    return agg + b


def reference(data, edge_index, W1, b1, W2, b2):
    src = edge_index[0]
    dst = edge_index[1]
    x = data
    outputs = []
    # layer group 0: GCNConv -> relu
    x = jax.nn.relu(_gcn_layer(x, W1, b1, src, dst, N))
    outputs.append(x)
    # layer group 1: GCNConv -> relu
    x = jax.nn.relu(_gcn_layer(x, W2, b2, src, dst, N))
    outputs.append(x)
    return (x, outputs[0], outputs[1])

if __name__ == "__main__":
    import jax
    _d = setup_inputs()
    print(jax.jit(kernel)(*tuple(_d.values())))

</pallas_src>

<mosaic_0001>
#map = affine_map<(d0, d1) -> (0, 0, 0)>
#map1 = affine_map<(d0, d1) -> (0, 0)>
module attributes {stable_mosaic.version = 14 : i64} {
  func.func @_edge_sc(%arg0: i32, %arg1: i32, %arg2: memref<2x10240x64xf32, #tpu.memory_space<hbm>>, %arg3: memref<2x320000xi32, #tpu.memory_space<hbm>>, %arg4: memref<2x10240x64xf32, #tpu.memory_space<hbm>>, %arg5: memref<20000xi32, #tpu.memory_space<vmem>>, %arg6: memref<20000xi32, #tpu.memory_space<vmem>>, %arg7: memref<80x64xf32, #tpu.memory_space<vmem>>, %arg8: memref<80x64xf32, #tpu.memory_space<vmem>>, %arg9: memref<80x64xf32, #tpu.memory_space<vmem>>, %arg10: memref<80x64xf32, #tpu.memory_space<vmem>>, %arg11: memref<80x64xf32, #tpu.memory_space<vmem>>, %arg12: memref<64x64xf32, #tpu.memory_space<vmem>>, %arg13: memref<10240x64xf32, #tpu.memory_space<vmem_shared>>, %arg14: memref<!tpu.dma_semaphore, #tpu.memory_space<semaphore_mem>>, %arg15: memref<!tpu.dma_semaphore, #tpu.memory_space<semaphore_mem>>, %arg16: memref<!tpu.dma_semaphore, #tpu.memory_space<semaphore_mem>>, %arg17: memref<!tpu.dma_semaphore, #tpu.memory_space<semaphore_mem>>, %arg18: memref<!tpu.dma_semaphore, #tpu.memory_space<semaphore_mem>>, %arg19: memref<!tpu.dma_semaphore, #tpu.memory_space<semaphore_mem>>, %arg20: memref<!tpu.dma_semaphore, #tpu.memory_space<semaphore_mem>>) attributes {dimension_semantics = [#tpu.dimension_semantics<core_parallel>, #tpu.dimension_semantics<subcore_parallel>], iteration_bounds = array<i64: 2, 16>, scalar_prefetch = 0 : i64, scratch_operands = 16 : i64, tpu.core_type = #tpu.core_type<sc_vector_subcore>, window_params = [{transform_indices = #map}, {transform_indices = #map1}, {transform_indices = #map}]} {
    %mul3A = arith.constant 20000 : i32
    %mul3A_0 = arith.muli %arg1, %mul3A : i32
    %dma_start3A = arith.constant 0 : i32
    %dma_start3A_1 = arith.constant 0 : i32
    %dma_start3A_2 = tpu.memref_slice %arg3[%dma_start3A, %dma_start3A_1] : memref<2x320000xi32, #tpu.memory_space<hbm>> -> memref<1x320000xi32, #tpu.memory_space<hbm>>
    %dma_start3A_3 = tpu.memref_squeeze %dma_start3A_2 : memref<1x320000xi32, #tpu.memory_space<hbm>> -> memref<320000xi32, #tpu.memory_space<hbm>>
    %dma_start3A_4 = tpu.memref_slice %dma_start3A_3[%mul3A_0] : memref<320000xi32, #tpu.memory_space<hbm>> -> memref<20000xi32, #tpu.memory_space<hbm>>
    %dma_start3A_5 = arith.constant 0 : i32
    %dma_start3A_6 = tpu.memref_slice %arg3[%dma_start3A, %dma_start3A_5] : memref<2x320000xi32, #tpu.memory_space<hbm>> -> memref<1x320000xi32, #tpu.memory_space<hbm>>
    %dma_start3A_7 = tpu.memref_squeeze %dma_start3A_6 : memref<1x320000xi32, #tpu.memory_space<hbm>> -> memref<320000xi32, #tpu.memory_space<hbm>>
    %dma_start3A_8 = tpu.memref_slice %dma_start3A_7[%mul3A_0] : memref<320000xi32, #tpu.memory_space<hbm>> -> memref<20000xi32, #tpu.memory_space<hbm>>
    tpu.enqueue_dma source(%dma_start3A_8 : memref<20000xi32, #tpu.memory_space<hbm>>) target(%arg5 : memref<20000xi32, #tpu.memory_space<vmem>>) target_semaphore(%arg19 : memref<!tpu.dma_semaphore, #tpu.memory_space<semaphore_mem>>)
    %mul3A_9 = arith.constant 20000 : i32
    %mul3A_10 = arith.muli %arg1, %mul3A_9 : i32
    %dma_start3A_11 = arith.constant 1 : i32
    %dma_start3A_12 = arith.constant 0 : i32
    %dma_start3A_13 = tpu.memref_slice %arg3[%dma_start3A_11, %dma_start3A_12] : memref<2x320000xi32, #tpu.memory_space<hbm>> -> memref<1x320000xi32, #tpu.memory_space<hbm>>
    %dma_start3A_14 = tpu.memref_squeeze %dma_start3A_13 : memref<1x320000xi32, #tpu.memory_space<hbm>> -> memref<320000xi32, #tpu.memory_space<hbm>>
    %dma_start3A_15 = tpu.memref_slice %dma_start3A_14[%mul3A_10] : memref<320000xi32, #tpu.memory_space<hbm>> -> memref<20000xi32, #tpu.memory_space<hbm>>
    %dma_start3A_16 = arith.constant 0 : i32
    %dma_start3A_17 = tpu.memref_slice %arg3[%dma_start3A_11, %dma_start3A_16] : memref<2x320000xi32, #tpu.memory_space<hbm>> -> memref<1x320000xi32, #tpu.memory_space<hbm>>
    %dma_start3A_18 = tpu.memref_squeeze %dma_start3A_17 : memref<1x320000xi32, #tpu.memory_space<hbm>> -> memref<320000xi32, #tpu.memory_space<hbm>>
    %dma_start3A_19 = tpu.memref_slice %dma_start3A_18[%mul3A_10] : memref<320000xi32, #tpu.memory_space<hbm>> -> memref<20000xi32, #tpu.memory_space<hbm>>
    tpu.enqueue_dma source(%dma_start3A_19 : memref<20000xi32, #tpu.memory_space<hbm>>) target(%arg6 : memref<20000xi32, #tpu.memory_space<vmem>>) target_semaphore(%arg20 : memref<!tpu.dma_semaphore, #tpu.memory_space<semaphore_mem>>)
    %scan3A = arith.constant 0 : i32
    %scan3A_20 = arith.constant 0 : i32
    %scan3A_21 = arith.constant 64 : i32
    %scan3A_22 = arith.addi %scan3A_20, %scan3A_21 : i32
    %scan3A_23 = arith.constant 1 : i32
    %scan3A_24 = scf.for %scan3A_143 = %scan3A_20 to %scan3A_22 step %scan3A_23 iter_args(%scan3A_144 = %scan3A) -> (i32)  : i32 {
      %broadcast_in_dim3A = arith.constant 0.000000e+00 : f32
      %broadcast_in_dim3A_145 = vector.broadcast %broadcast_in_dim3A : f32 to vector<16xf32>
      %swap3A = arith.index_cast %scan3A_143 : i32 to index
      %swap3A_146 = arith.constant 0 : index
      %swap3A_147 = tpu.vector_load %arg12[%swap3A, %swap3A_146] {strides = array<i32>} : memref<64x64xf32, #tpu.memory_space<vmem>>, vector<1x16xf32>,
      %swap3A_148 = vector.shape_cast %swap3A_147 : vector<1x16xf32> to vector<16xf32>
      %swap3A_149 = vector.shape_cast %broadcast_in_dim3A_145 : vector<16xf32> to vector<1x16xf32>
      tpu.vector_store %arg12[%swap3A, %swap3A_146], %swap3A_149 {strides = array<i32>} : memref<64x64xf32, #tpu.memory_space<vmem>>, vector<1x16xf32>,
      %broadcast_in_dim3A_150 = arith.constant 0.000000e+00 : f32
      %broadcast_in_dim3A_151 = vector.broadcast %broadcast_in_dim3A_150 : f32 to vector<16xf32>
      %swap3A_152 = arith.index_cast %scan3A_143 : i32 to index
      %swap3A_153 = arith.constant 16 : index
      %swap3A_154 = tpu.vector_load %arg12[%swap3A_152, %swap3A_153] {strides = array<i32>} : memref<64x64xf32, #tpu.memory_space<vmem>>, vector<1x16xf32>,
      %swap3A_155 = vector.shape_cast %swap3A_154 : vector<1x16xf32> to vector<16xf32>
      %swap3A_156 = vector.shape_cast %broadcast_in_dim3A_151 : vector<16xf32> to vector<1x16xf32>
      tpu.vector_store %arg12[%swap3A_152, %swap3A_153], %swap3A_156 {strides = array<i32>} : memref<64x64xf32, #tpu.memory_space<vmem>>, vector<1x16xf32>,
      %broadcast_in_dim3A_157 = arith.constant 0.000000e+00 : f32
      %broadcast_in_dim3A_158 = vector.broadcast %broadcast_in_dim3A_157 : f32 to vector<16xf32>
      %swap3A_159 = arith.index_cast %scan3A_143 : i32 to index
      %swap3A_160 = arith.constant 32 : index
      %swap3A_161 = tpu.vector_load %arg12[%swap3A_159, %swap3A_160] {strides = array<i32>} : memref<64x64xf32, #tpu.memory_space<vmem>>, vector<1x16xf32>,
      %swap3A_162 = vector.shape_cast %swap3A_161 : vector<1x16xf32> to vector<16xf32>
      %swap3A_163 = vector.shape_cast %broadcast_in_dim3A_158 : vector<16xf32> to vector<1x16xf32>
      tpu.vector_store %arg12[%swap3A_159, %swap3A_160], %swap3A_163 {strides = array<i32>} : memref<64x64xf32, #tpu.memory_space<vmem>>, vector<1x16xf32>,
      %broadcast_in_dim3A_164 = arith.constant 0.000000e+00 : f32
      %broadcast_in_dim3A_165 = vector.broadcast %broadcast_in_dim3A_164 : f32 to vector<16xf32>
      %swap3A_166 = arith.index_cast %scan3A_143 : i32 to index
      %swap3A_167 = arith.constant 48 : index
      %swap3A_168 = tpu.vector_load %arg12[%swap3A_166, %swap3A_167] {strides = array<i32>} : memref<64x64xf32, #tpu.memory_space<vmem>>, vector<1x16xf32>,
      %swap3A_169 = vector.shape_cast %swap3A_168 : vector<1x16xf32> to vector<16xf32>
      %swap3A_170 = vector.shape_cast %broadcast_in_dim3A_165 : vector<16xf32> to vector<1x16xf32>
      tpu.vector_store %arg12[%swap3A_166, %swap3A_167], %swap3A_170 {strides = array<i32>} : memref<64x64xf32, #tpu.memory_space<vmem>>, vector<1x16xf32>,
      %scan3A_171 = arith.constant 0 : i32
      scf.yield %scan3A_171 : i32
    }
    %scan3A_25 = arith.constant 64 : i32
    %mul3A_26 = arith.constant 640 : i32
    %mul3A_27 = arith.muli %arg1, %mul3A_26 : i32
    %add3A = arith.constant 0 : i32
    %add3A_28 = arith.addi %mul3A_27, %add3A : i32
    "tpu.region"() ({
      %run_scoped3A = tpu.sem_alloc : memref<!tpu.dma_semaphore, #tpu.memory_space<semaphore_mem>>
      %dma_start3A_143 = arith.constant 0 : i32
      %dma_start3A_144 = tpu.memref_slice %arg13[%add3A_28, %dma_start3A_143] : memref<10240x64xf32, #tpu.memory_space<vmem_shared>> -> memref<64x64xf32, #tpu.memory_space<vmem_shared>>
      %dma_start3A_145 = arith.constant 0 : i32
      %dma_start3A_146 = tpu.memref_slice %arg13[%add3A_28, %dma_start3A_145] : memref<10240x64xf32, #tpu.memory_space<vmem_shared>> -> memref<64x64xf32, #tpu.memory_space<vmem_shared>>
      tpu.enqueue_dma source(%arg12 : memref<64x64xf32, #tpu.memory_space<vmem>>) target(%dma_start3A_146 : memref<64x64xf32, #tpu.memory_space<vmem_shared>>) target_semaphore(%run_scoped3A : memref<!tpu.dma_semaphore, #tpu.memory_space<semaphore_mem>>)
      %dma_wait3A_147 = arith.constant 0 : i32
      %dma_wait3A_148 = tpu.memref_slice %arg13[%add3A_28, %dma_wait3A_147] : memref<10240x64xf32, #tpu.memory_space<vmem_shared>> -> memref<64x64xf32, #tpu.memory_space<vmem_shared>>
      %dma_wait3A_149 = arith.constant 0 : i32
      %dma_wait3A_150 = tpu.memref_slice %arg13[%add3A_28, %dma_wait3A_149] : memref<10240x64xf32, #tpu.memory_space<vmem_shared>> -> memref<64x64xf32, #tpu.memory_space<vmem_shared>>
      tpu.wait_dma2 semaphore(%run_scoped3A : memref<!tpu.dma_semaphore, #tpu.memory_space<semaphore_mem>>) src(%arg12 : memref<64x64xf32, #tpu.memory_space<vmem>>) dst(%dma_wait3A_150 : memref<64x64xf32, #tpu.memory_space<vmem_shared>>)
      tpu.yield
    }) : () -> ()
    %mul3A_29 = arith.constant 640 : i32
    %mul3A_30 = arith.muli %arg1, %mul3A_29 : i32
    %add3A_31 = arith.constant 64 : i32
    %add3A_32 = arith.addi %mul3A_30, %add3A_31 : i32
    "tpu.region"() ({
      %run_scoped3A = tpu.sem_alloc : memref<!tpu.dma_semaphore, #tpu.memory_space<semaphore_mem>>
      %dma_start3A_143 = arith.constant 0 : i32
      %dma_start3A_144 = tpu.memref_slice %arg13[%add3A_32, %dma_start3A_143] : memref<10240x64xf32, #tpu.memory_space<vmem_shared>> -> memref<64x64xf32, #tpu.memory_space<vmem_shared>>
      %dma_start3A_145 = arith.constant 0 : i32
      %dma_start3A_146 = tpu.memref_slice %arg13[%add3A_32, %dma_start3A_145] : memref<10240x64xf32, #tpu.memory_space<vmem_shared>> -> memref<64x64xf32, #tpu.memory_space<vmem_shared>>
      tpu.enqueue_dma source(%arg12 : memref<64x64xf32, #tpu.memory_space<vmem>>) target(%dma_start3A_146 : memref<64x64xf32, #tpu.memory_space<vmem_shared>>) target_semaphore(%run_scoped3A : memref<!tpu.dma_semaphore, #tpu.memory_space<semaphore_mem>>)
      %dma_wait3A_147 = arith.constant 0 : i32
      %dma_wait3A_148 = tpu.memref_slice %arg13[%add3A_32, %dma_wait3A_147] : memref<10240x64xf32, #tpu.memory_space<vmem_shared>> -> memref<64x64xf32, #tpu.memory_space<vmem_shared>>
      %dma_wait3A_149 = arith.constant 0 : i32
      %dma_wait3A_150 = tpu.memref_slice %arg13[%add3A_32, %dma_wait3A_149] : memref<10240x64xf32, #tpu.memory_space<vmem_shared>> -> memref<64x64xf32, #tpu.memory_space<vmem_shared>>
      tpu.wait_dma2 semaphore(%run_scoped3A : memref<!tpu.dma_semaphore, #tpu.memory_space<semaphore_mem>>) src(%arg12 : memref<64x64xf32, #tpu.memory_space<vmem>>) dst(%dma_wait3A_150 : memref<64x64xf32, #tpu.memory_space<vmem_shared>>)
      tpu.yield
    }) : () -> ()
    %mul3A_33 = arith.constant 640 : i32
    %mul3A_34 = arith.muli %arg1, %mul3A_33 : i32
    %add3A_35 = arith.constant 128 : i32
    %add3A_36 = arith.addi %mul3A_34, %add3A_35 : i32
    "tpu.region"() ({
      %run_scoped3A = tpu.sem_alloc : memref<!tpu.dma_semaphore, #tpu.memory_space<semaphore_mem>>
      %dma_start3A_143 = arith.constant 0 : i32
      %dma_start3A_144 = tpu.memref_slice %arg13[%add3A_36, %dma_start3A_143] : memref<10240x64xf32, #tpu.memory_space<vmem_shared>> -> memref<64x64xf32, #tpu.memory_space<vmem_shared>>
      %dma_start3A_145 = arith.constant 0 : i32
      %dma_start3A_146 = tpu.memref_slice %arg13[%add3A_36, %dma_start3A_145] : memref<10240x64xf32, #tpu.memory_space<vmem_shared>> -> memref<64x64xf32, #tpu.memory_space<vmem_shared>>
      tpu.enqueue_dma source(%arg12 : memref<64x64xf32, #tpu.memory_space<vmem>>) target(%dma_start3A_146 : memref<64x64xf32, #tpu.memory_space<vmem_shared>>) target_semaphore(%run_scoped3A : memref<!tpu.dma_semaphore, #tpu.memory_space<semaphore_mem>>)
      %dma_wait3A_147 = arith.constant 0 : i32
      %dma_wait3A_148 = tpu.memref_slice %arg13[%add3A_36, %dma_wait3A_147] : memref<10240x64xf32, #tpu.memory_space<vmem_shared>> -> memref<64x64xf32, #tpu.memory_space<vmem_shared>>
      %dma_wait3A_149 = arith.constant 0 : i32
      %dma_wait3A_150 = tpu.memref_slice %arg13[%add3A_36, %dma_wait3A_149] : memref<10240x64xf32, #tpu.memory_space<vmem_shared>> -> memref<64x64xf32, #tpu.memory_space<vmem_shared>>
      tpu.wait_dma2 semaphore(%run_scoped3A : memref<!tpu.dma_semaphore, #tpu.memory_space<semaphore_mem>>) src(%arg12 : memref<64x64xf32, #tpu.memory_space<vmem>>) dst(%dma_wait3A_150 : memref<64x64xf32, #tpu.memory_space<vmem_shared>>)
      tpu.yield
    }) : () -> ()
    %mul3A_37 = arith.constant 640 : i32
    %mul3A_38 = arith.muli %arg1, %mul3A_37 : i32
    %add3A_39 = arith.constant 192 : i32
    %add3A_40 = arith.addi %mul3A_38, %add3A_39 : i32
    "tpu.region"() ({
      %run_scoped3A = tpu.sem_alloc : memref<!tpu.dma_semaphore, #tpu.memory_space<semaphore_mem>>
      %dma_start3A_143 = arith.constant 0 : i32
      %dma_start3A_144 = tpu.memref_slice %arg13[%add3A_40, %dma_start3A_143] : memref<10240x64xf32, #tpu.memory_space<vmem_shared>> -> memref<64x64xf32, #tpu.memory_space<vmem_shared>>
      %dma_start3A_145 = arith.constant 0 : i32
      %dma_start3A_146 = tpu.memref_slice %arg13[%add3A_40, %dma_start3A_145] : memref<10240x64xf32, #tpu.memory_space<vmem_shared>> -> memref<64x64xf32, #tpu.memory_space<vmem_shared>>
      tpu.enqueue_dma source(%arg12 : memref<64x64xf32, #tpu.memory_space<vmem>>) target(%dma_start3A_146 : memref<64x64xf32, #tpu.memory_space<vmem_shared>>) target_semaphore(%run_scoped3A : memref<!tpu.dma_semaphore, #tpu.memory_space<semaphore_mem>>)
      %dma_wait3A_147 = arith.constant 0 : i32
      %dma_wait3A_148 = tpu.memref_slice %arg13[%add3A_40, %dma_wait3A_147] : memref<10240x64xf32, #tpu.memory_space<vmem_shared>> -> memref<64x64xf32, #tpu.memory_space<vmem_shared>>
      %dma_wait3A_149 = arith.constant 0 : i32
      %dma_wait3A_150 = tpu.memref_slice %arg13[%add3A_40, %dma_wait3A_149] : memref<10240x64xf32, #tpu.memory_space<vmem_shared>> -> memref<64x64xf32, #tpu.memory_space<vmem_shared>>
      tpu.wait_dma2 semaphore(%run_scoped3A : memref<!tpu.dma_semaphore, #tpu.memory_space<semaphore_mem>>) src(%arg12 : memref<64x64xf32, #tpu.memory_space<vmem>>) dst(%dma_wait3A_150 : memref<64x64xf32, #tpu.memory_space<vmem_shared>>)
      tpu.yield
    }) : () -> ()
    %mul3A_41 = arith.constant 640 : i32
    %mul3A_42 = arith.muli %arg1, %mul3A_41 : i32
    %add3A_43 = arith.constant 256 : i32
    %add3A_44 = arith.addi %mul3A_42, %add3A_43 : i32
    "tpu.region"() ({
      %run_scoped3A = tpu.sem_alloc : memref<!tpu.dma_semaphore, #tpu.memory_space<semaphore_mem>>
      %dma_start3A_143 = arith.constant 0 : i32
      %dma_start3A_144 = tpu.memref_slice %arg13[%add3A_44, %dma_start3A_143] : memref<10240x64xf32, #tpu.memory_space<vmem_shared>> -> memref<64x64xf32, #tpu.memory_space<vmem_shared>>
      %dma_start3A_145 = arith.constant 0 : i32
      %dma_start3A_146 = tpu.memref_slice %arg13[%add3A_44, %dma_start3A_145] : memref<10240x64xf32, #tpu.memory_space<vmem_shared>> -> memref<64x64xf32, #tpu.memory_space<vmem_shared>>
      tpu.enqueue_dma source(%arg12 : memref<64x64xf32, #tpu.memory_space<vmem>>) target(%dma_start3A_146 : memref<64x64xf32, #tpu.memory_space<vmem_shared>>) target_semaphore(%run_scoped3A : memref<!tpu.dma_semaphore, #tpu.memory_space<semaphore_mem>>)
      %dma_wait3A_147 = arith.constant 0 : i32
      %dma_wait3A_148 = tpu.memref_slice %arg13[%add3A_44, %dma_wait3A_147] : memref<10240x64xf32, #tpu.memory_space<vmem_shared>> -> memref<64x64xf32, #tpu.memory_space<vmem_shared>>
      %dma_wait3A_149 = arith.constant 0 : i32
      %dma_wait3A_150 = tpu.memref_slice %arg13[%add3A_44, %dma_wait3A_149] : memref<10240x64xf32, #tpu.memory_space<vmem_shared>> -> memref<64x64xf32, #tpu.memory_space<vmem_shared>>
      tpu.wait_dma2 semaphore(%run_scoped3A : memref<!tpu.dma_semaphore, #tpu.memory_space<semaphore_mem>>) src(%arg12 : memref<64x64xf32, #tpu.memory_space<vmem>>) dst(%dma_wait3A_150 : memref<64x64xf32, #tpu.memory_space<vmem_shared>>)
      tpu.yield
    }) : () -> ()
    %mul3A_45 = arith.constant 640 : i32
    %mul3A_46 = arith.muli %arg1, %mul3A_45 : i32
    %add3A_47 = arith.constant 320 : i32
    %add3A_48 = arith.addi %mul3A_46, %add3A_47 : i32
    "tpu.region"() ({
      %run_scoped3A = tpu.sem_alloc : memref<!tpu.dma_semaphore, #tpu.memory_space<semaphore_mem>>
      %dma_start3A_143 = arith.constant 0 : i32
      %dma_start3A_144 = tpu.memref_slice %arg13[%add3A_48, %dma_start3A_143] : memref<10240x64xf32, #tpu.memory_space<vmem_shared>> -> memref<64x64xf32, #tpu.memory_space<vmem_shared>>
      %dma_start3A_145 = arith.constant 0 : i32
      %dma_start3A_146 = tpu.memref_slice %arg13[%add3A_48, %dma_start3A_145] : memref<10240x64xf32, #tpu.memory_space<vmem_shared>> -> memref<64x64xf32, #tpu.memory_space<vmem_shared>>
      tpu.enqueue_dma source(%arg12 : memref<64x64xf32, #tpu.memory_space<vmem>>) target(%dma_start3A_146 : memref<64x64xf32, #tpu.memory_space<vmem_shared>>) target_semaphore(%run_scoped3A : memref<!tpu.dma_semaphore, #tpu.memory_space<semaphore_mem>>)
      %dma_wait3A_147 = arith.constant 0 : i32
      %dma_wait3A_148 = tpu.memref_slice %arg13[%add3A_48, %dma_wait3A_147] : memref<10240x64xf32, #tpu.memory_space<vmem_shared>> -> memref<64x64xf32, #tpu.memory_space<vmem_shared>>
      %dma_wait3A_149 = arith.constant 0 : i32
      %dma_wait3A_150 = tpu.memref_slice %arg13[%add3A_48, %dma_wait3A_149] : memref<10240x64xf32, #tpu.memory_space<vmem_shared>> -> memref<64x64xf32, #tpu.memory_space<vmem_shared>>
      tpu.wait_dma2 semaphore(%run_scoped3A : memref<!tpu.dma_semaphore, #tpu.memory_space<semaphore_mem>>) src(%arg12 : memref<64x64xf32, #tpu.memory_space<vmem>>) dst(%dma_wait3A_150 : memref<64x64xf32, #tpu.memory_space<vmem_shared>>)
      tpu.yield
    }) : () -> ()
    %mul3A_49 = arith.constant 640 : i32
    %mul3A_50 = arith.muli %arg1, %mul3A_49 : i32
    %add3A_51 = arith.constant 384 : i32
    %add3A_52 = arith.addi %mul3A_50, %add3A_51 : i32
    "tpu.region"() ({
      %run_scoped3A = tpu.sem_alloc : memref<!tpu.dma_semaphore, #tpu.memory_space<semaphore_mem>>
      %dma_start3A_143 = arith.constant 0 : i32
      %dma_start3A_144 = tpu.memref_slice %arg13[%add3A_52, %dma_start3A_143] : memref<10240x64xf32, #tpu.memory_space<vmem_shared>> -> memref<64x64xf32, #tpu.memory_space<vmem_shared>>
      %dma_start3A_145 = arith.constant 0 : i32
      %dma_start3A_146 = tpu.memref_slice %arg13[%add3A_52, %dma_start3A_145] : memref<10240x64xf32, #tpu.memory_space<vmem_shared>> -> memref<64x64xf32, #tpu.memory_space<vmem_shared>>
      tpu.enqueue_dma source(%arg12 : memref<64x64xf32, #tpu.memory_space<vmem>>) target(%dma_start3A_146 : memref<64x64xf32, #tpu.memory_space<vmem_shared>>) target_semaphore(%run_scoped3A : memref<!tpu.dma_semaphore, #tpu.memory_space<semaphore_mem>>)
      %dma_wait3A_147 = arith.constant 0 : i32
      %dma_wait3A_148 = tpu.memref_slice %arg13[%add3A_52, %dma_wait3A_147] : memref<10240x64xf32, #tpu.memory_space<vmem_shared>> -> memref<64x64xf32, #tpu.memory_space<vmem_shared>>
      %dma_wait3A_149 = arith.constant 0 : i32
      %dma_wait3A_150 = tpu.memref_slice %arg13[%add3A_52, %dma_wait3A_149] : memref<10240x64xf32, #tpu.memory_space<vmem_shared>> -> memref<64x64xf32, #tpu.memory_space<vmem_shared>>
      tpu.wait_dma2 semaphore(%run_scoped3A : memref<!tpu.dma_semaphore, #tpu.memory_space<semaphore_mem>>) src(%arg12 : memref<64x64xf32, #tpu.memory_space<vmem>>) dst(%dma_wait3A_150 : memref<64x64xf32, #tpu.memory_space<vmem_shared>>)
      tpu.yield
    }) : () -> ()
    %mul3A_53 = arith.constant 640 : i32
    %mul3A_54 = arith.muli %arg1, %mul3A_53 : i32
    %add3A_55 = arith.constant 448 : i32
    %add3A_56 = arith.addi %mul3A_54, %add3A_55 : i32
    "tpu.region"() ({
      %run_scoped3A = tpu.sem_alloc : memref<!tpu.dma_semaphore, #tpu.memory_space<semaphore_mem>>
      %dma_start3A_143 = arith.constant 0 : i32
      %dma_start3A_144 = tpu.memref_slice %arg13[%add3A_56, %dma_start3A_143] : memref<10240x64xf32, #tpu.memory_space<vmem_shared>> -> memref<64x64xf32, #tpu.memory_space<vmem_shared>>
      %dma_start3A_145 = arith.constant 0 : i32
      %dma_start3A_146 = tpu.memref_slice %arg13[%add3A_56, %dma_start3A_145] : memref<10240x64xf32, #tpu.memory_space<vmem_shared>> -> memref<64x64xf32, #tpu.memory_space<vmem_shared>>
      tpu.enqueue_dma source(%arg12 : memref<64x64xf32, #tpu.memory_space<vmem>>) target(%dma_start3A_146 : memref<64x64xf32, #tpu.memory_space<vmem_shared>>) target_semaphore(%run_scoped3A : memref<!tpu.dma_semaphore, #tpu.memory_space<semaphore_mem>>)
      %dma_wait3A_147 = arith.constant 0 : i32
      %dma_wait3A_148 = tpu.memref_slice %arg13[%add3A_56, %dma_wait3A_147] : memref<10240x64xf32, #tpu.memory_space<vmem_shared>> -> memref<64x64xf32, #tpu.memory_space<vmem_shared>>
      %dma_wait3A_149 = arith.constant 0 : i32
      %dma_wait3A_150 = tpu.memref_slice %arg13[%add3A_56, %dma_wait3A_149] : memref<10240x64xf32, #tpu.memory_space<vmem_shared>> -> memref<64x64xf32, #tpu.memory_space<vmem_shared>>
      tpu.wait_dma2 semaphore(%run_scoped3A : memref<!tpu.dma_semaphore, #tpu.memory_space<semaphore_mem>>) src(%arg12 : memref<64x64xf32, #tpu.memory_space<vmem>>) dst(%dma_wait3A_150 : memref<64x64xf32, #tpu.memory_space<vmem_shared>>)
      tpu.yield
    }) : () -> ()
    %mul3A_57 = arith.constant 640 : i32
    %mul3A_58 = arith.muli %arg1, %mul3A_57 : i32
    %add3A_59 = arith.constant 512 : i32
    %add3A_60 = arith.addi %mul3A_58, %add3A_59 : i32
    "tpu.region"() ({
      %run_scoped3A = tpu.sem_alloc : memref<!tpu.dma_semaphore, #tpu.memory_space<semaphore_mem>>
      %dma_start3A_143 = arith.constant 0 : i32
      %dma_start3A_144 = tpu.memref_slice %arg13[%add3A_60, %dma_start3A_143] : memref<10240x64xf32, #tpu.memory_space<vmem_shared>> -> memref<64x64xf32, #tpu.memory_space<vmem_shared>>
      %dma_start3A_145 = arith.constant 0 : i32
      %dma_start3A_146 = tpu.memref_slice %arg13[%add3A_60, %dma_start3A_145] : memref<10240x64xf32, #tpu.memory_space<vmem_shared>> -> memref<64x64xf32, #tpu.memory_space<vmem_shared>>
      tpu.enqueue_dma source(%arg12 : memref<64x64xf32, #tpu.memory_space<vmem>>) target(%dma_start3A_146 : memref<64x64xf32, #tpu.memory_space<vmem_shared>>) target_semaphore(%run_scoped3A : memref<!tpu.dma_semaphore, #tpu.memory_space<semaphore_mem>>)
      %dma_wait3A_147 = arith.constant 0 : i32
      %dma_wait3A_148 = tpu.memref_slice %arg13[%add3A_60, %dma_wait3A_147] : memref<10240x64xf32, #tpu.memory_space<vmem_shared>> -> memref<64x64xf32, #tpu.memory_space<vmem_shared>>
      %dma_wait3A_149 = arith.constant 0 : i32
      %dma_wait3A_150 = tpu.memref_slice %arg13[%add3A_60, %dma_wait3A_149] : memref<10240x64xf32, #tpu.memory_space<vmem_shared>> -> memref<64x64xf32, #tpu.memory_space<vmem_shared>>
      tpu.wait_dma2 semaphore(%run_scoped3A : memref<!tpu.dma_semaphore, #tpu.memory_space<semaphore_mem>>) src(%arg12 : memref<64x64xf32, #tpu.memory_space<vmem>>) dst(%dma_wait3A_150 : memref<64x64xf32, #tpu.memory_space<vmem_shared>>)
      tpu.yield
    }) : () -> ()
    %mul3A_61 = arith.constant 640 : i32
    %mul3A_62 = arith.muli %arg1, %mul3A_61 : i32
    %add3A_63 = arith.constant 576 : i32
    %add3A_64 = arith.addi %mul3A_62, %add3A_63 : i32
    "tpu.region"() ({
      %run_scoped3A = tpu.sem_alloc : memref<!tpu.dma_semaphore, #tpu.memory_space<semaphore_mem>>
      %dma_start3A_143 = arith.constant 0 : i32
      %dma_start3A_144 = tpu.memref_slice %arg13[%add3A_64, %dma_start3A_143] : memref<10240x64xf32, #tpu.memory_space<vmem_shared>> -> memref<64x64xf32, #tpu.memory_space<vmem_shared>>
      %dma_start3A_145 = arith.constant 0 : i32
      %dma_start3A_146 = tpu.memref_slice %arg13[%add3A_64, %dma_start3A_145] : memref<10240x64xf32, #tpu.memory_space<vmem_shared>> -> memref<64x64xf32, #tpu.memory_space<vmem_shared>>
      tpu.enqueue_dma source(%arg12 : memref<64x64xf32, #tpu.memory_space<vmem>>) target(%dma_start3A_146 : memref<64x64xf32, #tpu.memory_space<vmem_shared>>) target_semaphore(%run_scoped3A : memref<!tpu.dma_semaphore, #tpu.memory_space<semaphore_mem>>)
      %dma_wait3A_147 = arith.constant 0 : i32
      %dma_wait3A_148 = tpu.memref_slice %arg13[%add3A_64, %dma_wait3A_147] : memref<10240x64xf32, #tpu.memory_space<vmem_shared>> -> memref<64x64xf32, #tpu.memory_space<vmem_shared>>
      %dma_wait3A_149 = arith.constant 0 : i32
      %dma_wait3A_150 = tpu.memref_slice %arg13[%add3A_64, %dma_wait3A_149] : memref<10240x64xf32, #tpu.memory_space<vmem_shared>> -> memref<64x64xf32, #tpu.memory_space<vmem_shared>>
      tpu.wait_dma2 semaphore(%run_scoped3A : memref<!tpu.dma_semaphore, #tpu.memory_space<semaphore_mem>>) src(%arg12 : memref<64x64xf32, #tpu.memory_space<vmem>>) dst(%dma_wait3A_150 : memref<64x64xf32, #tpu.memory_space<vmem_shared>>)
      tpu.yield
    }) : () -> ()
    %mul3A_65 = arith.constant 20000 : i32
    %mul3A_66 = arith.muli %arg1, %mul3A_65 : i32
    %dma_wait3A = arith.constant 0 : i32
    %dma_wait3A_67 = arith.constant 0 : i32
    %dma_wait3A_68 = tpu.memref_slice %arg3[%dma_wait3A, %dma_wait3A_67] : memref<2x320000xi32, #tpu.memory_space<hbm>> -> memref<1x320000xi32, #tpu.memory_space<hbm>>
    %dma_wait3A_69 = tpu.memref_squeeze %dma_wait3A_68 : memref<1x320000xi32, #tpu.memory_space<hbm>> -> memref<320000xi32, #tpu.memory_space<hbm>>
    %dma_wait3A_70 = tpu.memref_slice %dma_wait3A_69[%mul3A_66] : memref<320000xi32, #tpu.memory_space<hbm>> -> memref<20000xi32, #tpu.memory_space<hbm>>
    %dma_wait3A_71 = arith.constant 0 : i32
    %dma_wait3A_72 = tpu.memref_slice %arg3[%dma_wait3A, %dma_wait3A_71] : memref<2x320000xi32, #tpu.memory_space<hbm>> -> memref<1x320000xi32, #tpu.memory_space<hbm>>
    %dma_wait3A_73 = tpu.memref_squeeze %dma_wait3A_72 : memref<1x320000xi32, #tpu.memory_space<hbm>> -> memref<320000xi32, #tpu.memory_space<hbm>>
    %dma_wait3A_74 = tpu.memref_slice %dma_wait3A_73[%mul3A_66] : memref<320000xi32, #tpu.memory_space<hbm>> -> memref<20000xi32, #tpu.memory_space<hbm>>
    tpu.wait_dma2 semaphore(%arg19 : memref<!tpu.dma_semaphore, #tpu.memory_space<semaphore_mem>>) src(%dma_wait3A_74 : memref<20000xi32, #tpu.memory_space<hbm>>) dst(%arg5 : memref<20000xi32, #tpu.memory_space<vmem>>)
    %mul3A_75 = arith.constant 20000 : i32
    %mul3A_76 = arith.muli %arg1, %mul3A_75 : i32
    %dma_wait3A_77 = arith.constant 1 : i32
    %dma_wait3A_78 = arith.constant 0 : i32
    %dma_wait3A_79 = tpu.memref_slice %arg3[%dma_wait3A_77, %dma_wait3A_78] : memref<2x320000xi32, #tpu.memory_space<hbm>> -> memref<1x320000xi32, #tpu.memory_space<hbm>>
    %dma_wait3A_80 = tpu.memref_squeeze %dma_wait3A_79 : memref<1x320000xi32, #tpu.memory_space<hbm>> -> memref<320000xi32, #tpu.memory_space<hbm>>
    %dma_wait3A_81 = tpu.memref_slice %dma_wait3A_80[%mul3A_76] : memref<320000xi32, #tpu.memory_space<hbm>> -> memref<20000xi32, #tpu.memory_space<hbm>>
    %dma_wait3A_82 = arith.constant 0 : i32
    %dma_wait3A_83 = tpu.memref_slice %arg3[%dma_wait3A_77, %dma_wait3A_82] : memref<2x320000xi32, #tpu.memory_space<hbm>> -> memref<1x320000xi32, #tpu.memory_space<hbm>>
    %dma_wait3A_84 = tpu.memref_squeeze %dma_wait3A_83 : memref<1x320000xi32, #tpu.memory_space<hbm>> -> memref<320000xi32, #tpu.memory_space<hbm>>
    %dma_wait3A_85 = tpu.memref_slice %dma_wait3A_84[%mul3A_76] : memref<320000xi32, #tpu.memory_space<hbm>> -> memref<20000xi32, #tpu.memory_space<hbm>>
    tpu.wait_dma2 semaphore(%arg20 : memref<!tpu.dma_semaphore, #tpu.memory_space<semaphore_mem>>) src(%dma_wait3A_85 : memref<20000xi32, #tpu.memory_space<hbm>>) dst(%arg6 : memref<20000xi32, #tpu.memory_space<vmem>>)
    %barrier3A = arith.constant 0 : index
    tpu.barrier barrier_id(%barrier3A)
    %dma_start3A_86 = arith.constant 0 : i32
    %dma_start3A_87 = tpu.memref_slice %arg5[%dma_start3A_86] : memref<20000xi32, #tpu.memory_space<vmem>> -> memref<80xi32, #tpu.memory_space<vmem>>
    %dma_start3A_88 = arith.constant 0 : i32
    %dma_start3A_89 = arith.constant 0 : i32
    %dma_start3A_90 = tpu.memref_slice %arg2[%arg0, %dma_start3A_88, %dma_start3A_89] : memref<2x10240x64xf32, #tpu.memory_space<hbm>> -> memref<1x10240x64xf32, #tpu.memory_space<hbm>>
    %dma_start3A_91 = tpu.memref_squeeze %dma_start3A_90 : memref<1x10240x64xf32, #tpu.memory_space<hbm>> -> memref<10240x64xf32, #tpu.memory_space<hbm>>
    %dma_start3A_92 = arith.constant 0 : i32
    %dma_start3A_93 = arith.constant 0 : i32
    %dma_start3A_94 = tpu.memref_slice %dma_start3A_91[%dma_start3A_92, %dma_start3A_93] : memref<10240x64xf32, #tpu.memory_space<hbm>> -> memref<10240x64xf32, #tpu.memory_space<hbm>>
    tpu.enqueue_indirect_dma source(%dma_start3A_94 : memref<10240x64xf32, #tpu.memory_space<hbm>>) target(%arg7 : memref<80x64xf32, #tpu.memory_space<vmem>>) offsets(%dma_start3A_87 : memref<80xi32, #tpu.memory_space<vmem>>) semaphore(%arg14 : memref<!tpu.dma_semaphore, #tpu.memory_space<semaphore_mem>>)
    %dma_start3A_95 = arith.constant 80 : i32
    %dma_start3A_96 = tpu.memref_slice %arg5[%dma_start3A_95] : memref<20000xi32, #tpu.memory_space<vmem>> -> memref<80xi32, #tpu.memory_space<vmem>>
    %dma_start3A_97 = arith.constant 0 : i32
    %dma_start3A_98 = arith.constant 0 : i32
    %dma_start3A_99 = tpu.memref_slice %arg2[%arg0, %dma_start3A_97, %dma_start3A_98] : memref<2x10240x64xf32, #tpu.memory_space<hbm>> -> memref<1x10240x64xf32, #tpu.memory_space<hbm>>
    %dma_start3A_100 = tpu.memref_squeeze %dma_start3A_99 : memref<1x10240x64xf32, #tpu.memory_space<hbm>> -> memref<10240x64xf32, #tpu.memory_space<hbm>>
    %dma_start3A_101 = arith.constant 0 : i32
    %dma_start3A_102 = arith.constant 0 : i32
    %dma_start3A_103 = tpu.memref_slice %dma_start3A_100[%dma_start3A_101, %dma_start3A_102] : memref<10240x64xf32, #tpu.memory_space<hbm>> -> memref<10240x64xf32, #tpu.memory_space<hbm>>
    tpu.enqueue_indirect_dma source(%dma_start3A_103 : memref<10240x64xf32, #tpu.memory_space<hbm>>) target(%arg8 : memref<80x64xf32, #tpu.memory_space<vmem>>) offsets(%dma_start3A_96 : memref<80xi32, #tpu.memory_space<vmem>>) semaphore(%arg15 : memref<!tpu.dma_semaphore, #tpu.memory_space<semaphore_mem>>)
    %dma_start3A_104 = arith.constant 160 : i32
    %dma_start3A_105 = tpu.memref_slice %arg5[%dma_start3A_104] : memref<20000xi32, #tpu.memory_space<vmem>> -> memref<80xi32, #tpu.memory_space<vmem>>
    %dma_start3A_106 = arith.constant 0 : i32
    %dma_start3A_107 = arith.constant 0 : i32
    %dma_start3A_108 = tpu.memref_slice %arg2[%arg0, %dma_start3A_106, %dma_start3A_107] : memref<2x10240x64xf32, #tpu.memory_space<hbm>> -> memref<1x10240x64xf32, #tpu.memory_space<hbm>>
    %dma_start3A_109 = tpu.memref_squeeze %dma_start3A_108 : memref<1x10240x64xf32, #tpu.memory_space<hbm>> -> memref<10240x64xf32, #tpu.memory_space<hbm>>
    %dma_start3A_110 = arith.constant 0 : i32
    %dma_start3A_111 = arith.constant 0 : i32
    %dma_start3A_112 = tpu.memref_slice %dma_start3A_109[%dma_start3A_110, %dma_start3A_111] : memref<10240x64xf32, #tpu.memory_space<hbm>> -> memref<10240x64xf32, #tpu.memory_space<hbm>>
    tpu.enqueue_indirect_dma source(%dma_start3A_112 : memref<10240x64xf32, #tpu.memory_space<hbm>>) target(%arg9 : memref<80x64xf32, #tpu.memory_space<vmem>>) offsets(%dma_start3A_105 : memref<80xi32, #tpu.memory_space<vmem>>) semaphore(%arg16 : memref<!tpu.dma_semaphore, #tpu.memory_space<semaphore_mem>>)
    %dma_start3A_113 = arith.constant 240 : i32
    %dma_start3A_114 = tpu.memref_slice %arg5[%dma_start3A_113] : memref<20000xi32, #tpu.memory_space<vmem>> -> memref<80xi32, #tpu.memory_space<vmem>>
    %dma_start3A_115 = arith.constant 0 : i32
    %dma_start3A_116 = arith.constant 0 : i32
    %dma_start3A_117 = tpu.memref_slice %arg2[%arg0, %dma_start3A_115, %dma_start3A_116] : memref<2x10240x64xf32, #tpu.memory_space<hbm>> -> memref<1x10240x64xf32, #tpu.memory_space<hbm>>
    %dma_start3A_118 = tpu.memref_squeeze %dma_start3A_117 : memref<1x10240x64xf32, #tpu.memory_space<hbm>> -> memref<10240x64xf32, #tpu.memory_space<hbm>>
    %dma_start3A_119 = arith.constant 0 : i32
    %dma_start3A_120 = arith.constant 0 : i32
    %dma_start3A_121 = tpu.memref_slice %dma_start3A_118[%dma_start3A_119, %dma_start3A_120] : memref<10240x64xf32, #tpu.memory_space<hbm>> -> memref<10240x64xf32, #tpu.memory_space<hbm>>
    tpu.enqueue_indirect_dma source(%dma_start3A_121 : memref<10240x64xf32, #tpu.memory_space<hbm>>) target(%arg10 : memref<80x64xf32, #tpu.memory_space<vmem>>) offsets(%dma_start3A_114 : memref<80xi32, #tpu.memory_space<vmem>>) semaphore(%arg17 : memref<!tpu.dma_semaphore, #tpu.memory_space<semaphore_mem>>)
    %dma_start3A_122 = arith.constant 320 : i32
    %dma_start3A_123 = tpu.memref_slice %arg5[%dma_start3A_122] : memref<20000xi32, #tpu.memory_space<vmem>> -> memref<80xi32, #tpu.memory_space<vmem>>
    %dma_start3A_124 = arith.constant 0 : i32
    %dma_start3A_125 = arith.constant 0 : i32
    %dma_start3A_126 = tpu.memref_slice %arg2[%arg0, %dma_start3A_124, %dma_start3A_125] : memref<2x10240x64xf32, #tpu.memory_space<hbm>> -> memref<1x10240x64xf32, #tpu.memory_space<hbm>>
    %dma_start3A_127 = tpu.memref_squeeze %dma_start3A_126 : memref<1x10240x64xf32, #tpu.memory_space<hbm>> -> memref<10240x64xf32, #tpu.memory_space<hbm>>
    %dma_start3A_128 = arith.constant 0 : i32
    %dma_start3A_129 = arith.constant 0 : i32
    %dma_start3A_130 = tpu.memref_slice %dma_start3A_127[%dma_start3A_128, %dma_start3A_129] : memref<10240x64xf32, #tpu.memory_space<hbm>> -> memref<10240x64xf32, #tpu.memory_space<hbm>>
    tpu.enqueue_indirect_dma source(%dma_start3A_130 : memref<10240x64xf32, #tpu.memory_space<hbm>>) target(%arg11 : memref<80x64xf32, #tpu.memory_space<vmem>>) offsets(%dma_start3A_123 : memref<80xi32, #tpu.memory_space<vmem>>) semaphore(%arg18 : memref<!tpu.dma_semaphore, #tpu.memory_space<semaphore_mem>>)
    %scan3A_131 = arith.constant 0 : i32
    %scan3A_132 = arith.constant 0 : i32
    %scan3A_133 = arith.constant 50 : i32
    %scan3A_134 = arith.addi %scan3A_132, %scan3A_133 : i32
    %scan3A_135 = arith.constant 1 : i32
    %scan3A_136 = scf.for %scan3A_143 = %scan3A_132 to %scan3A_134 step %scan3A_135 iter_args(%scan3A_144 = %scan3A_131) -> (i32)  : i32 {
      %mul3A_145 = arith.constant 5 : i32
      %mul3A_146 = arith.muli %mul3A_145, %scan3A_143 : i32
      %add3A_147 = arith.constant 0 : i32
      %add3A_148 = arith.addi %mul3A_146, %add3A_147 : i32
      %mul3A_149 = arith.constant 80 : i32
      %mul3A_150 = arith.muli %add3A_148, %mul3A_149 : i32
      %dma_wait3A_151 = tpu.memref_slice %arg5[%mul3A_150] : memref<20000xi32, #tpu.memory_space<vmem>> -> memref<80xi32, #tpu.memory_space<vmem>>
      %dma_wait3A_152 = arith.constant 0 : i32
      %dma_wait3A_153 = arith.constant 0 : i32
      %dma_wait3A_154 = tpu.memref_slice %arg2[%arg0, %dma_wait3A_152, %dma_wait3A_153] : memref<2x10240x64xf32, #tpu.memory_space<hbm>> -> memref<1x10240x64xf32, #tpu.memory_space<hbm>>
      %dma_wait3A_155 = tpu.memref_squeeze %dma_wait3A_154 : memref<1x10240x64xf32, #tpu.memory_space<hbm>> -> memref<10240x64xf32, #tpu.memory_space<hbm>>
      %dma_wait3A_156 = arith.constant 0 : i32
      %dma_wait3A_157 = arith.constant 0 : i32
      %dma_wait3A_158 = tpu.memref_slice %dma_wait3A_155[%dma_wait3A_156, %dma_wait3A_157] : memref<10240x64xf32, #tpu.memory_space<hbm>> -> memref<10240x64xf32, #tpu.memory_space<hbm>>
      tpu.wait_indirect_dma semaphore(%arg14 : memref<!tpu.dma_semaphore, #tpu.memory_space<semaphore_mem>>) src(%dma_wait3A_158 : memref<10240x64xf32, #tpu.memory_space<hbm>>) dst(%arg7 : memref<80x64xf32, #tpu.memory_space<vmem>>)
      %mul3A_159 = arith.constant 80 : i32
      %mul3A_160 = arith.muli %add3A_148, %mul3A_159 : i32
      "tpu.region"() ({
        %run_scoped3A = tpu.sem_alloc : memref<!tpu.dma_semaphore, #tpu.memory_space<semaphore_mem>>
        %dma_start3A_250 = tpu.memref_slice %arg6[%mul3A_160] : memref<20000xi32, #tpu.memory_space<vmem>> -> memref<80xi32, #tpu.memory_space<vmem>>
        %dma_start3A_251 = arith.constant 0 : i32
        %dma_start3A_252 = arith.constant 0 : i32
        %dma_start3A_253 = tpu.memref_slice %arg13[%dma_start3A_251, %dma_start3A_252] : memref<10240x64xf32, #tpu.memory_space<vmem_shared>> -> memref<10240x64xf32, #tpu.memory_space<vmem_shared>>
        tpu.enqueue_indirect_dma source(%arg7 : memref<80x64xf32, #tpu.memory_space<vmem>>) target(%dma_start3A_253 : memref<10240x64xf32, #tpu.memory_space<vmem_shared>>) offsets(%dma_start3A_250 : memref<80xi32, #tpu.memory_space<vmem>>) semaphore(%run_scoped3A : memref<!tpu.dma_semaphore, #tpu.memory_space<semaphore_mem>>) {add = true}
        %dma_wait3A_254 = tpu.memref_slice %arg6[%mul3A_160] : memref<20000xi32, #tpu.memory_space<vmem>> -> memref<80xi32, #tpu.memory_space<vmem>>
        %dma_wait3A_255 = arith.constant 0 : i32
        %dma_wait3A_256 = arith.constant 0 : i32
        %dma_wait3A_257 = tpu.memref_slice %arg13[%dma_wait3A_255, %dma_wait3A_256] : memref<10240x64xf32, #tpu.memory_space<vmem_shared>> -> memref<10240x64xf32, #tpu.memory_space<vmem_shared>>
        tpu.wait_indirect_dma semaphore(%run_scoped3A : memref<!tpu.dma_semaphore, #tpu.memory_space<semaphore_mem>>) src(%arg7 : memref<80x64xf32, #tpu.memory_space<vmem>>) dst(%dma_wait3A_257 : memref<10240x64xf32, #tpu.memory_space<vmem_shared>>)
        tpu.yield
      }) : () -> ()
      %add3A_161 = arith.constant 5 : i32
      %add3A_162 = arith.addi %add3A_148, %add3A_161 : i32
      %lt3A = arith.constant 250 : i32
      %lt3A_163 = arith.cmpi slt, %add3A_162, %lt3A : i32
      %convert_element_type3A = arith.extui %lt3A_163 : i1 to i32
      %cond3A = arith.constant 0 : i32
      %cond3A_164 = arith.cmpi ne, %convert_element_type3A, %cond3A : i32
      scf.if %cond3A_164 {
        %add3A_250 = arith.constant 5 : i32
        %add3A_251 = arith.addi %add3A_148, %add3A_250 : i32
        %mul3A_252 = arith.constant 80 : i32
        %mul3A_253 = arith.muli %add3A_251, %mul3A_252 : i32
        %dma_start3A_254 = tpu.memref_slice %arg5[%mul3A_253] : memref<20000xi32, #tpu.memory_space<vmem>> -> memref<80xi32, #tpu.memory_space<vmem>>
        %dma_start3A_255 = arith.constant 0 : i32
        %dma_start3A_256 = arith.constant 0 : i32
        %dma_start3A_257 = tpu.memref_slice %arg2[%arg0, %dma_start3A_255, %dma_start3A_256] : memref<2x10240x64xf32, #tpu.memory_space<hbm>> -> memref<1x10240x64xf32, #tpu.memory_space<hbm>>
        %dma_start3A_258 = tpu.memref_squeeze %dma_start3A_257 : memref<1x10240x64xf32, #tpu.memory_space<hbm>> -> memref<10240x64xf32, #tpu.memory_space<hbm>>
        %dma_start3A_259 = arith.constant 0 : i32
        %dma_start3A_260 = arith.constant 0 : i32
        %dma_start3A_261 = tpu.memref_slice %dma_start3A_258[%dma_start3A_259, %dma_start3A_260] : memref<10240x64xf32, #tpu.memory_space<hbm>> -> memref<10240x64xf32, #tpu.memory_space<hbm>>
        tpu.enqueue_indirect_dma source(%dma_start3A_261 : memref<10240x64xf32, #tpu.memory_space<hbm>>) target(%arg7 : memref<80x64xf32, #tpu.memory_space<vmem>>) offsets(%dma_start3A_254 : memref<80xi32, #tpu.memory_space<vmem>>) semaphore(%arg14 : memref<!tpu.dma_semaphore, #tpu.memory_space<semaphore_mem>>)
      } else {
      }
      %add3A_165 = arith.constant 1 : i32
      %add3A_166 = arith.addi %mul3A_146, %add3A_165 : i32
      %mul3A_167 = arith.constant 80 : i32
      %mul3A_168 = arith.muli %add3A_166, %mul3A_167 : i32
      %dma_wait3A_169 = tpu.memref_slice %arg5[%mul3A_168] : memref<20000xi32, #tpu.memory_space<vmem>> -> memref<80xi32, #tpu.memory_space<vmem>>
      %dma_wait3A_170 = arith.constant 0 : i32
      %dma_wait3A_171 = arith.constant 0 : i32
      %dma_wait3A_172 = tpu.memref_slice %arg2[%arg0, %dma_wait3A_170, %dma_wait3A_171] : memref<2x10240x64xf32, #tpu.memory_space<hbm>> -> memref<1x10240x64xf32, #tpu.memory_space<hbm>>
      %dma_wait3A_173 = tpu.memref_squeeze %dma_wait3A_172 : memref<1x10240x64xf32, #tpu.memory_space<hbm>> -> memref<10240x64xf32, #tpu.memory_space<hbm>>
      %dma_wait3A_174 = arith.constant 0 : i32
      %dma_wait3A_175 = arith.constant 0 : i32
      %dma_wait3A_176 = tpu.memref_slice %dma_wait3A_173[%dma_wait3A_174, %dma_wait3A_175] : memref<10240x64xf32, #tpu.memory_space<hbm>> -> memref<10240x64xf32, #tpu.memory_space<hbm>>
      tpu.wait_indirect_dma semaphore(%arg15 : memref<!tpu.dma_semaphore, #tpu.memory_space<semaphore_mem>>) src(%dma_wait3A_176 : memref<10240x64xf32, #tpu.memory_space<hbm>>) dst(%arg8 : memref<80x64xf32, #tpu.memory_space<vmem>>)
      %mul3A_177 = arith.constant 80 : i32
      %mul3A_178 = arith.muli %add3A_166, %mul3A_177 : i32
      "tpu.region"() ({
        %run_scoped3A = tpu.sem_alloc : memref<!tpu.dma_semaphore, #tpu.memory_space<semaphore_mem>>
        %dma_start3A_250 = tpu.memref_slice %arg6[%mul3A_178] : memref<20000xi32, #tpu.memory_space<vmem>> -> memref<80xi32, #tpu.memory_space<vmem>>
        %dma_start3A_251 = arith.constant 0 : i32
        %dma_start3A_252 = arith.constant 0 : i32
        %dma_start3A_253 = tpu.memref_slice %arg13[%dma_start3A_251, %dma_start3A_252] : memref<10240x64xf32, #tpu.memory_space<vmem_shared>> -> memref<10240x64xf32, #tpu.memory_space<vmem_shared>>
        tpu.enqueue_indirect_dma source(%arg8 : memref<80x64xf32, #tpu.memory_space<vmem>>) target(%dma_start3A_253 : memref<10240x64xf32, #tpu.memory_space<vmem_shared>>) offsets(%dma_start3A_250 : memref<80xi32, #tpu.memory_space<vmem>>) semaphore(%run_scoped3A : memref<!tpu.dma_semaphore, #tpu.memory_space<semaphore_mem>>) {add = true}
        %dma_wait3A_254 = tpu.memref_slice %arg6[%mul3A_178] : memref<20000xi32, #tpu.memory_space<vmem>> -> memref<80xi32, #tpu.memory_space<vmem>>
        %dma_wait3A_255 = arith.constant 0 : i32
        %dma_wait3A_256 = arith.constant 0 : i32
        %dma_wait3A_257 = tpu.memref_slice %arg13[%dma_wait3A_255, %dma_wait3A_256] : memref<10240x64xf32, #tpu.memory_space<vmem_shared>> -> memref<10240x64xf32, #tpu.memory_space<vmem_shared>>
        tpu.wait_indirect_dma semaphore(%run_scoped3A : memref<!tpu.dma_semaphore, #tpu.memory_space<semaphore_mem>>) src(%arg8 : memref<80x64xf32, #tpu.memory_space<vmem>>) dst(%dma_wait3A_257 : memref<10240x64xf32, #tpu.memory_space<vmem_shared>>)
        tpu.yield
      }) : () -> ()
      %add3A_179 = arith.constant 5 : i32
      %add3A_180 = arith.addi %add3A_166, %add3A_179 : i32
      %lt3A_181 = arith.constant 250 : i32
      %lt3A_182 = arith.cmpi slt, %add3A_180, %lt3A_181 : i32
      %convert_element_type3A_183 = arith.extui %lt3A_182 : i1 to i32
      %cond3A_184 = arith.constant 0 : i32
      %cond3A_185 = arith.cmpi ne, %convert_element_type3A_183, %cond3A_184 : i32
      scf.if %cond3A_185 {
        %add3A_250 = arith.constant 5 : i32
        %add3A_251 = arith.addi %add3A_166, %add3A_250 : i32
        %mul3A_252 = arith.constant 80 : i32
        %mul3A_253 = arith.muli %add3A_251, %mul3A_252 : i32
        %dma_start3A_254 = tpu.memref_slice %arg5[%mul3A_253] : memref<20000xi32, #tpu.memory_space<vmem>> -> memref<80xi32, #tpu.memory_space<vmem>>
        %dma_start3A_255 = arith.constant 0 : i32
        %dma_start3A_256 = arith.constant 0 : i32
        %dma_start3A_257 = tpu.memref_slice %arg2[%arg0, %dma_start3A_255, %dma_start3A_256] : memref<2x10240x64xf32, #tpu.memory_space<hbm>> -> memref<1x10240x64xf32, #tpu.memory_space<hbm>>
        %dma_start3A_258 = tpu.memref_squeeze %dma_start3A_257 : memref<1x10240x64xf32, #tpu.memory_space<hbm>> -> memref<10240x64xf32, #tpu.memory_space<hbm>>
        %dma_start3A_259 = arith.constant 0 : i32
        %dma_start3A_260 = arith.constant 0 : i32
        %dma_start3A_261 = tpu.memref_slice %dma_start3A_258[%dma_start3A_259, %dma_start3A_260] : memref<10240x64xf32, #tpu.memory_space<hbm>> -> memref<10240x64xf32, #tpu.memory_space<hbm>>
        tpu.enqueue_indirect_dma source(%dma_start3A_261 : memref<10240x64xf32, #tpu.memory_space<hbm>>) target(%arg8 : memref<80x64xf32, #tpu.memory_space<vmem>>) offsets(%dma_start3A_254 : memref<80xi32, #tpu.memory_space<vmem>>) semaphore(%arg15 : memref<!tpu.dma_semaphore, #tpu.memory_space<semaphore_mem>>)
      } else {
      }
      %add3A_186 = arith.constant 2 : i32
      %add3A_187 = arith.addi %mul3A_146, %add3A_186 : i32
      %mul3A_188 = arith.constant 80 : i32
      %mul3A_189 = arith.muli %add3A_187, %mul3A_188 : i32
      %dma_wait3A_190 = tpu.memref_slice %arg5[%mul3A_189] : memref<20000xi32, #tpu.memory_space<vmem>> -> memref<80xi32, #tpu.memory_space<vmem>>
      %dma_wait3A_191 = arith.constant 0 : i32
      %dma_wait3A_192 = arith.constant 0 : i32
      %dma_wait3A_193 = tpu.memref_slice %arg2[%arg0, %dma_wait3A_191, %dma_wait3A_192] : memref<2x10240x64xf32, #tpu.memory_space<hbm>> -> memref<1x10240x64xf32, #tpu.memory_space<hbm>>
      %dma_wait3A_194 = tpu.memref_squeeze %dma_wait3A_193 : memref<1x10240x64xf32, #tpu.memory_space<hbm>> -> memref<10240x64xf32, #tpu.memory_space<hbm>>
      %dma_wait3A_195 = arith.constant 0 : i32
      %dma_wait3A_196 = arith.constant 0 : i32
      %dma_wait3A_197 = tpu.memref_slice %dma_wait3A_194[%dma_wait3A_195, %dma_wait3A_196] : memref<10240x64xf32, #tpu.memory_space<hbm>> -> memref<10240x64xf32, #tpu.memory_space<hbm>>
      tpu.wait_indirect_dma semaphore(%arg16 : memref<!tpu.dma_semaphore, #tpu.memory_space<semaphore_mem>>) src(%dma_wait3A_197 : memref<10240x64xf32, #tpu.memory_space<hbm>>) dst(%arg9 : memref<80x64xf32, #tpu.memory_space<vmem>>)
      %mul3A_198 = arith.constant 80 : i32
      %mul3A_199 = arith.muli %add3A_187, %mul3A_198 : i32
      "tpu.region"() ({
        %run_scoped3A = tpu.sem_alloc : memref<!tpu.dma_semaphore, #tpu.memory_space<semaphore_mem>>
        %dma_start3A_250 = tpu.memref_slice %arg6[%mul3A_199] : memref<20000xi32, #tpu.memory_space<vmem>> -> memref<80xi32, #tpu.memory_space<vmem>>
        %dma_start3A_251 = arith.constant 0 : i32
        %dma_start3A_252 = arith.constant 0 : i32
        %dma_start3A_253 = tpu.memref_slice %arg13[%dma_start3A_251, %dma_start3A_252] : memref<10240x64xf32, #tpu.memory_space<vmem_shared>> -> memref<10240x64xf32, #tpu.memory_space<vmem_shared>>
        tpu.enqueue_indirect_dma source(%arg9 : memref<80x64xf32, #tpu.memory_space<vmem>>) target(%dma_start3A_253 : memref<10240x64xf32, #tpu.memory_space<vmem_shared>>) offsets(%dma_start3A_250 : memref<80xi32, #tpu.memory_space<vmem>>) semaphore(%run_scoped3A : memref<!tpu.dma_semaphore, #tpu.memory_space<semaphore_mem>>) {add = true}
        %dma_wait3A_254 = tpu.memref_slice %arg6[%mul3A_199] : memref<20000xi32, #tpu.memory_space<vmem>> -> memref<80xi32, #tpu.memory_space<vmem>>
        %dma_wait3A_255 = arith.constant 0 : i32
        %dma_wait3A_256 = arith.constant 0 : i32
        %dma_wait3A_257 = tpu.memref_slice %arg13[%dma_wait3A_255, %dma_wait3A_256] : memref<10240x64xf32, #tpu.memory_space<vmem_shared>> -> memref<10240x64xf32, #tpu.memory_space<vmem_shared>>
        tpu.wait_indirect_dma semaphore(%run_scoped3A : memref<!tpu.dma_semaphore, #tpu.memory_space<semaphore_mem>>) src(%arg9 : memref<80x64xf32, #tpu.memory_space<vmem>>) dst(%dma_wait3A_257 : memref<10240x64xf32, #tpu.memory_space<vmem_shared>>)
        tpu.yield
      }) : () -> ()
      %add3A_200 = arith.constant 5 : i32
      %add3A_201 = arith.addi %add3A_187, %add3A_200 : i32
      %lt3A_202 = arith.constant 250 : i32
      %lt3A_203 = arith.cmpi slt, %add3A_201, %lt3A_202 : i32
      %convert_element_type3A_204 = arith.extui %lt3A_203 : i1 to i32
      %cond3A_205 = arith.constant 0 : i32
      %cond3A_206 = arith.cmpi ne, %convert_element_type3A_204, %cond3A_205 : i32
      scf.if %cond3A_206 {
        %add3A_250 = arith.constant 5 : i32
        %add3A_251 = arith.addi %add3A_187, %add3A_250 : i32
        %mul3A_252 = arith.constant 80 : i32
        %mul3A_253 = arith.muli %add3A_251, %mul3A_252 : i32
        %dma_start3A_254 = tpu.memref_slice %arg5[%mul3A_253] : memref<20000xi32, #tpu.memory_space<vmem>> -> memref<80xi32, #tpu.memory_space<vmem>>
        %dma_start3A_255 = arith.constant 0 : i32
        %dma_start3A_256 = arith.constant 0 : i32
        %dma_start3A_257 = tpu.memref_slice %arg2[%arg0, %dma_start3A_255, %dma_start3A_256] : memref<2x10240x64xf32, #tpu.memory_space<hbm>> -> memref<1x10240x64xf32, #tpu.memory_space<hbm>>
        %dma_start3A_258 = tpu.memref_squeeze %dma_start3A_257 : memref<1x10240x64xf32, #tpu.memory_space<hbm>> -> memref<10240x64xf32, #tpu.memory_space<hbm>>
        %dma_start3A_259 = arith.constant 0 : i32
        %dma_start3A_260 = arith.constant 0 : i32
        %dma_start3A_261 = tpu.memref_slice %dma_start3A_258[%dma_start3A_259, %dma_start3A_260] : memref<10240x64xf32, #tpu.memory_space<hbm>> -> memref<10240x64xf32, #tpu.memory_space<hbm>>
        tpu.enqueue_indirect_dma source(%dma_start3A_261 : memref<10240x64xf32, #tpu.memory_space<hbm>>) target(%arg9 : memref<80x64xf32, #tpu.memory_space<vmem>>) offsets(%dma_start3A_254 : memref<80xi32, #tpu.memory_space<vmem>>) semaphore(%arg16 : memref<!tpu.dma_semaphore, #tpu.memory_space<semaphore_mem>>)
      } else {
      }
      %add3A_207 = arith.constant 3 : i32
      %add3A_208 = arith.addi %mul3A_146, %add3A_207 : i32
      %mul3A_209 = arith.constant 80 : i32
      %mul3A_210 = arith.muli %add3A_208, %mul3A_209 : i32
      %dma_wait3A_211 = tpu.memref_slice %arg5[%mul3A_210] : memref<20000xi32, #tpu.memory_space<vmem>> -> memref<80xi32, #tpu.memory_space<vmem>>
      %dma_wait3A_212 = arith.constant 0 : i32
      %dma_wait3A_213 = arith.constant 0 : i32
      %dma_wait3A_214 = tpu.memref_slice %arg2[%arg0, %dma_wait3A_212, %dma_wait3A_213] : memref<2x10240x64xf32, #tpu.memory_space<hbm>> -> memref<1x10240x64xf32, #tpu.memory_space<hbm>>
      %dma_wait3A_215 = tpu.memref_squeeze %dma_wait3A_214 : memref<1x10240x64xf32, #tpu.memory_space<hbm>> -> memref<10240x64xf32, #tpu.memory_space<hbm>>
      %dma_wait3A_216 = arith.constant 0 : i32
      %dma_wait3A_217 = arith.constant 0 : i32
      %dma_wait3A_218 = tpu.memref_slice %dma_wait3A_215[%dma_wait3A_216, %dma_wait3A_217] : memref<10240x64xf32, #tpu.memory_space<hbm>> -> memref<10240x64xf32, #tpu.memory_space<hbm>>
      tpu.wait_indirect_dma semaphore(%arg17 : memref<!tpu.dma_semaphore, #tpu.memory_space<semaphore_mem>>) src(%dma_wait3A_218 : memref<10240x64xf32, #tpu.memory_space<hbm>>) dst(%arg10 : memref<80x64xf32, #tpu.memory_space<vmem>>)
      %mul3A_219 = arith.constant 80 : i32
      %mul3A_220 = arith.muli %add3A_208, %mul3A_219 : i32
      "tpu.region"() ({
        %run_scoped3A = tpu.sem_alloc : memref<!tpu.dma_semaphore, #tpu.memory_space<semaphore_mem>>
        %dma_start3A_250 = tpu.memref_slice %arg6[%mul3A_220] : memref<20000xi32, #tpu.memory_space<vmem>> -> memref<80xi32, #tpu.memory_space<vmem>>
        %dma_start3A_251 = arith.constant 0 : i32
        %dma_start3A_252 = arith.constant 0 : i32
        %dma_start3A_253 = tpu.memref_slice %arg13[%dma_start3A_251, %dma_start3A_252] : memref<10240x64xf32, #tpu.memory_space<vmem_shared>> -> memref<10240x64xf32, #tpu.memory_space<vmem_shared>>
        tpu.enqueue_indirect_dma source(%arg10 : memref<80x64xf32, #tpu.memory_space<vmem>>) target(%dma_start3A_253 : memref<10240x64xf32, #tpu.memory_space<vmem_shared>>) offsets(%dma_start3A_250 : memref<80xi32, #tpu.memory_space<vmem>>) semaphore(%run_scoped3A : memref<!tpu.dma_semaphore, #tpu.memory_space<semaphore_mem>>) {add = true}
        %dma_wait3A_254 = tpu.memref_slice %arg6[%mul3A_220] : memref<20000xi32, #tpu.memory_space<vmem>> -> memref<80xi32, #tpu.memory_space<vmem>>
        %dma_wait3A_255 = arith.constant 0 : i32
        %dma_wait3A_256 = arith.constant 0 : i32
        %dma_wait3A_257 = tpu.memref_slice %arg13[%dma_wait3A_255, %dma_wait3A_256] : memref<10240x64xf32, #tpu.memory_space<vmem_shared>> -> memref<10240x64xf32, #tpu.memory_space<vmem_shared>>
        tpu.wait_indirect_dma semaphore(%run_scoped3A : memref<!tpu.dma_semaphore, #tpu.memory_space<semaphore_mem>>) src(%arg10 : memref<80x64xf32, #tpu.memory_space<vmem>>) dst(%dma_wait3A_257 : memref<10240x64xf32, #tpu.memory_space<vmem_shared>>)
        tpu.yield
      }) : () -> ()
      %add3A_221 = arith.constant 5 : i32
      %add3A_222 = arith.addi %add3A_208, %add3A_221 : i32
      %lt3A_223 = arith.constant 250 : i32
      %lt3A_224 = arith.cmpi slt, %add3A_222, %lt3A_223 : i32
      %convert_element_type3A_225 = arith.extui %lt3A_224 : i1 to i32
      %cond3A_226 = arith.constant 0 : i32
      %cond3A_227 = arith.cmpi ne, %convert_element_type3A_225, %cond3A_226 : i32
      scf.if %cond3A_227 {
        %add3A_250 = arith.constant 5 : i32
        %add3A_251 = arith.addi %add3A_208, %add3A_250 : i32
        %mul3A_252 = arith.constant 80 : i32
        %mul3A_253 = arith.muli %add3A_251, %mul3A_252 : i32
        %dma_start3A_254 = tpu.memref_slice %arg5[%mul3A_253] : memref<20000xi32, #tpu.memory_space<vmem>> -> memref<80xi32, #tpu.memory_space<vmem>>
        %dma_start3A_255 = arith.constant 0 : i32
        %dma_start3A_256 = arith.constant 0 : i32
        %dma_start3A_257 = tpu.memref_slice %arg2[%arg0, %dma_start3A_255, %dma_start3A_256] : memref<2x10240x64xf32, #tpu.memory_space<hbm>> -> memref<1x10240x64xf32, #tpu.memory_space<hbm>>
        %dma_start3A_258 = tpu.memref_squeeze %dma_start3A_257 : memref<1x10240x64xf32, #tpu.memory_space<hbm>> -> memref<10240x64xf32, #tpu.memory_space<hbm>>
        %dma_start3A_259 = arith.constant 0 : i32
        %dma_start3A_260 = arith.constant 0 : i32
        %dma_start3A_261 = tpu.memref_slice %dma_start3A_258[%dma_start3A_259, %dma_start3A_260] : memref<10240x64xf32, #tpu.memory_space<hbm>> -> memref<10240x64xf32, #tpu.memory_space<hbm>>
        tpu.enqueue_indirect_dma source(%dma_start3A_261 : memref<10240x64xf32, #tpu.memory_space<hbm>>) target(%arg10 : memref<80x64xf32, #tpu.memory_space<vmem>>) offsets(%dma_start3A_254 : memref<80xi32, #tpu.memory_space<vmem>>) semaphore(%arg17 : memref<!tpu.dma_semaphore, #tpu.memory_space<semaphore_mem>>)
      } else {
      }
      %add3A_228 = arith.constant 4 : i32
      %add3A_229 = arith.addi %mul3A_146, %add3A_228 : i32
      %mul3A_230 = arith.constant 80 : i32
      %mul3A_231 = arith.muli %add3A_229, %mul3A_230 : i32
      %dma_wait3A_232 = tpu.memref_slice %arg5[%mul3A_231] : memref<20000xi32, #tpu.memory_space<vmem>> -> memref<80xi32, #tpu.memory_space<vmem>>
      %dma_wait3A_233 = arith.constant 0 : i32
      %dma_wait3A_234 = arith.constant 0 : i32
      %dma_wait3A_235 = tpu.memref_slice %arg2[%arg0, %dma_wait3A_233, %dma_wait3A_234] : memref<2x10240x64xf32, #tpu.memory_space<hbm>> -> memref<1x10240x64xf32, #tpu.memory_space<hbm>>
      %dma_wait3A_236 = tpu.memref_squeeze %dma_wait3A_235 : memref<1x10240x64xf32, #tpu.memory_space<hbm>> -> memref<10240x64xf32, #tpu.memory_space<hbm>>
      %dma_wait3A_237 = arith.constant 0 : i32
      %dma_wait3A_238 = arith.constant 0 : i32
      %dma_wait3A_239 = tpu.memref_slice %dma_wait3A_236[%dma_wait3A_237, %dma_wait3A_238] : memref<10240x64xf32, #tpu.memory_space<hbm>> -> memref<10240x64xf32, #tpu.memory_space<hbm>>
      tpu.wait_indirect_dma semaphore(%arg18 : memref<!tpu.dma_semaphore, #tpu.memory_space<semaphore_mem>>) src(%dma_wait3A_239 : memref<10240x64xf32, #tpu.memory_space<hbm>>) dst(%arg11 : memref<80x64xf32, #tpu.memory_space<vmem>>)
      %mul3A_240 = arith.constant 80 : i32
      %mul3A_241 = arith.muli %add3A_229, %mul3A_240 : i32
      "tpu.region"() ({
        %run_scoped3A = tpu.sem_alloc : memref<!tpu.dma_semaphore, #tpu.memory_space<semaphore_mem>>
        %dma_start3A_250 = tpu.memref_slice %arg6[%mul3A_241] : memref<20000xi32, #tpu.memory_space<vmem>> -> memref<80xi32, #tpu.memory_space<vmem>>
        %dma_start3A_251 = arith.constant 0 : i32
        %dma_start3A_252 = arith.constant 0 : i32
        %dma_start3A_253 = tpu.memref_slice %arg13[%dma_start3A_251, %dma_start3A_252] : memref<10240x64xf32, #tpu.memory_space<vmem_shared>> -> memref<10240x64xf32, #tpu.memory_space<vmem_shared>>
        tpu.enqueue_indirect_dma source(%arg11 : memref<80x64xf32, #tpu.memory_space<vmem>>) target(%dma_start3A_253 : memref<10240x64xf32, #tpu.memory_space<vmem_shared>>) offsets(%dma_start3A_250 : memref<80xi32, #tpu.memory_space<vmem>>) semaphore(%run_scoped3A : memref<!tpu.dma_semaphore, #tpu.memory_space<semaphore_mem>>) {add = true}
        %dma_wait3A_254 = tpu.memref_slice %arg6[%mul3A_241] : memref<20000xi32, #tpu.memory_space<vmem>> -> memref<80xi32, #tpu.memory_space<vmem>>
        %dma_wait3A_255 = arith.constant 0 : i32
        %dma_wait3A_256 = arith.constant 0 : i32
        %dma_wait3A_257 = tpu.memref_slice %arg13[%dma_wait3A_255, %dma_wait3A_256] : memref<10240x64xf32, #tpu.memory_space<vmem_shared>> -> memref<10240x64xf32, #tpu.memory_space<vmem_shared>>
        tpu.wait_indirect_dma semaphore(%run_scoped3A : memref<!tpu.dma_semaphore, #tpu.memory_space<semaphore_mem>>) src(%arg11 : memref<80x64xf32, #tpu.memory_space<vmem>>) dst(%dma_wait3A_257 : memref<10240x64xf32, #tpu.memory_space<vmem_shared>>)
        tpu.yield
      }) : () -> ()
      %add3A_242 = arith.constant 5 : i32
      %add3A_243 = arith.addi %add3A_229, %add3A_242 : i32
      %lt3A_244 = arith.constant 250 : i32
      %lt3A_245 = arith.cmpi slt, %add3A_243, %lt3A_244 : i32
      %convert_element_type3A_246 = arith.extui %lt3A_245 : i1 to i32
      %cond3A_247 = arith.constant 0 : i32
      %cond3A_248 = arith.cmpi ne, %convert_element_type3A_246, %cond3A_247 : i32
      scf.if %cond3A_248 {
        %add3A_250 = arith.constant 5 : i32
        %add3A_251 = arith.addi %add3A_229, %add3A_250 : i32
        %mul3A_252 = arith.constant 80 : i32
        %mul3A_253 = arith.muli %add3A_251, %mul3A_252 : i32
        %dma_start3A_254 = tpu.memref_slice %arg5[%mul3A_253] : memref<20000xi32, #tpu.memory_space<vmem>> -> memref<80xi32, #tpu.memory_space<vmem>>
        %dma_start3A_255 = arith.constant 0 : i32
        %dma_start3A_256 = arith.constant 0 : i32
        %dma_start3A_257 = tpu.memref_slice %arg2[%arg0, %dma_start3A_255, %dma_start3A_256] : memref<2x10240x64xf32, #tpu.memory_space<hbm>> -> memref<1x10240x64xf32, #tpu.memory_space<hbm>>
        %dma_start3A_258 = tpu.memref_squeeze %dma_start3A_257 : memref<1x10240x64xf32, #tpu.memory_space<hbm>> -> memref<10240x64xf32, #tpu.memory_space<hbm>>
        %dma_start3A_259 = arith.constant 0 : i32
        %dma_start3A_260 = arith.constant 0 : i32
        %dma_start3A_261 = tpu.memref_slice %dma_start3A_258[%dma_start3A_259, %dma_start3A_260] : memref<10240x64xf32, #tpu.memory_space<hbm>> -> memref<10240x64xf32, #tpu.memory_space<hbm>>
        tpu.enqueue_indirect_dma source(%dma_start3A_261 : memref<10240x64xf32, #tpu.memory_space<hbm>>) target(%arg11 : memref<80x64xf32, #tpu.memory_space<vmem>>) offsets(%dma_start3A_254 : memref<80xi32, #tpu.memory_space<vmem>>) semaphore(%arg18 : memref<!tpu.dma_semaphore, #tpu.memory_space<semaphore_mem>>)
      } else {
      }
      %scan3A_249 = arith.constant 0 : i32
      scf.yield %scan3A_249 : i32
    }
    %scan3A_137 = arith.constant 50 : i32
    %barrier3A_138 = arith.constant 0 : index
    tpu.barrier barrier_id(%barrier3A_138)
    %mul3A_139 = arith.constant 640 : i32
    %mul3A_140 = arith.muli %arg1, %mul3A_139 : i32
    %mul3A_141 = arith.constant 640 : i32
    %mul3A_142 = arith.muli %arg1, %mul3A_141 : i32
    "tpu.region"() ({
      %run_scoped3A = tpu.sem_alloc : memref<!tpu.dma_semaphore, #tpu.memory_space<semaphore_mem>>
      %dma_start3A_143 = arith.constant 0 : i32
      %dma_start3A_144 = arith.constant 0 : i32
      %dma_start3A_145 = tpu.memref_slice %arg4[%arg0, %dma_start3A_143, %dma_start3A_144] : memref<2x10240x64xf32, #tpu.memory_space<hbm>> -> memref<1x10240x64xf32, #tpu.memory_space<hbm>>
      %dma_start3A_146 = tpu.memref_squeeze %dma_start3A_145 : memref<1x10240x64xf32, #tpu.memory_space<hbm>> -> memref<10240x64xf32, #tpu.memory_space<hbm>>
      %dma_start3A_147 = arith.constant 0 : i32
      %dma_start3A_148 = tpu.memref_slice %dma_start3A_146[%mul3A_142, %dma_start3A_147] : memref<10240x64xf32, #tpu.memory_space<hbm>> -> memref<640x64xf32, #tpu.memory_space<hbm>>
      %dma_start3A_149 = arith.constant 0 : i32
      %dma_start3A_150 = tpu.memref_slice %arg13[%mul3A_140, %dma_start3A_149] : memref<10240x64xf32, #tpu.memory_space<vmem_shared>> -> memref<640x64xf32, #tpu.memory_space<vmem_shared>>
      tpu.enqueue_dma source(%dma_start3A_150 : memref<640x64xf32, #tpu.memory_space<vmem_shared>>) target(%dma_start3A_148 : memref<640x64xf32, #tpu.memory_space<hbm>>) target_semaphore(%run_scoped3A : memref<!tpu.dma_semaphore, #tpu.memory_space<semaphore_mem>>)
      %dma_wait3A_151 = arith.constant 0 : i32
      %dma_wait3A_152 = arith.constant 0 : i32
      %dma_wait3A_153 = tpu.memref_slice %arg4[%arg0, %dma_wait3A_151, %dma_wait3A_152] : memref<2x10240x64xf32, #tpu.memory_space<hbm>> -> memref<1x10240x64xf32, #tpu.memory_space<hbm>>
      %dma_wait3A_154 = tpu.memref_squeeze %dma_wait3A_153 : memref<1x10240x64xf32, #tpu.memory_space<hbm>> -> memref<10240x64xf32, #tpu.memory_space<hbm>>
      %dma_wait3A_155 = arith.constant 0 : i32
      %dma_wait3A_156 = tpu.memref_slice %dma_wait3A_154[%mul3A_142, %dma_wait3A_155] : memref<10240x64xf32, #tpu.memory_space<hbm>> -> memref<640x64xf32, #tpu.memory_space<hbm>>
      %dma_wait3A_157 = arith.constant 0 : i32
      %dma_wait3A_158 = tpu.memref_slice %arg13[%mul3A_140, %dma_wait3A_157] : memref<10240x64xf32, #tpu.memory_space<vmem_shared>> -> memref<640x64xf32, #tpu.memory_space<vmem_shared>>
      tpu.wait_dma2 semaphore(%run_scoped3A : memref<!tpu.dma_semaphore, #tpu.memory_space<semaphore_mem>>) src(%dma_wait3A_158 : memref<640x64xf32, #tpu.memory_space<vmem_shared>>) dst(%dma_wait3A_156 : memref<640x64xf32, #tpu.memory_space<hbm>>)
      tpu.yield
    }) : () -> ()
    return
  }
}

#map = affine_map<(d0, d1) -> (0, 0, 0)>
#map1 = affine_map<(d0, d1) -> (0, 0)>
module attributes {stable_mosaic.version = 14 : i64} {
  func.func @_edge_sc(%arg0: i32, %arg1: i32, %arg2: memref<2x10240x64xf32, #tpu.memory_space<hbm>>, %arg3: memref<2x320000xi32, #tpu.memory_space<hbm>>, %arg4: memref<2x10240x64xf32, #tpu.memory_space<hbm>>, %arg5: memref<20000xi32, #tpu.memory_space<vmem>>, %arg6: memref<20000xi32, #tpu.memory_space<vmem>>, %arg7: memref<80x64xf32, #tpu.memory_space<vmem>>, %arg8: memref<80x64xf32, #tpu.memory_space<vmem>>, %arg9: memref<80x64xf32, #tpu.memory_space<vmem>>, %arg10: memref<80x64xf32, #tpu.memory_space<vmem>>, %arg11: memref<80x64xf32, #tpu.memory_space<vmem>>, %arg12: memref<64x64xf32, #tpu.memory_space<vmem>>, %arg13: memref<10240x64xf32, #tpu.memory_space<vmem_shared>>, %arg14: memref<!tpu.dma_semaphore, #tpu.memory_space<semaphore_mem>>, %arg15: memref<!tpu.dma_semaphore, #tpu.memory_space<semaphore_mem>>, %arg16: memref<!tpu.dma_semaphore, #tpu.memory_space<semaphore_mem>>, %arg17: memref<!tpu.dma_semaphore, #tpu.memory_space<semaphore_mem>>, %arg18: memref<!tpu.dma_semaphore, #tpu.memory_space<semaphore_mem>>, %arg19: memref<!tpu.dma_semaphore, #tpu.memory_space<semaphore_mem>>, %arg20: memref<!tpu.dma_semaphore, #tpu.memory_space<semaphore_mem>>) attributes {dimension_semantics = [#tpu.dimension_semantics<core_parallel>, #tpu.dimension_semantics<subcore_parallel>], iteration_bounds = array<i64: 2, 16>, scalar_prefetch = 0 : i64, scratch_operands = 16 : i64, tpu.core_type = #tpu.core_type<sc_vector_subcore>, window_params = [{transform_indices = #map}, {transform_indices = #map1}, {transform_indices = #map}]} {
    %mul3A = arith.constant 20000 : i32
    %mul3A_0 = arith.muli %arg1, %mul3A : i32
    %dma_start3A = arith.constant 0 : i32
    %dma_start3A_1 = arith.constant 0 : i32
    %dma_start3A_2 = tpu.memref_slice %arg3[%dma_start3A, %dma_start3A_1] : memref<2x320000xi32, #tpu.memory_space<hbm>> -> memref<1x320000xi32, #tpu.memory_space<hbm>>
    %dma_start3A_3 = tpu.memref_squeeze %dma_start3A_2 : memref<1x320000xi32, #tpu.memory_space<hbm>> -> memref<320000xi32, #tpu.memory_space<hbm>>
    %dma_start3A_4 = tpu.memref_slice %dma_start3A_3[%mul3A_0] : memref<320000xi32, #tpu.memory_space<hbm>> -> memref<20000xi32, #tpu.memory_space<hbm>>
    %dma_start3A_5 = arith.constant 0 : i32
    %dma_start3A_6 = tpu.memref_slice %arg3[%dma_start3A, %dma_start3A_5] : memref<2x320000xi32, #tpu.memory_space<hbm>> -> memref<1x320000xi32, #tpu.memory_space<hbm>>
    %dma_start3A_7 = tpu.memref_squeeze %dma_start3A_6 : memref<1x320000xi32, #tpu.memory_space<hbm>> -> memref<320000xi32, #tpu.memory_space<hbm>>
    %dma_start3A_8 = tpu.memref_slice %dma_start3A_7[%mul3A_0] : memref<320000xi32, #tpu.memory_space<hbm>> -> memref<20000xi32, #tpu.memory_space<hbm>>
    tpu.enqueue_dma source(%dma_start3A_8 : memref<20000xi32, #tpu.memory_space<hbm>>) target(%arg5 : memref<20000xi32, #tpu.memory_space<vmem>>) target_semaphore(%arg19 : memref<!tpu.dma_semaphore, #tpu.memory_space<semaphore_mem>>)
    %mul3A_9 = arith.constant 20000 : i32
    %mul3A_10 = arith.muli %arg1, %mul3A_9 : i32
    %dma_start3A_11 = arith.constant 1 : i32
    %dma_start3A_12 = arith.constant 0 : i32
    %dma_start3A_13 = tpu.memref_slice %arg3[%dma_start3A_11, %dma_start3A_12] : memref<2x320000xi32, #tpu.memory_space<hbm>> -> memref<1x320000xi32, #tpu.memory_space<hbm>>
    %dma_start3A_14 = tpu.memref_squeeze %dma_start3A_13 : memref<1x320000xi32, #tpu.memory_space<hbm>> -> memref<320000xi32, #tpu.memory_space<hbm>>
    %dma_start3A_15 = tpu.memref_slice %dma_start3A_14[%mul3A_10] : memref<320000xi32, #tpu.memory_space<hbm>> -> memref<20000xi32, #tpu.memory_space<hbm>>
    %dma_start3A_16 = arith.constant 0 : i32
    %dma_start3A_17 = tpu.memref_slice %arg3[%dma_start3A_11, %dma_start3A_16] : memref<2x320000xi32, #tpu.memory_space<hbm>> -> memref<1x320000xi32, #tpu.memory_space<hbm>>
    %dma_start3A_18 = tpu.memref_squeeze %dma_start3A_17 : memref<1x320000xi32, #tpu.memory_space<hbm>> -> memref<320000xi32, #tpu.memory_space<hbm>>
    %dma_start3A_19 = tpu.memref_slice %dma_start3A_18[%mul3A_10] : memref<320000xi32, #tpu.memory_space<hbm>> -> memref<20000xi32, #tpu.memory_space<hbm>>
    tpu.enqueue_dma source(%dma_start3A_19 : memref<20000xi32, #tpu.memory_space<hbm>>) target(%arg6 : memref<20000xi32, #tpu.memory_space<vmem>>) target_semaphore(%arg20 : memref<!tpu.dma_semaphore, #tpu.memory_space<semaphore_mem>>)
    %scan3A = arith.constant 0 : i32
    %scan3A_20 = arith.constant 0 : i32
    %scan3A_21 = arith.constant 64 : i32
    %scan3A_22 = arith.addi %scan3A_20, %scan3A_21 : i32
    %scan3A_23 = arith.constant 1 : i32
    %scan3A_24 = scf.for %scan3A_143 = %scan3A_20 to %scan3A_22 step %scan3A_23 iter_args(%scan3A_144 = %scan3A) -> (i32)  : i32 {
      %broadcast_in_dim3A = arith.constant 0.000000e+00 : f32
      %broadcast_in_dim3A_145 = vector.broadcast %broadcast_in_dim3A : f32 to vector<16xf32>
      %swap3A = arith.index_cast %scan3A_143 : i32 to index
      %swap3A_146 = arith.constant 0 : index
      %swap3A_147 = tpu.vector_load %arg12[%swap3A, %swap3A_146] {strides = array<i32>} : memref<64x64xf32, #tpu.memory_space<vmem>>, vector<1x16xf32>,
      %swap3A_148 = vector.shape_cast %swap3A_147 : vector<1x16xf32> to vector<16xf32>
      %swap3A_149 = vector.shape_cast %broadcast_in_dim3A_145 : vector<16xf32> to vector<1x16xf32>
      tpu.vector_store %arg12[%swap3A, %swap3A_146], %swap3A_149 {strides = array<i32>} : memref<64x64xf32, #tpu.memory_space<vmem>>, vector<1x16xf32>,
      %broadcast_in_dim3A_150 = arith.constant 0.000000e+00 : f32
      %broadcast_in_dim3A_151 = vector.broadcast %broadcast_in_dim3A_150 : f32 to vector<16xf32>
      %swap3A_152 = arith.index_cast %scan3A_143 : i32 to index
      %swap3A_153 = arith.constant 16 : index
      %swap3A_154 = tpu.vector_load %arg12[%swap3A_152, %swap3A_153] {strides = array<i32>} : memref<64x64xf32, #tpu.memory_space<vmem>>, vector<1x16xf32>,
      %swap3A_155 = vector.shape_cast %swap3A_154 : vector<1x16xf32> to vector<16xf32>
      %swap3A_156 = vector.shape_cast %broadcast_in_dim3A_151 : vector<16xf32> to vector<1x16xf32>
      tpu.vector_store %arg12[%swap3A_152, %swap3A_153], %swap3A_156 {strides = array<i32>} : memref<64x64xf32, #tpu.memory_space<vmem>>, vector<1x16xf32>,
      %broadcast_in_dim3A_157 = arith.constant 0.000000e+00 : f32
      %broadcast_in_dim3A_158 = vector.broadcast %broadcast_in_dim3A_157 : f32 to vector<16xf32>
      %swap3A_159 = arith.index_cast %scan3A_143 : i32 to index
      %swap3A_160 = arith.constant 32 : index
      %swap3A_161 = tpu.vector_load %arg12[%swap3A_159, %swap3A_160] {strides = array<i32>} : memref<64x64xf32, #tpu.memory_space<vmem>>, vector<1x16xf32>,
      %swap3A_162 = vector.shape_cast %swap3A_161 : vector<1x16xf32> to vector<16xf32>
      %swap3A_163 = vector.shape_cast %broadcast_in_dim3A_158 : vector<16xf32> to vector<1x16xf32>
      tpu.vector_store %arg12[%swap3A_159, %swap3A_160], %swap3A_163 {strides = array<i32>} : memref<64x64xf32, #tpu.memory_space<vmem>>, vector<1x16xf32>,
      %broadcast_in_dim3A_164 = arith.constant 0.000000e+00 : f32
      %broadcast_in_dim3A_165 = vector.broadcast %broadcast_in_dim3A_164 : f32 to vector<16xf32>
      %swap3A_166 = arith.index_cast %scan3A_143 : i32 to index
      %swap3A_167 = arith.constant 48 : index
      %swap3A_168 = tpu.vector_load %arg12[%swap3A_166, %swap3A_167] {strides = array<i32>} : memref<64x64xf32, #tpu.memory_space<vmem>>, vector<1x16xf32>,
      %swap3A_169 = vector.shape_cast %swap3A_168 : vector<1x16xf32> to vector<16xf32>
      %swap3A_170 = vector.shape_cast %broadcast_in_dim3A_165 : vector<16xf32> to vector<1x16xf32>
      tpu.vector_store %arg12[%swap3A_166, %swap3A_167], %swap3A_170 {strides = array<i32>} : memref<64x64xf32, #tpu.memory_space<vmem>>, vector<1x16xf32>,
      %scan3A_171 = arith.constant 0 : i32
      scf.yield %scan3A_171 : i32
    }
    %scan3A_25 = arith.constant 64 : i32
    %mul3A_26 = arith.constant 640 : i32
    %mul3A_27 = arith.muli %arg1, %mul3A_26 : i32
    %add3A = arith.constant 0 : i32
    %add3A_28 = arith.addi %mul3A_27, %add3A : i32
    "tpu.region"() ({
      %run_scoped3A = tpu.sem_alloc : memref<!tpu.dma_semaphore, #tpu.memory_space<semaphore_mem>>
      %dma_start3A_143 = arith.constant 0 : i32
      %dma_start3A_144 = tpu.memref_slice %arg13[%add3A_28, %dma_start3A_143] : memref<10240x64xf32, #tpu.memory_space<vmem_shared>> -> memref<64x64xf32, #tpu.memory_space<vmem_shared>>
      %dma_start3A_145 = arith.constant 0 : i32
      %dma_start3A_146 = tpu.memref_slice %arg13[%add3A_28, %dma_start3A_145] : memref<10240x64xf32, #tpu.memory_space<vmem_shared>> -> memref<64x64xf32, #tpu.memory_space<vmem_shared>>
      tpu.enqueue_dma source(%arg12 : memref<64x64xf32, #tpu.memory_space<vmem>>) target(%dma_start3A_146 : memref<64x64xf32, #tpu.memory_space<vmem_shared>>) target_semaphore(%run_scoped3A : memref<!tpu.dma_semaphore, #tpu.memory_space<semaphore_mem>>)
      %dma_wait3A_147 = arith.constant 0 : i32
      %dma_wait3A_148 = tpu.memref_slice %arg13[%add3A_28, %dma_wait3A_147] : memref<10240x64xf32, #tpu.memory_space<vmem_shared>> -> memref<64x64xf32, #tpu.memory_space<vmem_shared>>
      %dma_wait3A_149 = arith.constant 0 : i32
      %dma_wait3A_150 = tpu.memref_slice %arg13[%add3A_28, %dma_wait3A_149] : memref<10240x64xf32, #tpu.memory_space<vmem_shared>> -> memref<64x64xf32, #tpu.memory_space<vmem_shared>>
      tpu.wait_dma2 semaphore(%run_scoped3A : memref<!tpu.dma_semaphore, #tpu.memory_space<semaphore_mem>>) src(%arg12 : memref<64x64xf32, #tpu.memory_space<vmem>>) dst(%dma_wait3A_150 : memref<64x64xf32, #tpu.memory_space<vmem_shared>>)
      tpu.yield
    }) : () -> ()
    %mul3A_29 = arith.constant 640 : i32
    %mul3A_30 = arith.muli %arg1, %mul3A_29 : i32
    %add3A_31 = arith.constant 64 : i32
    %add3A_32 = arith.addi %mul3A_30, %add3A_31 : i32
    "tpu.region"() ({
      %run_scoped3A = tpu.sem_alloc : memref<!tpu.dma_semaphore, #tpu.memory_space<semaphore_mem>>
      %dma_start3A_143 = arith.constant 0 : i32
      %dma_start3A_144 = tpu.memref_slice %arg13[%add3A_32, %dma_start3A_143] : memref<10240x64xf32, #tpu.memory_space<vmem_shared>> -> memref<64x64xf32, #tpu.memory_space<vmem_shared>>
      %dma_start3A_145 = arith.constant 0 : i32
      %dma_start3A_146 = tpu.memref_slice %arg13[%add3A_32, %dma_start3A_145] : memref<10240x64xf32, #tpu.memory_space<vmem_shared>> -> memref<64x64xf32, #tpu.memory_space<vmem_shared>>
      tpu.enqueue_dma source(%arg12 : memref<64x64xf32, #tpu.memory_space<vmem>>) target(%dma_start3A_146 : memref<64x64xf32, #tpu.memory_space<vmem_shared>>) target_semaphore(%run_scoped3A : memref<!tpu.dma_semaphore, #tpu.memory_space<semaphore_mem>>)
      %dma_wait3A_147 = arith.constant 0 : i32
      %dma_wait3A_148 = tpu.memref_slice %arg13[%add3A_32, %dma_wait3A_147] : memref<10240x64xf32, #tpu.memory_space<vmem_shared>> -> memref<64x64xf32, #tpu.memory_space<vmem_shared>>
      %dma_wait3A_149 = arith.constant 0 : i32
      %dma_wait3A_150 = tpu.memref_slice %arg13[%add3A_32, %dma_wait3A_149] : memref<10240x64xf32, #tpu.memory_space<vmem_shared>> -> memref<64x64xf32, #tpu.memory_space<vmem_shared>>
      tpu.wait_dma2 semaphore(%run_scoped3A : memref<!tpu.dma_semaphore, #tpu.memory_space<semaphore_mem>>) src(%arg12 : memref<64x64xf32, #tpu.memory_space<vmem>>) dst(%dma_wait3A_150 : memref<64x64xf32, #tpu.memory_space<vmem_shared>>)
      tpu.yield
    }) : () -> ()
    %mul3A_33 = arith.constant 640 : i32
    %mul3A_34 = arith.muli %arg1, %mul3A_33 : i32
    %add3A_35 = arith.constant 128 : i32
    %add3A_36 = arith.addi %mul3A_34, %add3A_35 : i32
    "tpu.region"() ({
      %run_scoped3A = tpu.sem_alloc : memref<!tpu.dma_semaphore, #tpu.memory_space<semaphore_mem>>
      %dma_start3A_143 = arith.constant 0 : i32
      %dma_start3A_144 = tpu.memref_slice %arg13[%add3A_36, %dma_start3A_143] : memref<10240x64xf32, #tpu.memory_space<vmem_shared>> -> memref<64x64xf32, #tpu.memory_space<vmem_shared>>
      %dma_start3A_145 = arith.constant 0 : i32
      %dma_start3A_146 = tpu.memref_slice %arg13[%add3A_36, %dma_start3A_145] : memref<10240x64xf32, #tpu.memory_space<vmem_shared>> -> memref<64x64xf32, #tpu.memory_space<vmem_shared>>
      tpu.enqueue_dma source(%arg12 : memref<64x64xf32, #tpu.memory_space<vmem>>) target(%dma_start3A_146 : memref<64x64xf32, #tpu.memory_space<vmem_shared>>) target_semaphore(%run_scoped3A : memref<!tpu.dma_semaphore, #tpu.memory_space<semaphore_mem>>)
      %dma_wait3A_147 = arith.constant 0 : i32
      %dma_wait3A_148 = tpu.memref_slice %arg13[%add3A_36, %dma_wait3A_147] : memref<10240x64xf32, #tpu.memory_space<vmem_shared>> -> memref<64x64xf32, #tpu.memory_space<vmem_shared>>
      %dma_wait3A_149 = arith.constant 0 : i32
      %dma_wait3A_150 = tpu.memref_slice %arg13[%add3A_36, %dma_wait3A_149] : memref<10240x64xf32, #tpu.memory_space<vmem_shared>> -> memref<64x64xf32, #tpu.memory_space<vmem_shared>>
      tpu.wait_dma2 semaphore(%run_scoped3A : memref<!tpu.dma_semaphore, #tpu.memory_space<semaphore_mem>>) src(%arg12 : memref<64x64xf32, #tpu.memory_space<vmem>>) dst(%dma_wait3A_150 : memref<64x64xf32, #tpu.memory_space<vmem_shared>>)
      tpu.yield
    }) : () -> ()
    %mul3A_37 = arith.constant 640 : i32
    %mul3A_38 = arith.muli %arg1, %mul3A_37 : i32
    %add3A_39 = arith.constant 192 : i32
    %add3A_40 = arith.addi %mul3A_38, %add3A_39 : i32
    "tpu.region"() ({
      %run_scoped3A = tpu.sem_alloc : memref<!tpu.dma_semaphore, #tpu.memory_space<semaphore_mem>>
      %dma_start3A_143 = arith.constant 0 : i32
      %dma_start3A_144 = tpu.memref_slice %arg13[%add3A_40, %dma_start3A_143] : memref<10240x64xf32, #tpu.memory_space<vmem_shared>> -> memref<64x64xf32, #tpu.memory_space<vmem_shared>>
      %dma_start3A_145 = arith.constant 0 : i32
      %dma_start3A_146 = tpu.memref_slice %arg13[%add3A_40, %dma_start3A_145] : memref<10240x64xf32, #tpu.memory_space<vmem_shared>> -> memref<64x64xf32, #tpu.memory_space<vmem_shared>>
      tpu.enqueue_dma source(%arg12 : memref<64x64xf32, #tpu.memory_space<vmem>>) target(%dma_start3A_146 : memref<64x64xf32, #tpu.memory_space<vmem_shared>>) target_semaphore(%run_scoped3A : memref<!tpu.dma_semaphore, #tpu.memory_space<semaphore_mem>>)
      %dma_wait3A_147 = arith.constant 0 : i32
      %dma_wait3A_148 = tpu.memref_slice %arg13[%add3A_40, %dma_wait3A_147] : memref<10240x64xf32, #tpu.memory_space<vmem_shared>> -> memref<64x64xf32, #tpu.memory_space<vmem_shared>>
      %dma_wait3A_149 = arith.constant 0 : i32
      %dma_wait3A_150 = tpu.memref_slice %arg13[%add3A_40, %dma_wait3A_149] : memref<10240x64xf32, #tpu.memory_space<vmem_shared>> -> memref<64x64xf32, #tpu.memory_space<vmem_shared>>
      tpu.wait_dma2 semaphore(%run_scoped3A : memref<!tpu.dma_semaphore, #tpu.memory_space<semaphore_mem>>) src(%arg12 : memref<64x64xf32, #tpu.memory_space<vmem>>) dst(%dma_wait3A_150 : memref<64x64xf32, #tpu.memory_space<vmem_shared>>)
      tpu.yield
    }) : () -> ()
    %mul3A_41 = arith.constant 640 : i32
    %mul3A_42 = arith.muli %arg1, %mul3A_41 : i32
    %add3A_43 = arith.constant 256 : i32
    %add3A_44 = arith.addi %mul3A_42, %add3A_43 : i32
    "tpu.region"() ({
      %run_scoped3A = tpu.sem_alloc : memref<!tpu.dma_semaphore, #tpu.memory_space<semaphore_mem>>
      %dma_start3A_143 = arith.constant 0 : i32
      %dma_start3A_144 = tpu.memref_slice %arg13[%add3A_44, %dma_start3A_143] : memref<10240x64xf32, #tpu.memory_space<vmem_shared>> -> memref<64x64xf32, #tpu.memory_space<vmem_shared>>
      %dma_start3A_145 = arith.constant 0 : i32
      %dma_start3A_146 = tpu.memref_slice %arg13[%add3A_44, %dma_start3A_145] : memref<10240x64xf32, #tpu.memory_space<vmem_shared>> -> memref<64x64xf32, #tpu.memory_space<vmem_shared>>
      tpu.enqueue_dma source(%arg12 : memref<64x64xf32, #tpu.memory_space<vmem>>) target(%dma_start3A_146 : memref<64x64xf32, #tpu.memory_space<vmem_shared>>) target_semaphore(%run_scoped3A : memref<!tpu.dma_semaphore, #tpu.memory_space<semaphore_mem>>)
      %dma_wait3A_147 = arith.constant 0 : i32
      %dma_wait3A_148 = tpu.memref_slice %arg13[%add3A_44, %dma_wait3A_147] : memref<10240x64xf32, #tpu.memory_space<vmem_shared>> -> memref<64x64xf32, #tpu.memory_space<vmem_shared>>
      %dma_wait3A_149 = arith.constant 0 : i32
      %dma_wait3A_150 = tpu.memref_slice %arg13[%add3A_44, %dma_wait3A_149] : memref<10240x64xf32, #tpu.memory_space<vmem_shared>> -> memref<64x64xf32, #tpu.memory_space<vmem_shared>>
      tpu.wait_dma2 semaphore(%run_scoped3A : memref<!tpu.dma_semaphore, #tpu.memory_space<semaphore_mem>>) src(%arg12 : memref<64x64xf32, #tpu.memory_space<vmem>>) dst(%dma_wait3A_150 : memref<64x64xf32, #tpu.memory_space<vmem_shared>>)
      tpu.yield
    }) : () -> ()
    %mul3A_45 = arith.constant 640 : i32
    %mul3A_46 = arith.muli %arg1, %mul3A_45 : i32
    %add3A_47 = arith.constant 320 : i32
    %add3A_48 = arith.addi %mul3A_46, %add3A_47 : i32
    "tpu.region"() ({
      %run_scoped3A = tpu.sem_alloc : memref<!tpu.dma_semaphore, #tpu.memory_space<semaphore_mem>>
      %dma_start3A_143 = arith.constant 0 : i32
      %dma_start3A_144 = tpu.memref_slice %arg13[%add3A_48, %dma_start3A_143] : memref<10240x64xf32, #tpu.memory_space<vmem_shared>> -> memref<64x64xf32, #tpu.memory_space<vmem_shared>>
      %dma_start3A_145 = arith.constant 0 : i32
      %dma_start3A_146 = tpu.memref_slice %arg13[%add3A_48, %dma_start3A_145] : memref<10240x64xf32, #tpu.memory_space<vmem_shared>> -> memref<64x64xf32, #tpu.memory_space<vmem_shared>>
      tpu.enqueue_dma source(%arg12 : memref<64x64xf32, #tpu.memory_space<vmem>>) target(%dma_start3A_146 : memref<64x64xf32, #tpu.memory_space<vmem_shared>>) target_semaphore(%run_scoped3A : memref<!tpu.dma_semaphore, #tpu.memory_space<semaphore_mem>>)
      %dma_wait3A_147 = arith.constant 0 : i32
      %dma_wait3A_148 = tpu.memref_slice %arg13[%add3A_48, %dma_wait3A_147] : memref<10240x64xf32, #tpu.memory_space<vmem_shared>> -> memref<64x64xf32, #tpu.memory_space<vmem_shared>>
      %dma_wait3A_149 = arith.constant 0 : i32
      %dma_wait3A_150 = tpu.memref_slice %arg13[%add3A_48, %dma_wait3A_149] : memref<10240x64xf32, #tpu.memory_space<vmem_shared>> -> memref<64x64xf32, #tpu.memory_space<vmem_shared>>
      tpu.wait_dma2 semaphore(%run_scoped3A : memref<!tpu.dma_semaphore, #tpu.memory_space<semaphore_mem>>) src(%arg12 : memref<64x64xf32, #tpu.memory_space<vmem>>) dst(%dma_wait3A_150 : memref<64x64xf32, #tpu.memory_space<vmem_shared>>)
      tpu.yield
    }) : () -> ()
    %mul3A_49 = arith.constant 640 : i32
    %mul3A_50 = arith.muli %arg1, %mul3A_49 : i32
    %add3A_51 = arith.constant 384 : i32
    %add3A_52 = arith.addi %mul3A_50, %add3A_51 : i32
    "tpu.region"() ({
      %run_scoped3A = tpu.sem_alloc : memref<!tpu.dma_semaphore, #tpu.memory_space<semaphore_mem>>
      %dma_start3A_143 = arith.constant 0 : i32
      %dma_start3A_144 = tpu.memref_slice %arg13[%add3A_52, %dma_start3A_143] : memref<10240x64xf32, #tpu.memory_space<vmem_shared>> -> memref<64x64xf32, #tpu.memory_space<vmem_shared>>
      %dma_start3A_145 = arith.constant 0 : i32
      %dma_start3A_146 = tpu.memref_slice %arg13[%add3A_52, %dma_start3A_145] : memref<10240x64xf32, #tpu.memory_space<vmem_shared>> -> memref<64x64xf32, #tpu.memory_space<vmem_shared>>
      tpu.enqueue_dma source(%arg12 : memref<64x64xf32, #tpu.memory_space<vmem>>) target(%dma_start3A_146 : memref<64x64xf32, #tpu.memory_space<vmem_shared>>) target_semaphore(%run_scoped3A : memref<!tpu.dma_semaphore, #tpu.memory_space<semaphore_mem>>)
      %dma_wait3A_147 = arith.constant 0 : i32
      %dma_wait3A_148 = tpu.memref_slice %arg13[%add3A_52, %dma_wait3A_147] : memref<10240x64xf32, #tpu.memory_space<vmem_shared>> -> memref<64x64xf32, #tpu.memory_space<vmem_shared>>
      %dma_wait3A_149 = arith.constant 0 : i32
      %dma_wait3A_150 = tpu.memref_slice %arg13[%add3A_52, %dma_wait3A_149] : memref<10240x64xf32, #tpu.memory_space<vmem_shared>> -> memref<64x64xf32, #tpu.memory_space<vmem_shared>>
      tpu.wait_dma2 semaphore(%run_scoped3A : memref<!tpu.dma_semaphore, #tpu.memory_space<semaphore_mem>>) src(%arg12 : memref<64x64xf32, #tpu.memory_space<vmem>>) dst(%dma_wait3A_150 : memref<64x64xf32, #tpu.memory_space<vmem_shared>>)
      tpu.yield
    }) : () -> ()
    %mul3A_53 = arith.constant 640 : i32
    %mul3A_54 = arith.muli %arg1, %mul3A_53 : i32
    %add3A_55 = arith.constant 448 : i32
    %add3A_56 = arith.addi %mul3A_54, %add3A_55 : i32
    "tpu.region"() ({
      %run_scoped3A = tpu.sem_alloc : memref<!tpu.dma_semaphore, #tpu.memory_space<semaphore_mem>>
      %dma_start3A_143 = arith.constant 0 : i32
      %dma_start3A_144 = tpu.memref_slice %arg13[%add3A_56, %dma_start3A_143] : memref<10240x64xf32, #tpu.memory_space<vmem_shared>> -> memref<64x64xf32, #tpu.memory_space<vmem_shared>>
      %dma_start3A_145 = arith.constant 0 : i32
      %dma_start3A_146 = tpu.memref_slice %arg13[%add3A_56, %dma_start3A_145] : memref<10240x64xf32, #tpu.memory_space<vmem_shared>> -> memref<64x64xf32, #tpu.memory_space<vmem_shared>>
      tpu.enqueue_dma source(%arg12 : memref<64x64xf32, #tpu.memory_space<vmem>>) target(%dma_start3A_146 : memref<64x64xf32, #tpu.memory_space<vmem_shared>>) target_semaphore(%run_scoped3A : memref<!tpu.dma_semaphore, #tpu.memory_space<semaphore_mem>>)
      %dma_wait3A_147 = arith.constant 0 : i32
      %dma_wait3A_148 = tpu.memref_slice %arg13[%add3A_56, %dma_wait3A_147] : memref<10240x64xf32, #tpu.memory_space<vmem_shared>> -> memref<64x64xf32, #tpu.memory_space<vmem_shared>>
      %dma_wait3A_149 = arith.constant 0 : i32
      %dma_wait3A_150 = tpu.memref_slice %arg13[%add3A_56, %dma_wait3A_149] : memref<10240x64xf32, #tpu.memory_space<vmem_shared>> -> memref<64x64xf32, #tpu.memory_space<vmem_shared>>
      tpu.wait_dma2 semaphore(%run_scoped3A : memref<!tpu.dma_semaphore, #tpu.memory_space<semaphore_mem>>) src(%arg12 : memref<64x64xf32, #tpu.memory_space<vmem>>) dst(%dma_wait3A_150 : memref<64x64xf32, #tpu.memory_space<vmem_shared>>)
      tpu.yield
    }) : () -> ()
    %mul3A_57 = arith.constant 640 : i32
    %mul3A_58 = arith.muli %arg1, %mul3A_57 : i32
    %add3A_59 = arith.constant 512 : i32
    %add3A_60 = arith.addi %mul3A_58, %add3A_59 : i32
    "tpu.region"() ({
      %run_scoped3A = tpu.sem_alloc : memref<!tpu.dma_semaphore, #tpu.memory_space<semaphore_mem>>
      %dma_start3A_143 = arith.constant 0 : i32
      %dma_start3A_144 = tpu.memref_slice %arg13[%add3A_60, %dma_start3A_143] : memref<10240x64xf32, #tpu.memory_space<vmem_shared>> -> memref<64x64xf32, #tpu.memory_space<vmem_shared>>
      %dma_start3A_145 = arith.constant 0 : i32
      %dma_start3A_146 = tpu.memref_slice %arg13[%add3A_60, %dma_start3A_145] : memref<10240x64xf32, #tpu.memory_space<vmem_shared>> -> memref<64x64xf32, #tpu.memory_space<vmem_shared>>
      tpu.enqueue_dma source(%arg12 : memref<64x64xf32, #tpu.memory_space<vmem>>) target(%dma_start3A_146 : memref<64x64xf32, #tpu.memory_space<vmem_shared>>) target_semaphore(%run_scoped3A : memref<!tpu.dma_semaphore, #tpu.memory_space<semaphore_mem>>)
      %dma_wait3A_147 = arith.constant 0 : i32
      %dma_wait3A_148 = tpu.memref_slice %arg13[%add3A_60, %dma_wait3A_147] : memref<10240x64xf32, #tpu.memory_space<vmem_shared>> -> memref<64x64xf32, #tpu.memory_space<vmem_shared>>
      %dma_wait3A_149 = arith.constant 0 : i32
      %dma_wait3A_150 = tpu.memref_slice %arg13[%add3A_60, %dma_wait3A_149] : memref<10240x64xf32, #tpu.memory_space<vmem_shared>> -> memref<64x64xf32, #tpu.memory_space<vmem_shared>>
      tpu.wait_dma2 semaphore(%run_scoped3A : memref<!tpu.dma_semaphore, #tpu.memory_space<semaphore_mem>>) src(%arg12 : memref<64x64xf32, #tpu.memory_space<vmem>>) dst(%dma_wait3A_150 : memref<64x64xf32, #tpu.memory_space<vmem_shared>>)
      tpu.yield
    }) : () -> ()
    %mul3A_61 = arith.constant 640 : i32
    %mul3A_62 = arith.muli %arg1, %mul3A_61 : i32
    %add3A_63 = arith.constant 576 : i32
    %add3A_64 = arith.addi %mul3A_62, %add3A_63 : i32
    "tpu.region"() ({
      %run_scoped3A = tpu.sem_alloc : memref<!tpu.dma_semaphore, #tpu.memory_space<semaphore_mem>>
      %dma_start3A_143 = arith.constant 0 : i32
      %dma_start3A_144 = tpu.memref_slice %arg13[%add3A_64, %dma_start3A_143] : memref<10240x64xf32, #tpu.memory_space<vmem_shared>> -> memref<64x64xf32, #tpu.memory_space<vmem_shared>>
      %dma_start3A_145 = arith.constant 0 : i32
      %dma_start3A_146 = tpu.memref_slice %arg13[%add3A_64, %dma_start3A_145] : memref<10240x64xf32, #tpu.memory_space<vmem_shared>> -> memref<64x64xf32, #tpu.memory_space<vmem_shared>>
      tpu.enqueue_dma source(%arg12 : memref<64x64xf32, #tpu.memory_space<vmem>>) target(%dma_start3A_146 : memref<64x64xf32, #tpu.memory_space<vmem_shared>>) target_semaphore(%run_scoped3A : memref<!tpu.dma_semaphore, #tpu.memory_space<semaphore_mem>>)
      %dma_wait3A_147 = arith.constant 0 : i32
      %dma_wait3A_148 = tpu.memref_slice %arg13[%add3A_64, %dma_wait3A_147] : memref<10240x64xf32, #tpu.memory_space<vmem_shared>> -> memref<64x64xf32, #tpu.memory_space<vmem_shared>>
      %dma_wait3A_149 = arith.constant 0 : i32
      %dma_wait3A_150 = tpu.memref_slice %arg13[%add3A_64, %dma_wait3A_149] : memref<10240x64xf32, #tpu.memory_space<vmem_shared>> -> memref<64x64xf32, #tpu.memory_space<vmem_shared>>
      tpu.wait_dma2 semaphore(%run_scoped3A : memref<!tpu.dma_semaphore, #tpu.memory_space<semaphore_mem>>) src(%arg12 : memref<64x64xf32, #tpu.memory_space<vmem>>) dst(%dma_wait3A_150 : memref<64x64xf32, #tpu.memory_space<vmem_shared>>)
      tpu.yield
    }) : () -> ()
    %mul3A_65 = arith.constant 20000 : i32
    %mul3A_66 = arith.muli %arg1, %mul3A_65 : i32
    %dma_wait3A = arith.constant 0 : i32
    %dma_wait3A_67 = arith.constant 0 : i32
    %dma_wait3A_68 = tpu.memref_slice %arg3[%dma_wait3A, %dma_wait3A_67] : memref<2x320000xi32, #tpu.memory_space<hbm>> -> memref<1x320000xi32, #tpu.memory_space<hbm>>
    %dma_wait3A_69 = tpu.memref_squeeze %dma_wait3A_68 : memref<1x320000xi32, #tpu.memory_space<hbm>> -> memref<320000xi32, #tpu.memory_space<hbm>>
    %dma_wait3A_70 = tpu.memref_slice %dma_wait3A_69[%mul3A_66] : memref<320000xi32, #tpu.memory_space<hbm>> -> memref<20000xi32, #tpu.memory_space<hbm>>
    %dma_wait3A_71 = arith.constant 0 : i32
    %dma_wait3A_72 = tpu.memref_slice %arg3[%dma_wait3A, %dma_wait3A_71] : memref<2x320000xi32, #tpu.memory_space<hbm>> -> memref<1x320000xi32, #tpu.memory_space<hbm>>
    %dma_wait3A_73 = tpu.memref_squeeze %dma_wait3A_72 : memref<1x320000xi32, #tpu.memory_space<hbm>> -> memref<320000xi32, #tpu.memory_space<hbm>>
    %dma_wait3A_74 = tpu.memref_slice %dma_wait3A_73[%mul3A_66] : memref<320000xi32, #tpu.memory_space<hbm>> -> memref<20000xi32, #tpu.memory_space<hbm>>
    tpu.wait_dma2 semaphore(%arg19 : memref<!tpu.dma_semaphore, #tpu.memory_space<semaphore_mem>>) src(%dma_wait3A_74 : memref<20000xi32, #tpu.memory_space<hbm>>) dst(%arg5 : memref<20000xi32, #tpu.memory_space<vmem>>)
    %mul3A_75 = arith.constant 20000 : i32
    %mul3A_76 = arith.muli %arg1, %mul3A_75 : i32
    %dma_wait3A_77 = arith.constant 1 : i32
    %dma_wait3A_78 = arith.constant 0 : i32
    %dma_wait3A_79 = tpu.memref_slice %arg3[%dma_wait3A_77, %dma_wait3A_78] : memref<2x320000xi32, #tpu.memory_space<hbm>> -> memref<1x320000xi32, #tpu.memory_space<hbm>>
    %dma_wait3A_80 = tpu.memref_squeeze %dma_wait3A_79 : memref<1x320000xi32, #tpu.memory_space<hbm>> -> memref<320000xi32, #tpu.memory_space<hbm>>
    %dma_wait3A_81 = tpu.memref_slice %dma_wait3A_80[%mul3A_76] : memref<320000xi32, #tpu.memory_space<hbm>> -> memref<20000xi32, #tpu.memory_space<hbm>>
    %dma_wait3A_82 = arith.constant 0 : i32
    %dma_wait3A_83 = tpu.memref_slice %arg3[%dma_wait3A_77, %dma_wait3A_82] : memref<2x320000xi32, #tpu.memory_space<hbm>> -> memref<1x320000xi32, #tpu.memory_space<hbm>>
    %dma_wait3A_84 = tpu.memref_squeeze %dma_wait3A_83 : memref<1x320000xi32, #tpu.memory_space<hbm>> -> memref<320000xi32, #tpu.memory_space<hbm>>
    %dma_wait3A_85 = tpu.memref_slice %dma_wait3A_84[%mul3A_76] : memref<320000xi32, #tpu.memory_space<hbm>> -> memref<20000xi32, #tpu.memory_space<hbm>>
    tpu.wait_dma2 semaphore(%arg20 : memref<!tpu.dma_semaphore, #tpu.memory_space<semaphore_mem>>) src(%dma_wait3A_85 : memref<20000xi32, #tpu.memory_space<hbm>>) dst(%arg6 : memref<20000xi32, #tpu.memory_space<vmem>>)
    %barrier3A = arith.constant 0 : index
    tpu.barrier barrier_id(%barrier3A)
    %dma_start3A_86 = arith.constant 0 : i32
    %dma_start3A_87 = tpu.memref_slice %arg5[%dma_start3A_86] : memref<20000xi32, #tpu.memory_space<vmem>> -> memref<80xi32, #tpu.memory_space<vmem>>
    %dma_start3A_88 = arith.constant 0 : i32
    %dma_start3A_89 = arith.constant 0 : i32
    %dma_start3A_90 = tpu.memref_slice %arg2[%arg0, %dma_start3A_88, %dma_start3A_89] : memref<2x10240x64xf32, #tpu.memory_space<hbm>> -> memref<1x10240x64xf32, #tpu.memory_space<hbm>>
    %dma_start3A_91 = tpu.memref_squeeze %dma_start3A_90 : memref<1x10240x64xf32, #tpu.memory_space<hbm>> -> memref<10240x64xf32, #tpu.memory_space<hbm>>
    %dma_start3A_92 = arith.constant 0 : i32
    %dma_start3A_93 = arith.constant 0 : i32
    %dma_start3A_94 = tpu.memref_slice %dma_start3A_91[%dma_start3A_92, %dma_start3A_93] : memref<10240x64xf32, #tpu.memory_space<hbm>> -> memref<10240x64xf32, #tpu.memory_space<hbm>>
    tpu.enqueue_indirect_dma source(%dma_start3A_94 : memref<10240x64xf32, #tpu.memory_space<hbm>>) target(%arg7 : memref<80x64xf32, #tpu.memory_space<vmem>>) offsets(%dma_start3A_87 : memref<80xi32, #tpu.memory_space<vmem>>) semaphore(%arg14 : memref<!tpu.dma_semaphore, #tpu.memory_space<semaphore_mem>>)
    %dma_start3A_95 = arith.constant 80 : i32
    %dma_start3A_96 = tpu.memref_slice %arg5[%dma_start3A_95] : memref<20000xi32, #tpu.memory_space<vmem>> -> memref<80xi32, #tpu.memory_space<vmem>>
    %dma_start3A_97 = arith.constant 0 : i32
    %dma_start3A_98 = arith.constant 0 : i32
    %dma_start3A_99 = tpu.memref_slice %arg2[%arg0, %dma_start3A_97, %dma_start3A_98] : memref<2x10240x64xf32, #tpu.memory_space<hbm>> -> memref<1x10240x64xf32, #tpu.memory_space<hbm>>
    %dma_start3A_100 = tpu.memref_squeeze %dma_start3A_99 : memref<1x10240x64xf32, #tpu.memory_space<hbm>> -> memref<10240x64xf32, #tpu.memory_space<hbm>>
    %dma_start3A_101 = arith.constant 0 : i32
    %dma_start3A_102 = arith.constant 0 : i32
    %dma_start3A_103 = tpu.memref_slice %dma_start3A_100[%dma_start3A_101, %dma_start3A_102] : memref<10240x64xf32, #tpu.memory_space<hbm>> -> memref<10240x64xf32, #tpu.memory_space<hbm>>
    tpu.enqueue_indirect_dma source(%dma_start3A_103 : memref<10240x64xf32, #tpu.memory_space<hbm>>) target(%arg8 : memref<80x64xf32, #tpu.memory_space<vmem>>) offsets(%dma_start3A_96 : memref<80xi32, #tpu.memory_space<vmem>>) semaphore(%arg15 : memref<!tpu.dma_semaphore, #tpu.memory_space<semaphore_mem>>)
    %dma_start3A_104 = arith.constant 160 : i32
    %dma_start3A_105 = tpu.memref_slice %arg5[%dma_start3A_104] : memref<20000xi32, #tpu.memory_space<vmem>> -> memref<80xi32, #tpu.memory_space<vmem>>
    %dma_start3A_106 = arith.constant 0 : i32
    %dma_start3A_107 = arith.constant 0 : i32
    %dma_start3A_108 = tpu.memref_slice %arg2[%arg0, %dma_start3A_106, %dma_start3A_107] : memref<2x10240x64xf32, #tpu.memory_space<hbm>> -> memref<1x10240x64xf32, #tpu.memory_space<hbm>>
    %dma_start3A_109 = tpu.memref_squeeze %dma_start3A_108 : memref<1x10240x64xf32, #tpu.memory_space<hbm>> -> memref<10240x64xf32, #tpu.memory_space<hbm>>
    %dma_start3A_110 = arith.constant 0 : i32
    %dma_start3A_111 = arith.constant 0 : i32
    %dma_start3A_112 = tpu.memref_slice %dma_start3A_109[%dma_start3A_110, %dma_start3A_111] : memref<10240x64xf32, #tpu.memory_space<hbm>> -> memref<10240x64xf32, #tpu.memory_space<hbm>>
    tpu.enqueue_indirect_dma source(%dma_start3A_112 : memref<10240x64xf32, #tpu.memory_space<hbm>>) target(%arg9 : memref<80x64xf32, #tpu.memory_space<vmem>>) offsets(%dma_start3A_105 : memref<80xi32, #tpu.memory_space<vmem>>) semaphore(%arg16 : memref<!tpu.dma_semaphore, #tpu.memory_space<semaphore_mem>>)
    %dma_start3A_113 = arith.constant 240 : i32
    %dma_start3A_114 = tpu.memref_slice %arg5[%dma_start3A_113] : memref<20000xi32, #tpu.memory_space<vmem>> -> memref<80xi32, #tpu.memory_space<vmem>>
    %dma_start3A_115 = arith.constant 0 : i32
    %dma_start3A_116 = arith.constant 0 : i32
    %dma_start3A_117 = tpu.memref_slice %arg2[%arg0, %dma_start3A_115, %dma_start3A_116] : memref<2x10240x64xf32, #tpu.memory_space<hbm>> -> memref<1x10240x64xf32, #tpu.memory_space<hbm>>
    %dma_start3A_118 = tpu.memref_squeeze %dma_start3A_117 : memref<1x10240x64xf32, #tpu.memory_space<hbm>> -> memref<10240x64xf32, #tpu.memory_space<hbm>>
    %dma_start3A_119 = arith.constant 0 : i32
    %dma_start3A_120 = arith.constant 0 : i32
    %dma_start3A_121 = tpu.memref_slice %dma_start3A_118[%dma_start3A_119, %dma_start3A_120] : memref<10240x64xf32, #tpu.memory_space<hbm>> -> memref<10240x64xf32, #tpu.memory_space<hbm>>
    tpu.enqueue_indirect_dma source(%dma_start3A_121 : memref<10240x64xf32, #tpu.memory_space<hbm>>) target(%arg10 : memref<80x64xf32, #tpu.memory_space<vmem>>) offsets(%dma_start3A_114 : memref<80xi32, #tpu.memory_space<vmem>>) semaphore(%arg17 : memref<!tpu.dma_semaphore, #tpu.memory_space<semaphore_mem>>)
    %dma_start3A_122 = arith.constant 320 : i32
    %dma_start3A_123 = tpu.memref_slice %arg5[%dma_start3A_122] : memref<20000xi32, #tpu.memory_space<vmem>> -> memref<80xi32, #tpu.memory_space<vmem>>
    %dma_start3A_124 = arith.constant 0 : i32
    %dma_start3A_125 = arith.constant 0 : i32
    %dma_start3A_126 = tpu.memref_slice %arg2[%arg0, %dma_start3A_124, %dma_start3A_125] : memref<2x10240x64xf32, #tpu.memory_space<hbm>> -> memref<1x10240x64xf32, #tpu.memory_space<hbm>>
    %dma_start3A_127 = tpu.memref_squeeze %dma_start3A_126 : memref<1x10240x64xf32, #tpu.memory_space<hbm>> -> memref<10240x64xf32, #tpu.memory_space<hbm>>
    %dma_start3A_128 = arith.constant 0 : i32
    %dma_start3A_129 = arith.constant 0 : i32
    %dma_start3A_130 = tpu.memref_slice %dma_start3A_127[%dma_start3A_128, %dma_start3A_129] : memref<10240x64xf32, #tpu.memory_space<hbm>> -> memref<10240x64xf32, #tpu.memory_space<hbm>>
    tpu.enqueue_indirect_dma source(%dma_start3A_130 : memref<10240x64xf32, #tpu.memory_space<hbm>>) target(%arg11 : memref<80x64xf32, #tpu.memory_space<vmem>>) offsets(%dma_start3A_123 : memref<80xi32, #tpu.memory_space<vmem>>) semaphore(%arg18 : memref<!tpu.dma_semaphore, #tpu.memory_space<semaphore_mem>>)
    %scan3A_131 = arith.constant 0 : i32
    %scan3A_132 = arith.constant 0 : i32
    %scan3A_133 = arith.constant 50 : i32
    %scan3A_134 = arith.addi %scan3A_132, %scan3A_133 : i32
    %scan3A_135 = arith.constant 1 : i32
    %scan3A_136 = scf.for %scan3A_143 = %scan3A_132 to %scan3A_134 step %scan3A_135 iter_args(%scan3A_144 = %scan3A_131) -> (i32)  : i32 {
      %mul3A_145 = arith.constant 5 : i32
      %mul3A_146 = arith.muli %mul3A_145, %scan3A_143 : i32
      %add3A_147 = arith.constant 0 : i32
      %add3A_148 = arith.addi %mul3A_146, %add3A_147 : i32
      %mul3A_149 = arith.constant 80 : i32
      %mul3A_150 = arith.muli %add3A_148, %mul3A_149 : i32
      %dma_wait3A_151 = tpu.memref_slice %arg5[%mul3A_150] : memref<20000xi32, #tpu.memory_space<vmem>> -> memref<80xi32, #tpu.memory_space<vmem>>
      %dma_wait3A_152 = arith.constant 0 : i32
      %dma_wait3A_153 = arith.constant 0 : i32
      %dma_wait3A_154 = tpu.memref_slice %arg2[%arg0, %dma_wait3A_152, %dma_wait3A_153] : memref<2x10240x64xf32, #tpu.memory_space<hbm>> -> memref<1x10240x64xf32, #tpu.memory_space<hbm>>
      %dma_wait3A_155 = tpu.memref_squeeze %dma_wait3A_154 : memref<1x10240x64xf32, #tpu.memory_space<hbm>> -> memref<10240x64xf32, #tpu.memory_space<hbm>>
      %dma_wait3A_156 = arith.constant 0 : i32
      %dma_wait3A_157 = arith.constant 0 : i32
      %dma_wait3A_158 = tpu.memref_slice %dma_wait3A_155[%dma_wait3A_156, %dma_wait3A_157] : memref<10240x64xf32, #tpu.memory_space<hbm>> -> memref<10240x64xf32, #tpu.memory_space<hbm>>
      tpu.wait_indirect_dma semaphore(%arg14 : memref<!tpu.dma_semaphore, #tpu.memory_space<semaphore_mem>>) src(%dma_wait3A_158 : memref<10240x64xf32, #tpu.memory_space<hbm>>) dst(%arg7 : memref<80x64xf32, #tpu.memory_space<vmem>>)
      %mul3A_159 = arith.constant 80 : i32
      %mul3A_160 = arith.muli %add3A_148, %mul3A_159 : i32
      "tpu.region"() ({
        %run_scoped3A = tpu.sem_alloc : memref<!tpu.dma_semaphore, #tpu.memory_space<semaphore_mem>>
        %dma_start3A_250 = tpu.memref_slice %arg6[%mul3A_160] : memref<20000xi32, #tpu.memory_space<vmem>> -> memref<80xi32, #tpu.memory_space<vmem>>
        %dma_start3A_251 = arith.constant 0 : i32
        %dma_start3A_252 = arith.constant 0 : i32
        %dma_start3A_253 = tpu.memref_slice %arg13[%dma_start3A_251, %dma_start3A_252] : memref<10240x64xf32, #tpu.memory_space<vmem_shared>> -> memref<10240x64xf32, #tpu.memory_space<vmem_shared>>
        tpu.enqueue_indirect_dma source(%arg7 : memref<80x64xf32, #tpu.memory_space<vmem>>) target(%dma_start3A_253 : memref<10240x64xf32, #tpu.memory_space<vmem_shared>>) offsets(%dma_start3A_250 : memref<80xi32, #tpu.memory_space<vmem>>) semaphore(%run_scoped3A : memref<!tpu.dma_semaphore, #tpu.memory_space<semaphore_mem>>) {add = true}
        %dma_wait3A_254 = tpu.memref_slice %arg6[%mul3A_160] : memref<20000xi32, #tpu.memory_space<vmem>> -> memref<80xi32, #tpu.memory_space<vmem>>
        %dma_wait3A_255 = arith.constant 0 : i32
        %dma_wait3A_256 = arith.constant 0 : i32
        %dma_wait3A_257 = tpu.memref_slice %arg13[%dma_wait3A_255, %dma_wait3A_256] : memref<10240x64xf32, #tpu.memory_space<vmem_shared>> -> memref<10240x64xf32, #tpu.memory_space<vmem_shared>>
        tpu.wait_indirect_dma semaphore(%run_scoped3A : memref<!tpu.dma_semaphore, #tpu.memory_space<semaphore_mem>>) src(%arg7 : memref<80x64xf32, #tpu.memory_space<vmem>>) dst(%dma_wait3A_257 : memref<10240x64xf32, #tpu.memory_space<vmem_shared>>)
        tpu.yield
      }) : () -> ()
      %add3A_161 = arith.constant 5 : i32
      %add3A_162 = arith.addi %add3A_148, %add3A_161 : i32
      %lt3A = arith.constant 250 : i32
      %lt3A_163 = arith.cmpi slt, %add3A_162, %lt3A : i32
      %convert_element_type3A = arith.extui %lt3A_163 : i1 to i32
      %cond3A = arith.constant 0 : i32
      %cond3A_164 = arith.cmpi ne, %convert_element_type3A, %cond3A : i32
      scf.if %cond3A_164 {
        %add3A_250 = arith.constant 5 : i32
        %add3A_251 = arith.addi %add3A_148, %add3A_250 : i32
        %mul3A_252 = arith.constant 80 : i32
        %mul3A_253 = arith.muli %add3A_251, %mul3A_252 : i32
        %dma_start3A_254 = tpu.memref_slice %arg5[%mul3A_253] : memref<20000xi32, #tpu.memory_space<vmem>> -> memref<80xi32, #tpu.memory_space<vmem>>
        %dma_start3A_255 = arith.constant 0 : i32
        %dma_start3A_256 = arith.constant 0 : i32
        %dma_start3A_257 = tpu.memref_slice %arg2[%arg0, %dma_start3A_255, %dma_start3A_256] : memref<2x10240x64xf32, #tpu.memory_space<hbm>> -> memref<1x10240x64xf32, #tpu.memory_space<hbm>>
        %dma_start3A_258 = tpu.memref_squeeze %dma_start3A_257 : memref<1x10240x64xf32, #tpu.memory_space<hbm>> -> memref<10240x64xf32, #tpu.memory_space<hbm>>
        %dma_start3A_259 = arith.constant 0 : i32
        %dma_start3A_260 = arith.constant 0 : i32
        %dma_start3A_261 = tpu.memref_slice %dma_start3A_258[%dma_start3A_259, %dma_start3A_260] : memref<10240x64xf32, #tpu.memory_space<hbm>> -> memref<10240x64xf32, #tpu.memory_space<hbm>>
        tpu.enqueue_indirect_dma source(%dma_start3A_261 : memref<10240x64xf32, #tpu.memory_space<hbm>>) target(%arg7 : memref<80x64xf32, #tpu.memory_space<vmem>>) offsets(%dma_start3A_254 : memref<80xi32, #tpu.memory_space<vmem>>) semaphore(%arg14 : memref<!tpu.dma_semaphore, #tpu.memory_space<semaphore_mem>>)
      } else {
      }
      %add3A_165 = arith.constant 1 : i32
      %add3A_166 = arith.addi %mul3A_146, %add3A_165 : i32
      %mul3A_167 = arith.constant 80 : i32
      %mul3A_168 = arith.muli %add3A_166, %mul3A_167 : i32
      %dma_wait3A_169 = tpu.memref_slice %arg5[%mul3A_168] : memref<20000xi32, #tpu.memory_space<vmem>> -> memref<80xi32, #tpu.memory_space<vmem>>
      %dma_wait3A_170 = arith.constant 0 : i32
      %dma_wait3A_171 = arith.constant 0 : i32
      %dma_wait3A_172 = tpu.memref_slice %arg2[%arg0, %dma_wait3A_170, %dma_wait3A_171] : memref<2x10240x64xf32, #tpu.memory_space<hbm>> -> memref<1x10240x64xf32, #tpu.memory_space<hbm>>
      %dma_wait3A_173 = tpu.memref_squeeze %dma_wait3A_172 : memref<1x10240x64xf32, #tpu.memory_space<hbm>> -> memref<10240x64xf32, #tpu.memory_space<hbm>>
      %dma_wait3A_174 = arith.constant 0 : i32
      %dma_wait3A_175 = arith.constant 0 : i32
      %dma_wait3A_176 = tpu.memref_slice %dma_wait3A_173[%dma_wait3A_174, %dma_wait3A_175] : memref<10240x64xf32, #tpu.memory_space<hbm>> -> memref<10240x64xf32, #tpu.memory_space<hbm>>
      tpu.wait_indirect_dma semaphore(%arg15 : memref<!tpu.dma_semaphore, #tpu.memory_space<semaphore_mem>>) src(%dma_wait3A_176 : memref<10240x64xf32, #tpu.memory_space<hbm>>) dst(%arg8 : memref<80x64xf32, #tpu.memory_space<vmem>>)
      %mul3A_177 = arith.constant 80 : i32
      %mul3A_178 = arith.muli %add3A_166, %mul3A_177 : i32
      "tpu.region"() ({
        %run_scoped3A = tpu.sem_alloc : memref<!tpu.dma_semaphore, #tpu.memory_space<semaphore_mem>>
        %dma_start3A_250 = tpu.memref_slice %arg6[%mul3A_178] : memref<20000xi32, #tpu.memory_space<vmem>> -> memref<80xi32, #tpu.memory_space<vmem>>
        %dma_start3A_251 = arith.constant 0 : i32
        %dma_start3A_252 = arith.constant 0 : i32
        %dma_start3A_253 = tpu.memref_slice %arg13[%dma_start3A_251, %dma_start3A_252] : memref<10240x64xf32, #tpu.memory_space<vmem_shared>> -> memref<10240x64xf32, #tpu.memory_space<vmem_shared>>
        tpu.enqueue_indirect_dma source(%arg8 : memref<80x64xf32, #tpu.memory_space<vmem>>) target(%dma_start3A_253 : memref<10240x64xf32, #tpu.memory_space<vmem_shared>>) offsets(%dma_start3A_250 : memref<80xi32, #tpu.memory_space<vmem>>) semaphore(%run_scoped3A : memref<!tpu.dma_semaphore, #tpu.memory_space<semaphore_mem>>) {add = true}
        %dma_wait3A_254 = tpu.memref_slice %arg6[%mul3A_178] : memref<20000xi32, #tpu.memory_space<vmem>> -> memref<80xi32, #tpu.memory_space<vmem>>
        %dma_wait3A_255 = arith.constant 0 : i32
        %dma_wait3A_256 = arith.constant 0 : i32
        %dma_wait3A_257 = tpu.memref_slice %arg13[%dma_wait3A_255, %dma_wait3A_256] : memref<10240x64xf32, #tpu.memory_space<vmem_shared>> -> memref<10240x64xf32, #tpu.memory_space<vmem_shared>>
        tpu.wait_indirect_dma semaphore(%run_scoped3A : memref<!tpu.dma_semaphore, #tpu.memory_space<semaphore_mem>>) src(%arg8 : memref<80x64xf32, #tpu.memory_space<vmem>>) dst(%dma_wait3A_257 : memref<10240x64xf32, #tpu.memory_space<vmem_shared>>)
        tpu.yield
      }) : () -> ()
      %add3A_179 = arith.constant 5 : i32
      %add3A_180 = arith.addi %add3A_166, %add3A_179 : i32
      %lt3A_181 = arith.constant 250 : i32
      %lt3A_182 = arith.cmpi slt, %add3A_180, %lt3A_181 : i32
      %convert_element_type3A_183 = arith.extui %lt3A_182 : i1 to i32
      %cond3A_184 = arith.constant 0 : i32
      %cond3A_185 = arith.cmpi ne, %convert_element_type3A_183, %cond3A_184 : i32
      scf.if %cond3A_185 {
        %add3A_250 = arith.constant 5 : i32
        %add3A_251 = arith.addi %add3A_166, %add3A_250 : i32
        %mul3A_252 = arith.constant 80 : i32
        %mul3A_253 = arith.muli %add3A_251, %mul3A_252 : i32
        %dma_start3A_254 = tpu.memref_slice %arg5[%mul3A_253] : memref<20000xi32, #tpu.memory_space<vmem>> -> memref<80xi32, #tpu.memory_space<vmem>>
        %dma_start3A_255 = arith.constant 0 : i32
        %dma_start3A_256 = arith.constant 0 : i32
        %dma_start3A_257 = tpu.memref_slice %arg2[%arg0, %dma_start3A_255, %dma_start3A_256] : memref<2x10240x64xf32, #tpu.memory_space<hbm>> -> memref<1x10240x64xf32, #tpu.memory_space<hbm>>
        %dma_start3A_258 = tpu.memref_squeeze %dma_start3A_257 : memref<1x10240x64xf32, #tpu.memory_space<hbm>> -> memref<10240x64xf32, #tpu.memory_space<hbm>>
        %dma_start3A_259 = arith.constant 0 : i32
        %dma_start3A_260 = arith.constant 0 : i32
        %dma_start3A_261 = tpu.memref_slice %dma_start3A_258[%dma_start3A_259, %dma_start3A_260] : memref<10240x64xf32, #tpu.memory_space<hbm>> -> memref<10240x64xf32, #tpu.memory_space<hbm>>
        tpu.enqueue_indirect_dma source(%dma_start3A_261 : memref<10240x64xf32, #tpu.memory_space<hbm>>) target(%arg8 : memref<80x64xf32, #tpu.memory_space<vmem>>) offsets(%dma_start3A_254 : memref<80xi32, #tpu.memory_space<vmem>>) semaphore(%arg15 : memref<!tpu.dma_semaphore, #tpu.memory_space<semaphore_mem>>)
      } else {
      }
      %add3A_186 = arith.constant 2 : i32
      %add3A_187 = arith.addi %mul3A_146, %add3A_186 : i32
      %mul3A_188 = arith.constant 80 : i32
      %mul3A_189 = arith.muli %add3A_187, %mul3A_188 : i32
      %dma_wait3A_190 = tpu.memref_slice %arg5[%mul3A_189] : memref<20000xi32, #tpu.memory_space<vmem>> -> memref<80xi32, #tpu.memory_space<vmem>>
      %dma_wait3A_191 = arith.constant 0 : i32
      %dma_wait3A_192 = arith.constant 0 : i32
      %dma_wait3A_193 = tpu.memref_slice %arg2[%arg0, %dma_wait3A_191, %dma_wait3A_192] : memref<2x10240x64xf32, #tpu.memory_space<hbm>> -> memref<1x10240x64xf32, #tpu.memory_space<hbm>>
      %dma_wait3A_194 = tpu.memref_squeeze %dma_wait3A_193 : memref<1x10240x64xf32, #tpu.memory_space<hbm>> -> memref<10240x64xf32, #tpu.memory_space<hbm>>
      %dma_wait3A_195 = arith.constant 0 : i32
      %dma_wait3A_196 = arith.constant 0 : i32
      %dma_wait3A_197 = tpu.memref_slice %dma_wait3A_194[%dma_wait3A_195, %dma_wait3A_196] : memref<10240x64xf32, #tpu.memory_space<hbm>> -> memref<10240x64xf32, #tpu.memory_space<hbm>>
      tpu.wait_indirect_dma semaphore(%arg16 : memref<!tpu.dma_semaphore, #tpu.memory_space<semaphore_mem>>) src(%dma_wait3A_197 : memref<10240x64xf32, #tpu.memory_space<hbm>>) dst(%arg9 : memref<80x64xf32, #tpu.memory_space<vmem>>)
      %mul3A_198 = arith.constant 80 : i32
      %mul3A_199 = arith.muli %add3A_187, %mul3A_198 : i32
      "tpu.region"() ({
        %run_scoped3A = tpu.sem_alloc : memref<!tpu.dma_semaphore, #tpu.memory_space<semaphore_mem>>
        %dma_start3A_250 = tpu.memref_slice %arg6[%mul3A_199] : memref<20000xi32, #tpu.memory_space<vmem>> -> memref<80xi32, #tpu.memory_space<vmem>>
        %dma_start3A_251 = arith.constant 0 : i32
        %dma_start3A_252 = arith.constant 0 : i32
        %dma_start3A_253 = tpu.memref_slice %arg13[%dma_start3A_251, %dma_start3A_252] : memref<10240x64xf32, #tpu.memory_space<vmem_shared>> -> memref<10240x64xf32, #tpu.memory_space<vmem_shared>>
        tpu.enqueue_indirect_dma source(%arg9 : memref<80x64xf32, #tpu.memory_space<vmem>>) target(%dma_start3A_253 : memref<10240x64xf32, #tpu.memory_space<vmem_shared>>) offsets(%dma_start3A_250 : memref<80xi32, #tpu.memory_space<vmem>>) semaphore(%run_scoped3A : memref<!tpu.dma_semaphore, #tpu.memory_space<semaphore_mem>>) {add = true}
        %dma_wait3A_254 = tpu.memref_slice %arg6[%mul3A_199] : memref<20000xi32, #tpu.memory_space<vmem>> -> memref<80xi32, #tpu.memory_space<vmem>>
        %dma_wait3A_255 = arith.constant 0 : i32
        %dma_wait3A_256 = arith.constant 0 : i32
        %dma_wait3A_257 = tpu.memref_slice %arg13[%dma_wait3A_255, %dma_wait3A_256] : memref<10240x64xf32, #tpu.memory_space<vmem_shared>> -> memref<10240x64xf32, #tpu.memory_space<vmem_shared>>
        tpu.wait_indirect_dma semaphore(%run_scoped3A : memref<!tpu.dma_semaphore, #tpu.memory_space<semaphore_mem>>) src(%arg9 : memref<80x64xf32, #tpu.memory_space<vmem>>) dst(%dma_wait3A_257 : memref<10240x64xf32, #tpu.memory_space<vmem_shared>>)
        tpu.yield
      }) : () -> ()
      %add3A_200 = arith.constant 5 : i32
      %add3A_201 = arith.addi %add3A_187, %add3A_200 : i32
      %lt3A_202 = arith.constant 250 : i32
      %lt3A_203 = arith.cmpi slt, %add3A_201, %lt3A_202 : i32
      %convert_element_type3A_204 = arith.extui %lt3A_203 : i1 to i32
      %cond3A_205 = arith.constant 0 : i32
      %cond3A_206 = arith.cmpi ne, %convert_element_type3A_204, %cond3A_205 : i32
      scf.if %cond3A_206 {
        %add3A_250 = arith.constant 5 : i32
        %add3A_251 = arith.addi %add3A_187, %add3A_250 : i32
        %mul3A_252 = arith.constant 80 : i32
        %mul3A_253 = arith.muli %add3A_251, %mul3A_252 : i32
        %dma_start3A_254 = tpu.memref_slice %arg5[%mul3A_253] : memref<20000xi32, #tpu.memory_space<vmem>> -> memref<80xi32, #tpu.memory_space<vmem>>
        %dma_start3A_255 = arith.constant 0 : i32
        %dma_start3A_256 = arith.constant 0 : i32
        %dma_start3A_257 = tpu.memref_slice %arg2[%arg0, %dma_start3A_255, %dma_start3A_256] : memref<2x10240x64xf32, #tpu.memory_space<hbm>> -> memref<1x10240x64xf32, #tpu.memory_space<hbm>>
        %dma_start3A_258 = tpu.memref_squeeze %dma_start3A_257 : memref<1x10240x64xf32, #tpu.memory_space<hbm>> -> memref<10240x64xf32, #tpu.memory_space<hbm>>
        %dma_start3A_259 = arith.constant 0 : i32
        %dma_start3A_260 = arith.constant 0 : i32
        %dma_start3A_261 = tpu.memref_slice %dma_start3A_258[%dma_start3A_259, %dma_start3A_260] : memref<10240x64xf32, #tpu.memory_space<hbm>> -> memref<10240x64xf32, #tpu.memory_space<hbm>>
        tpu.enqueue_indirect_dma source(%dma_start3A_261 : memref<10240x64xf32, #tpu.memory_space<hbm>>) target(%arg9 : memref<80x64xf32, #tpu.memory_space<vmem>>) offsets(%dma_start3A_254 : memref<80xi32, #tpu.memory_space<vmem>>) semaphore(%arg16 : memref<!tpu.dma_semaphore, #tpu.memory_space<semaphore_mem>>)
      } else {
      }
      %add3A_207 = arith.constant 3 : i32
      %add3A_208 = arith.addi %mul3A_146, %add3A_207 : i32
      %mul3A_209 = arith.constant 80 : i32
      %mul3A_210 = arith.muli %add3A_208, %mul3A_209 : i32
      %dma_wait3A_211 = tpu.memref_slice %arg5[%mul3A_210] : memref<20000xi32, #tpu.memory_space<vmem>> -> memref<80xi32, #tpu.memory_space<vmem>>
      %dma_wait3A_212 = arith.constant 0 : i32
      %dma_wait3A_213 = arith.constant 0 : i32
      %dma_wait3A_214 = tpu.memref_slice %arg2[%arg0, %dma_wait3A_212, %dma_wait3A_213] : memref<2x10240x64xf32, #tpu.memory_space<hbm>> -> memref<1x10240x64xf32, #tpu.memory_space<hbm>>
      %dma_wait3A_215 = tpu.memref_squeeze %dma_wait3A_214 : memref<1x10240x64xf32, #tpu.memory_space<hbm>> -> memref<10240x64xf32, #tpu.memory_space<hbm>>
      %dma_wait3A_216 = arith.constant 0 : i32
      %dma_wait3A_217 = arith.constant 0 : i32
      %dma_wait3A_218 = tpu.memref_slice %dma_wait3A_215[%dma_wait3A_216, %dma_wait3A_217] : memref<10240x64xf32, #tpu.memory_space<hbm>> -> memref<10240x64xf32, #tpu.memory_space<hbm>>
      tpu.wait_indirect_dma semaphore(%arg17 : memref<!tpu.dma_semaphore, #tpu.memory_space<semaphore_mem>>) src(%dma_wait3A_218 : memref<10240x64xf32, #tpu.memory_space<hbm>>) dst(%arg10 : memref<80x64xf32, #tpu.memory_space<vmem>>)
      %mul3A_219 = arith.constant 80 : i32
      %mul3A_220 = arith.muli %add3A_208, %mul3A_219 : i32
      "tpu.region"() ({
        %run_scoped3A = tpu.sem_alloc : memref<!tpu.dma_semaphore, #tpu.memory_space<semaphore_mem>>
        %dma_start3A_250 = tpu.memref_slice %arg6[%mul3A_220] : memref<20000xi32, #tpu.memory_space<vmem>> -> memref<80xi32, #tpu.memory_space<vmem>>
        %dma_start3A_251 = arith.constant 0 : i32
        %dma_start3A_252 = arith.constant 0 : i32
        %dma_start3A_253 = tpu.memref_slice %arg13[%dma_start3A_251, %dma_start3A_252] : memref<10240x64xf32, #tpu.memory_space<vmem_shared>> -> memref<10240x64xf32, #tpu.memory_space<vmem_shared>>
        tpu.enqueue_indirect_dma source(%arg10 : memref<80x64xf32, #tpu.memory_space<vmem>>) target(%dma_start3A_253 : memref<10240x64xf32, #tpu.memory_space<vmem_shared>>) offsets(%dma_start3A_250 : memref<80xi32, #tpu.memory_space<vmem>>) semaphore(%run_scoped3A : memref<!tpu.dma_semaphore, #tpu.memory_space<semaphore_mem>>) {add = true}
        %dma_wait3A_254 = tpu.memref_slice %arg6[%mul3A_220] : memref<20000xi32, #tpu.memory_space<vmem>> -> memref<80xi32, #tpu.memory_space<vmem>>
        %dma_wait3A_255 = arith.constant 0 : i32
        %dma_wait3A_256 = arith.constant 0 : i32
        %dma_wait3A_257 = tpu.memref_slice %arg13[%dma_wait3A_255, %dma_wait3A_256] : memref<10240x64xf32, #tpu.memory_space<vmem_shared>> -> memref<10240x64xf32, #tpu.memory_space<vmem_shared>>
        tpu.wait_indirect_dma semaphore(%run_scoped3A : memref<!tpu.dma_semaphore, #tpu.memory_space<semaphore_mem>>) src(%arg10 : memref<80x64xf32, #tpu.memory_space<vmem>>) dst(%dma_wait3A_257 : memref<10240x64xf32, #tpu.memory_space<vmem_shared>>)
        tpu.yield
      }) : () -> ()
      %add3A_221 = arith.constant 5 : i32
      %add3A_222 = arith.addi %add3A_208, %add3A_221 : i32
      %lt3A_223 = arith.constant 250 : i32
      %lt3A_224 = arith.cmpi slt, %add3A_222, %lt3A_223 : i32
      %convert_element_type3A_225 = arith.extui %lt3A_224 : i1 to i32
      %cond3A_226 = arith.constant 0 : i32
      %cond3A_227 = arith.cmpi ne, %convert_element_type3A_225, %cond3A_226 : i32
      scf.if %cond3A_227 {
        %add3A_250 = arith.constant 5 : i32
        %add3A_251 = arith.addi %add3A_208, %add3A_250 : i32
        %mul3A_252 = arith.constant 80 : i32
        %mul3A_253 = arith.muli %add3A_251, %mul3A_252 : i32
        %dma_start3A_254 = tpu.memref_slice %arg5[%mul3A_253] : memref<20000xi32, #tpu.memory_space<vmem>> -> memref<80xi32, #tpu.memory_space<vmem>>
        %dma_start3A_255 = arith.constant 0 : i32
        %dma_start3A_256 = arith.constant 0 : i32
        %dma_start3A_257 = tpu.memref_slice %arg2[%arg0, %dma_start3A_255, %dma_start3A_256] : memref<2x10240x64xf32, #tpu.memory_space<hbm>> -> memref<1x10240x64xf32, #tpu.memory_space<hbm>>
        %dma_start3A_258 = tpu.memref_squeeze %dma_start3A_257 : memref<1x10240x64xf32, #tpu.memory_space<hbm>> -> memref<10240x64xf32, #tpu.memory_space<hbm>>
        %dma_start3A_259 = arith.constant 0 : i32
        %dma_start3A_260 = arith.constant 0 : i32
        %dma_start3A_261 = tpu.memref_slice %dma_start3A_258[%dma_start3A_259, %dma_start3A_260] : memref<10240x64xf32, #tpu.memory_space<hbm>> -> memref<10240x64xf32, #tpu.memory_space<hbm>>
        tpu.enqueue_indirect_dma source(%dma_start3A_261 : memref<10240x64xf32, #tpu.memory_space<hbm>>) target(%arg10 : memref<80x64xf32, #tpu.memory_space<vmem>>) offsets(%dma_start3A_254 : memref<80xi32, #tpu.memory_space<vmem>>) semaphore(%arg17 : memref<!tpu.dma_semaphore, #tpu.memory_space<semaphore_mem>>)
      } else {
      }
      %add3A_228 = arith.constant 4 : i32
      %add3A_229 = arith.addi %mul3A_146, %add3A_228 : i32
      %mul3A_230 = arith.constant 80 : i32
      %mul3A_231 = arith.muli %add3A_229, %mul3A_230 : i32
      %dma_wait3A_232 = tpu.memref_slice %arg5[%mul3A_231] : memref<20000xi32, #tpu.memory_space<vmem>> -> memref<80xi32, #tpu.memory_space<vmem>>
      %dma_wait3A_233 = arith.constant 0 : i32
      %dma_wait3A_234 = arith.constant 0 : i32
      %dma_wait3A_235 = tpu.memref_slice %arg2[%arg0, %dma_wait3A_233, %dma_wait3A_234] : memref<2x10240x64xf32, #tpu.memory_space<hbm>> -> memref<1x10240x64xf32, #tpu.memory_space<hbm>>
      %dma_wait3A_236 = tpu.memref_squeeze %dma_wait3A_235 : memref<1x10240x64xf32, #tpu.memory_space<hbm>> -> memref<10240x64xf32, #tpu.memory_space<hbm>>
      %dma_wait3A_237 = arith.constant 0 : i32
      %dma_wait3A_238 = arith.constant 0 : i32
      %dma_wait3A_239 = tpu.memref_slice %dma_wait3A_236[%dma_wait3A_237, %dma_wait3A_238] : memref<10240x64xf32, #tpu.memory_space<hbm>> -> memref<10240x64xf32, #tpu.memory_space<hbm>>
      tpu.wait_indirect_dma semaphore(%arg18 : memref<!tpu.dma_semaphore, #tpu.memory_space<semaphore_mem>>) src(%dma_wait3A_239 : memref<10240x64xf32, #tpu.memory_space<hbm>>) dst(%arg11 : memref<80x64xf32, #tpu.memory_space<vmem>>)
      %mul3A_240 = arith.constant 80 : i32
      %mul3A_241 = arith.muli %add3A_229, %mul3A_240 : i32
      "tpu.region"() ({
        %run_scoped3A = tpu.sem_alloc : memref<!tpu.dma_semaphore, #tpu.memory_space<semaphore_mem>>
        %dma_start3A_250 = tpu.memref_slice %arg6[%mul3A_241] : memref<20000xi32, #tpu.memory_space<vmem>> -> memref<80xi32, #tpu.memory_space<vmem>>
        %dma_start3A_251 = arith.constant 0 : i32
        %dma_start3A_252 = arith.constant 0 : i32
        %dma_start3A_253 = tpu.memref_slice %arg13[%dma_start3A_251, %dma_start3A_252] : memref<10240x64xf32, #tpu.memory_space<vmem_shared>> -> memref<10240x64xf32, #tpu.memory_space<vmem_shared>>
        tpu.enqueue_indirect_dma source(%arg11 : memref<80x64xf32, #tpu.memory_space<vmem>>) target(%dma_start3A_253 : memref<10240x64xf32, #tpu.memory_space<vmem_shared>>) offsets(%dma_start3A_250 : memref<80xi32, #tpu.memory_space<vmem>>) semaphore(%run_scoped3A : memref<!tpu.dma_semaphore, #tpu.memory_space<semaphore_mem>>) {add = true}
        %dma_wait3A_254 = tpu.memref_slice %arg6[%mul3A_241] : memref<20000xi32, #tpu.memory_space<vmem>> -> memref<80xi32, #tpu.memory_space<vmem>>
        %dma_wait3A_255 = arith.constant 0 : i32
        %dma_wait3A_256 = arith.constant 0 : i32
        %dma_wait3A_257 = tpu.memref_slice %arg13[%dma_wait3A_255, %dma_wait3A_256] : memref<10240x64xf32, #tpu.memory_space<vmem_shared>> -> memref<10240x64xf32, #tpu.memory_space<vmem_shared>>
        tpu.wait_indirect_dma semaphore(%run_scoped3A : memref<!tpu.dma_semaphore, #tpu.memory_space<semaphore_mem>>) src(%arg11 : memref<80x64xf32, #tpu.memory_space<vmem>>) dst(%dma_wait3A_257 : memref<10240x64xf32, #tpu.memory_space<vmem_shared>>)
        tpu.yield
      }) : () -> ()
      %add3A_242 = arith.constant 5 : i32
      %add3A_243 = arith.addi %add3A_229, %add3A_242 : i32
      %lt3A_244 = arith.constant 250 : i32
      %lt3A_245 = arith.cmpi slt, %add3A_243, %lt3A_244 : i32
      %convert_element_type3A_246 = arith.extui %lt3A_245 : i1 to i32
      %cond3A_247 = arith.constant 0 : i32
      %cond3A_248 = arith.cmpi ne, %convert_element_type3A_246, %cond3A_247 : i32
      scf.if %cond3A_248 {
        %add3A_250 = arith.constant 5 : i32
        %add3A_251 = arith.addi %add3A_229, %add3A_250 : i32
        %mul3A_252 = arith.constant 80 : i32
        %mul3A_253 = arith.muli %add3A_251, %mul3A_252 : i32
        %dma_start3A_254 = tpu.memref_slice %arg5[%mul3A_253] : memref<20000xi32, #tpu.memory_space<vmem>> -> memref<80xi32, #tpu.memory_space<vmem>>
        %dma_start3A_255 = arith.constant 0 : i32
        %dma_start3A_256 = arith.constant 0 : i32
        %dma_start3A_257 = tpu.memref_slice %arg2[%arg0, %dma_start3A_255, %dma_start3A_256] : memref<2x10240x64xf32, #tpu.memory_space<hbm>> -> memref<1x10240x64xf32, #tpu.memory_space<hbm>>
        %dma_start3A_258 = tpu.memref_squeeze %dma_start3A_257 : memref<1x10240x64xf32, #tpu.memory_space<hbm>> -> memref<10240x64xf32, #tpu.memory_space<hbm>>
        %dma_start3A_259 = arith.constant 0 : i32
        %dma_start3A_260 = arith.constant 0 : i32
        %dma_start3A_261 = tpu.memref_slice %dma_start3A_258[%dma_start3A_259, %dma_start3A_260] : memref<10240x64xf32, #tpu.memory_space<hbm>> -> memref<10240x64xf32, #tpu.memory_space<hbm>>
        tpu.enqueue_indirect_dma source(%dma_start3A_261 : memref<10240x64xf32, #tpu.memory_space<hbm>>) target(%arg11 : memref<80x64xf32, #tpu.memory_space<vmem>>) offsets(%dma_start3A_254 : memref<80xi32, #tpu.memory_space<vmem>>) semaphore(%arg18 : memref<!tpu.dma_semaphore, #tpu.memory_space<semaphore_mem>>)
      } else {
      }
      %scan3A_249 = arith.constant 0 : i32
      scf.yield %scan3A_249 : i32
    }
    %scan3A_137 = arith.constant 50 : i32
    %barrier3A_138 = arith.constant 0 : index
    tpu.barrier barrier_id(%barrier3A_138)
    %mul3A_139 = arith.constant 640 : i32
    %mul3A_140 = arith.muli %arg1, %mul3A_139 : i32
    %mul3A_141 = arith.constant 640 : i32
    %mul3A_142 = arith.muli %arg1, %mul3A_141 : i32
    "tpu.region"() ({
      %run_scoped3A = tpu.sem_alloc : memref<!tpu.dma_semaphore, #tpu.memory_space<semaphore_mem>>
      %dma_start3A_143 = arith.constant 0 : i32
      %dma_start3A_144 = arith.constant 0 : i32
      %dma_start3A_145 = tpu.memref_slice %arg4[%arg0, %dma_start3A_143, %dma_start3A_144] : memref<2x10240x64xf32, #tpu.memory_space<hbm>> -> memref<1x10240x64xf32, #tpu.memory_space<hbm>>
      %dma_start3A_146 = tpu.memref_squeeze %dma_start3A_145 : memref<1x10240x64xf32, #tpu.memory_space<hbm>> -> memref<10240x64xf32, #tpu.memory_space<hbm>>
      %dma_start3A_147 = arith.constant 0 : i32
      %dma_start3A_148 = tpu.memref_slice %dma_start3A_146[%mul3A_142, %dma_start3A_147] : memref<10240x64xf32, #tpu.memory_space<hbm>> -> memref<640x64xf32, #tpu.memory_space<hbm>>
      %dma_start3A_149 = arith.constant 0 : i32
      %dma_start3A_150 = tpu.memref_slice %arg13[%mul3A_140, %dma_start3A_149] : memref<10240x64xf32, #tpu.memory_space<vmem_shared>> -> memref<640x64xf32, #tpu.memory_space<vmem_shared>>
      tpu.enqueue_dma source(%dma_start3A_150 : memref<640x64xf32, #tpu.memory_space<vmem_shared>>) target(%dma_start3A_148 : memref<640x64xf32, #tpu.memory_space<hbm>>) target_semaphore(%run_scoped3A : memref<!tpu.dma_semaphore, #tpu.memory_space<semaphore_mem>>)
      %dma_wait3A_151 = arith.constant 0 : i32
      %dma_wait3A_152 = arith.constant 0 : i32
      %dma_wait3A_153 = tpu.memref_slice %arg4[%arg0, %dma_wait3A_151, %dma_wait3A_152] : memref<2x10240x64xf32, #tpu.memory_space<hbm>> -> memref<1x10240x64xf32, #tpu.memory_space<hbm>>
      %dma_wait3A_154 = tpu.memref_squeeze %dma_wait3A_153 : memref<1x10240x64xf32, #tpu.memory_space<hbm>> -> memref<10240x64xf32, #tpu.memory_space<hbm>>
      %dma_wait3A_155 = arith.constant 0 : i32
      %dma_wait3A_156 = tpu.memref_slice %dma_wait3A_154[%mul3A_142, %dma_wait3A_155] : memref<10240x64xf32, #tpu.memory_space<hbm>> -> memref<640x64xf32, #tpu.memory_space<hbm>>
      %dma_wait3A_157 = arith.constant 0 : i32
      %dma_wait3A_158 = tpu.memref_slice %arg13[%mul3A_140, %dma_wait3A_157] : memref<10240x64xf32, #tpu.memory_space<vmem_shared>> -> memref<640x64xf32, #tpu.memory_space<vmem_shared>>
      tpu.wait_dma2 semaphore(%run_scoped3A : memref<!tpu.dma_semaphore, #tpu.memory_space<semaphore_mem>>) src(%dma_wait3A_158 : memref<640x64xf32, #tpu.memory_space<vmem_shared>>) dst(%dma_wait3A_156 : memref<640x64xf32, #tpu.memory_space<hbm>>)
      tpu.yield
    }) : () -> ()
    return
  }
}

#map = affine_map<(d0, d1) -> (0, 0)>
#map1 = affine_map<(d0, d1) -> (0, 0, 0)>
module attributes {stable_mosaic.version = 14 : i64} {
  func.func @_deg_sc(%arg0: i32, %arg1: i32, %arg2: memref<2x320000xi32, #tpu.memory_space<hbm>>, %arg3: memref<2x10240x16xf32, #tpu.memory_space<hbm>>, %arg4: memref<10000xi32, #tpu.memory_space<vmem>>, %arg5: memref<80x16xf32, #tpu.memory_space<vmem>>, %arg6: memref<640x16xf32, #tpu.memory_space<vmem>>, %arg7: memref<10240x16xf32, #tpu.memory_space<vmem_shared>>, %arg8: memref<!tpu.dma_semaphore, #tpu.memory_space<semaphore_mem>>) attributes {dimension_semantics = [#tpu.dimension_semantics<core_parallel>, #tpu.dimension_semantics<subcore_parallel>], iteration_bounds = array<i64: 2, 16>, scalar_prefetch = 0 : i64, scratch_operands = 5 : i64, tpu.core_type = #tpu.core_type<sc_vector_subcore>, window_params = [{transform_indices = #map}, {transform_indices = #map1}]} {
    %mul3A = arith.constant 16 : i32
    %mul3A_0 = arith.muli %arg0, %mul3A : i32
    %add3A = arith.addi %mul3A_0, %arg1 : i32
    %mul3A_1 = arith.constant 10000 : i32
    %mul3A_2 = arith.muli %add3A, %mul3A_1 : i32
    %run_scoped3A = arith.constant 1 : i32
    "tpu.region"() ({
      %run_scoped3A_37 = tpu.sem_alloc : memref<!tpu.dma_semaphore, #tpu.memory_space<semaphore_mem>>
      %dma_start3A = arith.constant 0 : i32
      %dma_start3A_38 = tpu.memref_slice %arg2[%run_scoped3A, %dma_start3A] : memref<2x320000xi32, #tpu.memory_space<hbm>> -> memref<1x320000xi32, #tpu.memory_space<hbm>>
      %dma_start3A_39 = tpu.memref_squeeze %dma_start3A_38 : memref<1x320000xi32, #tpu.memory_space<hbm>> -> memref<320000xi32, #tpu.memory_space<hbm>>
      %dma_start3A_40 = tpu.memref_slice %dma_start3A_39[%mul3A_2] : memref<320000xi32, #tpu.memory_space<hbm>> -> memref<10000xi32, #tpu.memory_space<hbm>>
      %dma_start3A_41 = arith.constant 0 : i32
      %dma_start3A_42 = tpu.memref_slice %arg2[%run_scoped3A, %dma_start3A_41] : memref<2x320000xi32, #tpu.memory_space<hbm>> -> memref<1x320000xi32, #tpu.memory_space<hbm>>
      %dma_start3A_43 = tpu.memref_squeeze %dma_start3A_42 : memref<1x320000xi32, #tpu.memory_space<hbm>> -> memref<320000xi32, #tpu.memory_space<hbm>>
      %dma_start3A_44 = tpu.memref_slice %dma_start3A_43[%mul3A_2] : memref<320000xi32, #tpu.memory_space<hbm>> -> memref<10000xi32, #tpu.memory_space<hbm>>
      tpu.enqueue_dma source(%dma_start3A_44 : memref<10000xi32, #tpu.memory_space<hbm>>) target(%arg4 : memref<10000xi32, #tpu.memory_space<vmem>>) target_semaphore(%run_scoped3A_37 : memref<!tpu.dma_semaphore, #tpu.memory_space<semaphore_mem>>)
      %dma_wait3A = arith.constant 0 : i32
      %dma_wait3A_45 = tpu.memref_slice %arg2[%run_scoped3A, %dma_wait3A] : memref<2x320000xi32, #tpu.memory_space<hbm>> -> memref<1x320000xi32, #tpu.memory_space<hbm>>
      %dma_wait3A_46 = tpu.memref_squeeze %dma_wait3A_45 : memref<1x320000xi32, #tpu.memory_space<hbm>> -> memref<320000xi32, #tpu.memory_space<hbm>>
      %dma_wait3A_47 = tpu.memref_slice %dma_wait3A_46[%mul3A_2] : memref<320000xi32, #tpu.memory_space<hbm>> -> memref<10000xi32, #tpu.memory_space<hbm>>
      %dma_wait3A_48 = arith.constant 0 : i32
      %dma_wait3A_49 = tpu.memref_slice %arg2[%run_scoped3A, %dma_wait3A_48] : memref<2x320000xi32, #tpu.memory_space<hbm>> -> memref<1x320000xi32, #tpu.memory_space<hbm>>
      %dma_wait3A_50 = tpu.memref_squeeze %dma_wait3A_49 : memref<1x320000xi32, #tpu.memory_space<hbm>> -> memref<320000xi32, #tpu.memory_space<hbm>>
      %dma_wait3A_51 = tpu.memref_slice %dma_wait3A_50[%mul3A_2] : memref<320000xi32, #tpu.memory_space<hbm>> -> memref<10000xi32, #tpu.memory_space<hbm>>
      tpu.wait_dma2 semaphore(%run_scoped3A_37 : memref<!tpu.dma_semaphore, #tpu.memory_space<semaphore_mem>>) src(%dma_wait3A_51 : memref<10000xi32, #tpu.memory_space<hbm>>) dst(%arg4 : memref<10000xi32, #tpu.memory_space<vmem>>)
      tpu.yield
    }) : () -> ()
    %scan3A = arith.constant 0 : i32
    %scan3A_3 = arith.constant 0 : i32
    %scan3A_4 = arith.constant 80 : i32
    %scan3A_5 = arith.addi %scan3A_3, %scan3A_4 : i32
    %scan3A_6 = arith.constant 1 : i32
    %scan3A_7 = scf.for %scan3A_37 = %scan3A_3 to %scan3A_5 step %scan3A_6 iter_args(%scan3A_38 = %scan3A) -> (i32)  : i32 {
      %broadcast_in_dim3A = arith.constant 1.000000e+00 : f32
      %broadcast_in_dim3A_39 = vector.broadcast %broadcast_in_dim3A : f32 to vector<16xf32>
      %swap3A = arith.index_cast %scan3A_37 : i32 to index
      %swap3A_40 = arith.constant 0 : index
      %swap3A_41 = tpu.vector_load %arg5[%swap3A, %swap3A_40] {strides = array<i32>} : memref<80x16xf32, #tpu.memory_space<vmem>>, vector<1x16xf32>,
      %swap3A_42 = vector.shape_cast %swap3A_41 : vector<1x16xf32> to vector<16xf32>
      %swap3A_43 = vector.shape_cast %broadcast_in_dim3A_39 : vector<16xf32> to vector<1x16xf32>
      tpu.vector_store %arg5[%swap3A, %swap3A_40], %swap3A_43 {strides = array<i32>} : memref<80x16xf32, #tpu.memory_space<vmem>>, vector<1x16xf32>,
      %scan3A_44 = arith.constant 0 : i32
      scf.yield %scan3A_44 : i32
    }
    %scan3A_8 = arith.constant 80 : i32
    %scan3A_9 = arith.constant 0 : i32
    %scan3A_10 = arith.constant 0 : i32
    %scan3A_11 = arith.constant 640 : i32
    %scan3A_12 = arith.addi %scan3A_10, %scan3A_11 : i32
    %scan3A_13 = arith.constant 1 : i32
    %scan3A_14 = scf.for %scan3A_37 = %scan3A_10 to %scan3A_12 step %scan3A_13 iter_args(%scan3A_38 = %scan3A_9) -> (i32)  : i32 {
      %broadcast_in_dim3A = arith.constant 0.000000e+00 : f32
      %broadcast_in_dim3A_39 = vector.broadcast %broadcast_in_dim3A : f32 to vector<16xf32>
      %swap3A = arith.index_cast %scan3A_37 : i32 to index
      %swap3A_40 = arith.constant 0 : index
      %swap3A_41 = tpu.vector_load %arg6[%swap3A, %swap3A_40] {strides = array<i32>} : memref<640x16xf32, #tpu.memory_space<vmem>>, vector<1x16xf32>,
      %swap3A_42 = vector.shape_cast %swap3A_41 : vector<1x16xf32> to vector<16xf32>
      %swap3A_43 = vector.shape_cast %broadcast_in_dim3A_39 : vector<16xf32> to vector<1x16xf32>
      tpu.vector_store %arg6[%swap3A, %swap3A_40], %swap3A_43 {strides = array<i32>} : memref<640x16xf32, #tpu.memory_space<vmem>>, vector<1x16xf32>,
      %scan3A_44 = arith.constant 0 : i32
      scf.yield %scan3A_44 : i32
    }
    %scan3A_15 = arith.constant 640 : i32
    %mul3A_16 = arith.constant 640 : i32
    %mul3A_17 = arith.muli %arg1, %mul3A_16 : i32
    "tpu.region"() ({
      %run_scoped3A_37 = tpu.sem_alloc : memref<!tpu.dma_semaphore, #tpu.memory_space<semaphore_mem>>
      %dma_start3A = arith.constant 0 : i32
      %dma_start3A_38 = tpu.memref_slice %arg7[%mul3A_17, %dma_start3A] : memref<10240x16xf32, #tpu.memory_space<vmem_shared>> -> memref<640x16xf32, #tpu.memory_space<vmem_shared>>
      %dma_start3A_39 = arith.constant 0 : i32
      %dma_start3A_40 = tpu.memref_slice %arg7[%mul3A_17, %dma_start3A_39] : memref<10240x16xf32, #tpu.memory_space<vmem_shared>> -> memref<640x16xf32, #tpu.memory_space<vmem_shared>>
      tpu.enqueue_dma source(%arg6 : memref<640x16xf32, #tpu.memory_space<vmem>>) target(%dma_start3A_40 : memref<640x16xf32, #tpu.memory_space<vmem_shared>>) target_semaphore(%run_scoped3A_37 : memref<!tpu.dma_semaphore, #tpu.memory_space<semaphore_mem>>)
      %dma_wait3A = arith.constant 0 : i32
      %dma_wait3A_41 = tpu.memref_slice %arg7[%mul3A_17, %dma_wait3A] : memref<10240x16xf32, #tpu.memory_space<vmem_shared>> -> memref<640x16xf32, #tpu.memory_space<vmem_shared>>
      %dma_wait3A_42 = arith.constant 0 : i32
      %dma_wait3A_43 = tpu.memref_slice %arg7[%mul3A_17, %dma_wait3A_42] : memref<10240x16xf32, #tpu.memory_space<vmem_shared>> -> memref<640x16xf32, #tpu.memory_space<vmem_shared>>
      tpu.wait_dma2 semaphore(%run_scoped3A_37 : memref<!tpu.dma_semaphore, #tpu.memory_space<semaphore_mem>>) src(%arg6 : memref<640x16xf32, #tpu.memory_space<vmem>>) dst(%dma_wait3A_43 : memref<640x16xf32, #tpu.memory_space<vmem_shared>>)
      tpu.yield
    }) : () -> ()
    %barrier3A = arith.constant 0 : index
    tpu.barrier barrier_id(%barrier3A)
    %scan3A_18 = arith.constant 0 : i32
    %scan3A_19 = arith.constant 0 : i32
    %scan3A_20 = arith.constant 125 : i32
    %scan3A_21 = arith.addi %scan3A_19, %scan3A_20 : i32
    %scan3A_22 = arith.constant 1 : i32
    %scan3A_23 = scf.for %scan3A_37 = %scan3A_19 to %scan3A_21 step %scan3A_22 iter_args(%scan3A_38 = %scan3A_18) -> (i32)  : i32 {
      %mul3A_39 = arith.constant 80 : i32
      %mul3A_40 = arith.muli %scan3A_37, %mul3A_39 : i32
      %dma_start3A = tpu.memref_slice %arg4[%mul3A_40] : memref<10000xi32, #tpu.memory_space<vmem>> -> memref<80xi32, #tpu.memory_space<vmem>>
      %dma_start3A_41 = arith.constant 0 : i32
      %dma_start3A_42 = arith.constant 0 : i32
      %dma_start3A_43 = tpu.memref_slice %arg7[%dma_start3A_41, %dma_start3A_42] : memref<10240x16xf32, #tpu.memory_space<vmem_shared>> -> memref<10240x16xf32, #tpu.memory_space<vmem_shared>>
      tpu.enqueue_indirect_dma source(%arg5 : memref<80x16xf32, #tpu.memory_space<vmem>>) target(%dma_start3A_43 : memref<10240x16xf32, #tpu.memory_space<vmem_shared>>) offsets(%dma_start3A : memref<80xi32, #tpu.memory_space<vmem>>) semaphore(%arg8 : memref<!tpu.dma_semaphore, #tpu.memory_space<semaphore_mem>>) {add = true}
      %scan3A_44 = arith.constant 0 : i32
      scf.yield %scan3A_44 : i32
    }
    %scan3A_24 = arith.constant 125 : i32
    %scan3A_25 = arith.constant 0 : i32
    %scan3A_26 = arith.constant 0 : i32
    %scan3A_27 = arith.constant 125 : i32
    %scan3A_28 = arith.addi %scan3A_26, %scan3A_27 : i32
    %scan3A_29 = arith.constant 1 : i32
    %scan3A_30 = scf.for %scan3A_37 = %scan3A_26 to %scan3A_28 step %scan3A_29 iter_args(%scan3A_38 = %scan3A_25) -> (i32)  : i32 {
      %mul3A_39 = arith.constant 80 : i32
      %mul3A_40 = arith.muli %scan3A_37, %mul3A_39 : i32
      %dma_wait3A = tpu.memref_slice %arg4[%mul3A_40] : memref<10000xi32, #tpu.memory_space<vmem>> -> memref<80xi32, #tpu.memory_space<vmem>>
      %dma_wait3A_41 = arith.constant 0 : i32
      %dma_wait3A_42 = arith.constant 0 : i32
      %dma_wait3A_43 = tpu.memref_slice %arg7[%dma_wait3A_41, %dma_wait3A_42] : memref<10240x16xf32, #tpu.memory_space<vmem_shared>> -> memref<10240x16xf32, #tpu.memory_space<vmem_shared>>
      tpu.wait_indirect_dma semaphore(%arg8 : memref<!tpu.dma_semaphore, #tpu.memory_space<semaphore_mem>>) src(%arg5 : memref<80x16xf32, #tpu.memory_space<vmem>>) dst(%dma_wait3A_43 : memref<10240x16xf32, #tpu.memory_space<vmem_shared>>)
      %scan3A_44 = arith.constant 0 : i32
      scf.yield %scan3A_44 : i32
    }
    %scan3A_31 = arith.constant 125 : i32
    %barrier3A_32 = arith.constant 0 : index
    tpu.barrier barrier_id(%barrier3A_32)
    %mul3A_33 = arith.constant 640 : i32
    %mul3A_34 = arith.muli %arg1, %mul3A_33 : i32
    %mul3A_35 = arith.constant 640 : i32
    %mul3A_36 = arith.muli %arg1, %mul3A_35 : i32
    "tpu.region"() ({
      %run_scoped3A_37 = tpu.sem_alloc : memref<!tpu.dma_semaphore, #tpu.memory_space<semaphore_mem>>
      %dma_start3A = arith.constant 0 : i32
      %dma_start3A_38 = arith.constant 0 : i32
      %dma_start3A_39 = tpu.memref_slice %arg3[%arg0, %dma_start3A, %dma_start3A_38] : memref<2x10240x16xf32, #tpu.memory_space<hbm>> -> memref<1x10240x16xf32, #tpu.memory_space<hbm>>
      %dma_start3A_40 = tpu.memref_squeeze %dma_start3A_39 : memref<1x10240x16xf32, #tpu.memory_space<hbm>> -> memref<10240x16xf32, #tpu.memory_space<hbm>>
      %dma_start3A_41 = arith.constant 0 : i32
      %dma_start3A_42 = tpu.memref_slice %dma_start3A_40[%mul3A_36, %dma_start3A_41] : memref<10240x16xf32, #tpu.memory_space<hbm>> -> memref<640x16xf32, #tpu.memory_space<hbm>>
      %dma_start3A_43 = arith.constant 0 : i32
      %dma_start3A_44 = tpu.memref_slice %arg7[%mul3A_34, %dma_start3A_43] : memref<10240x16xf32, #tpu.memory_space<vmem_shared>> -> memref<640x16xf32, #tpu.memory_space<vmem_shared>>
      tpu.enqueue_dma source(%dma_start3A_44 : memref<640x16xf32, #tpu.memory_space<vmem_shared>>) target(%dma_start3A_42 : memref<640x16xf32, #tpu.memory_space<hbm>>) target_semaphore(%run_scoped3A_37 : memref<!tpu.dma_semaphore, #tpu.memory_space<semaphore_mem>>)
      %dma_wait3A = arith.constant 0 : i32
      %dma_wait3A_45 = arith.constant 0 : i32
      %dma_wait3A_46 = tpu.memref_slice %arg3[%arg0, %dma_wait3A, %dma_wait3A_45] : memref<2x10240x16xf32, #tpu.memory_space<hbm>> -> memref<1x10240x16xf32, #tpu.memory_space<hbm>>
      %dma_wait3A_47 = tpu.memref_squeeze %dma_wait3A_46 : memref<1x10240x16xf32, #tpu.memory_space<hbm>> -> memref<10240x16xf32, #tpu.memory_space<hbm>>
      %dma_wait3A_48 = arith.constant 0 : i32
      %dma_wait3A_49 = tpu.memref_slice %dma_wait3A_47[%mul3A_36, %dma_wait3A_48] : memref<10240x16xf32, #tpu.memory_space<hbm>> -> memref<640x16xf32, #tpu.memory_space<hbm>>
      %dma_wait3A_50 = arith.constant 0 : i32
      %dma_wait3A_51 = tpu.memref_slice %arg7[%mul3A_34, %dma_wait3A_50] : memref<10240x16xf32, #tpu.memory_space<vmem_shared>> -> memref<640x16xf32, #tpu.memory_space<vmem_shared>>
      tpu.wait_dma2 semaphore(%run_scoped3A_37 : memref<!tpu.dma_semaphore, #tpu.memory_space<semaphore_mem>>) src(%dma_wait3A_51 : memref<640x16xf32, #tpu.memory_space<vmem_shared>>) dst(%dma_wait3A_49 : memref<640x16xf32, #tpu.memory_space<hbm>>)
      tpu.yield
    }) : () -> ()
    return
  }
}

module attributes {stable_mosaic.version = 14 : i64} {
  func.func @_tc_scale_body(%arg0: i32, %arg1: memref<2048x128xf32, #tpu.memory_space<vmem>>, %arg2: memref<2x2048x16xf32, #tpu.memory_space<vmem>>, %arg3: memref<2x2048x64xf32, #tpu.memory_space<vmem>>, %arg4: memref<2048x128xf32, #tpu.memory_space<vmem>>) attributes {dimension_semantics = [#tpu.dimension_semantics<arbitrary>], iteration_bounds = array<i64: 5>, scalar_prefetch = 0 : i64, scratch_operands = 0 : i64, tpu.core_type = #tpu.core_type<tc>, window_params = [{transform_indices = @transform_0, window_bounds = array<i64: 2048, 128>}, {transform_indices = @transform_1, window_bounds = array<i64: 2, 2048, 16>}, {transform_indices = @transform_2, window_bounds = array<i64: 2, 2048, 64>}, {transform_indices = @transform_3, window_bounds = array<i64: 2048, 128>}]} {
    %get3A = arith.constant 0 : index
    %get3A_0 = arith.constant 0 : index
    %get3A_1 = arith.constant 0 : index
    %get3A_2 = vector.load %arg2[%get3A, %get3A_0, %get3A_1] : memref<2x2048x16xf32, #tpu.memory_space<vmem>>, vector<1x2048x1xf32>
    %get3A_3 = vector.shape_cast %get3A_2 : vector<1x2048x1xf32> to vector<2048x1xf32>
    %get3A_4 = arith.constant 1 : index
    %get3A_5 = arith.constant 0 : index
    %get3A_6 = arith.constant 0 : index
    %get3A_7 = vector.load %arg2[%get3A_4, %get3A_5, %get3A_6] : memref<2x2048x16xf32, #tpu.memory_space<vmem>>, vector<1x2048x1xf32>
    %get3A_8 = vector.shape_cast %get3A_7 : vector<1x2048x1xf32> to vector<2048x1xf32>
    %add3A = arith.addf %get3A_3, %get3A_8 : vector<2048x1xf32>
    %add3A_9 = arith.constant 1.000000e+00 : f32
    %add3A_10 = vector.broadcast %add3A_9 : f32 to vector<2048x1xf32>
    %add3A_11 = arith.addf %add3A, %add3A_10 : vector<2048x1xf32>
    %rsqrt3A = math.rsqrt %add3A_11 : vector<2048x1xf32>
    %broadcast_in_dim3A = vector.shape_cast %rsqrt3A : vector<2048x1xf32> to vector<2048x1xf32>
    %broadcast_in_dim3A_12 = vector.broadcast %broadcast_in_dim3A : vector<2048x1xf32> to vector<2048x128xf32>
    %swap3A = arith.constant 0 : index
    %swap3A_13 = arith.constant 0 : index
    %swap3A_14 = vector.load %arg4[%swap3A, %swap3A_13] : memref<2048x128xf32, #tpu.memory_space<vmem>>, vector<2048x128xf32>
    tpu.vector_store %arg4[%swap3A, %swap3A_13], %broadcast_in_dim3A_12 {strides = array<i32>} : memref<2048x128xf32, #tpu.memory_space<vmem>>, vector<2048x128xf32>,
    %get3A_15 = arith.constant 0 : index
    %get3A_16 = arith.constant 0 : index
    %get3A_17 = vector.load %arg1[%get3A_15, %get3A_16] : memref<2048x128xf32, #tpu.memory_space<vmem>>, vector<2048x128xf32>
    %mul3A = arith.mulf %get3A_17, %broadcast_in_dim3A_12 : vector<2048x128xf32>
    %slice3A = vector.extract_strided_slice %mul3A {offsets = [0, 0], sizes = [2048, 64], strides = [1, 1]} : vector<2048x128xf32> to vector<2048x64xf32>
    %slice3A_18 = vector.extract_strided_slice %mul3A {offsets = [0, 64], sizes = [2048, 64], strides = [1, 1]} : vector<2048x128xf32> to vector<2048x64xf32>
    %stack3A = vector.shape_cast %slice3A : vector<2048x64xf32> to vector<1x2048x64xf32>
    %stack3A_19 = vector.shape_cast %slice3A_18 : vector<2048x64xf32> to vector<1x2048x64xf32>
    %stack3A_20 = tpu.concatenate %stack3A, %stack3A_19 in 0 : vector<1x2048x64xf32>, vector<1x2048x64xf32> -> vector<2x2048x64xf32>
    %swap3A_21 = arith.constant 0 : index
    %swap3A_22 = arith.constant 0 : index
    %swap3A_23 = arith.constant 0 : index
    %swap3A_24 = vector.load %arg3[%swap3A_21, %swap3A_22, %swap3A_23] : memref<2x2048x64xf32, #tpu.memory_space<vmem>>, vector<2x2048x64xf32>
    tpu.vector_store %arg3[%swap3A_21, %swap3A_22, %swap3A_23], %stack3A_20 {strides = array<i32>} : memref<2x2048x64xf32, #tpu.memory_space<vmem>>, vector<2x2048x64xf32>,
    return
  }
  func.func @transform_0(%arg0: i32) -> (i32, i32) {
    %c0_i32 = arith.constant 0 : i32
    %c0_i32_0 = arith.constant 0 : i32
    return %arg0, %c0_i32 : i32, i32
  }
  func.func @transform_1(%arg0: i32) -> (i32, i32, i32) {
    %c0_i32 = arith.constant 0 : i32
    %c0_i32_0 = arith.constant 0 : i32
    %c0_i32_1 = arith.constant 0 : i32
    return %c0_i32, %arg0, %c0_i32_0 : i32, i32, i32
  }
  func.func @transform_2(%arg0: i32) -> (i32, i32, i32) {
    %c0_i32 = arith.constant 0 : i32
    %c0_i32_0 = arith.constant 0 : i32
    %c0_i32_1 = arith.constant 0 : i32
    return %c0_i32, %arg0, %c0_i32_0 : i32, i32, i32
  }
  func.func @transform_3(%arg0: i32) -> (i32, i32) {
    %c0_i32 = arith.constant 0 : i32
    %c0_i32_0 = arith.constant 0 : i32
    return %arg0, %c0_i32 : i32, i32
  }
}

module attributes {stable_mosaic.version = 14 : i64} {
  func.func @_tc_mid_body(%arg0: i32, %arg1: memref<2x2048x64xf32, #tpu.memory_space<vmem>>, %arg2: memref<2048x128xf32, #tpu.memory_space<vmem>>, %arg3: memref<2048x128xf32, #tpu.memory_space<vmem>>, %arg4: memref<1x128xf32, #tpu.memory_space<vmem>>, %arg5: memref<128x128xf32, #tpu.memory_space<vmem>>, %arg6: memref<2048x128xf32, #tpu.memory_space<vmem>>, %arg7: memref<2x2048x64xf32, #tpu.memory_space<vmem>>) attributes {dimension_semantics = [#tpu.dimension_semantics<arbitrary>], iteration_bounds = array<i64: 5>, scalar_prefetch = 0 : i64, scratch_operands = 0 : i64, tpu.core_type = #tpu.core_type<tc>, window_params = [{transform_indices = @transform_0, window_bounds = array<i64: 2, 2048, 64>}, {transform_indices = @transform_1, window_bounds = array<i64: 2048, 128>}, {transform_indices = @transform_2, window_bounds = array<i64: 2048, 128>}, {pipeline_mode = #tpu.pipeline_mode<synchronous>, transform_indices = @transform_3, window_bounds = array<i64: 1, 128>}, {pipeline_mode = #tpu.pipeline_mode<synchronous>, transform_indices = @transform_4, window_bounds = array<i64: 128, 128>}, {transform_indices = @transform_5, window_bounds = array<i64: 2048, 128>}, {transform_indices = @transform_6, window_bounds = array<i64: 2, 2048, 64>}]} {
    %get3A = arith.constant 0 : index
    %get3A_0 = arith.constant 0 : index
    %get3A_1 = vector.load %arg3[%get3A, %get3A_0] : memref<2048x128xf32, #tpu.memory_space<vmem>>, vector<2048x128xf32>
    %get3A_2 = arith.constant 0 : index
    %get3A_3 = arith.constant 0 : index
    %get3A_4 = arith.constant 0 : index
    %get3A_5 = vector.load %arg1[%get3A_2, %get3A_3, %get3A_4] : memref<2x2048x64xf32, #tpu.memory_space<vmem>>, vector<1x2048x64xf32>
    %get3A_6 = vector.shape_cast %get3A_5 : vector<1x2048x64xf32> to vector<2048x64xf32>
    %get3A_7 = arith.constant 1 : index
    %get3A_8 = arith.constant 0 : index
    %get3A_9 = arith.constant 0 : index
    %get3A_10 = vector.load %arg1[%get3A_7, %get3A_8, %get3A_9] : memref<2x2048x64xf32, #tpu.memory_space<vmem>>, vector<1x2048x64xf32>
    %get3A_11 = vector.shape_cast %get3A_10 : vector<1x2048x64xf32> to vector<2048x64xf32>
    %concatenate3A = tpu.concatenate %get3A_6, %get3A_11 in 1 : vector<2048x64xf32>, vector<2048x64xf32> -> vector<2048x128xf32>
    %mul3A = arith.mulf %get3A_1, %concatenate3A : vector<2048x128xf32>
    %mul3A_12 = arith.mulf %get3A_1, %get3A_1 : vector<2048x128xf32>
    %get3A_13 = arith.constant 0 : index
    %get3A_14 = arith.constant 0 : index
    %get3A_15 = vector.load %arg2[%get3A_13, %get3A_14] : memref<2048x128xf32, #tpu.memory_space<vmem>>, vector<2048x128xf32>
    %mul3A_16 = arith.mulf %mul3A_12, %get3A_15 : vector<2048x128xf32>
    %add3A = arith.addf %mul3A, %mul3A_16 : vector<2048x128xf32>
    %get3A_17 = arith.constant 0 : index
    %get3A_18 = arith.constant 0 : index
    %get3A_19 = vector.load %arg5[%get3A_17, %get3A_18] : memref<128x128xf32, #tpu.memory_space<vmem>>, vector<128x128xf32>
    %dot_general3A = arith.constant dense<0.000000e+00> : vector<2048x128xf32>
    %dot_general3A_20 = tpu.matmul %add3A, %get3A_19, %dot_general3A {dimension_numbers = #tpu.dot_dimension_numbers<[1], [0], [0], [1], [0, 0, 1, 1], [], []>, transpose_lhs_hint = false} : vector<2048x128xf32>, vector<128x128xf32>, vector<2048x128xf32> -> vector<2048x128xf32>
    %get3A_21 = arith.constant 0 : index
    %get3A_22 = arith.constant 0 : index
    %get3A_23 = vector.load %arg4[%get3A_21, %get3A_22] : memref<1x128xf32, #tpu.memory_space<vmem>>, vector<1x128xf32>
    %add3A_24 = vector.broadcast %get3A_23 : vector<1x128xf32> to vector<2048x128xf32>
    %add3A_25 = arith.addf %dot_general3A_20, %add3A_24 : vector<2048x128xf32>
    %max3A = arith.constant 0.000000e+00 : f32
    %max3A_26 = vector.broadcast %max3A : f32 to vector<2048x128xf32>
    %max3A_27 = arith.maximumf %add3A_25, %max3A_26 : vector<2048x128xf32>
    %swap3A = arith.constant 0 : index
    %swap3A_28 = arith.constant 0 : index
    %swap3A_29 = vector.load %arg6[%swap3A, %swap3A_28] : memref<2048x128xf32, #tpu.memory_space<vmem>>, vector<2048x128xf32>
    tpu.vector_store %arg6[%swap3A, %swap3A_28], %max3A_27 {strides = array<i32>} : memref<2048x128xf32, #tpu.memory_space<vmem>>, vector<2048x128xf32>,
    %mul3A_30 = arith.mulf %max3A_27, %get3A_1 : vector<2048x128xf32>
    %slice3A = vector.extract_strided_slice %mul3A_30 {offsets = [0, 0], sizes = [2048, 64], strides = [1, 1]} : vector<2048x128xf32> to vector<2048x64xf32>
    %slice3A_31 = vector.extract_strided_slice %mul3A_30 {offsets = [0, 64], sizes = [2048, 64], strides = [1, 1]} : vector<2048x128xf32> to vector<2048x64xf32>
    %stack3A = vector.shape_cast %slice3A : vector<2048x64xf32> to vector<1x2048x64xf32>
    %stack3A_32 = vector.shape_cast %slice3A_31 : vector<2048x64xf32> to vector<1x2048x64xf32>
    %stack3A_33 = tpu.concatenate %stack3A, %stack3A_32 in 0 : vector<1x2048x64xf32>, vector<1x2048x64xf32> -> vector<2x2048x64xf32>
    %swap3A_34 = arith.constant 0 : index
    %swap3A_35 = arith.constant 0 : index
    %swap3A_36 = arith.constant 0 : index
    %swap3A_37 = vector.load %arg7[%swap3A_34, %swap3A_35, %swap3A_36] : memref<2x2048x64xf32, #tpu.memory_space<vmem>>, vector<2x2048x64xf32>
    tpu.vector_store %arg7[%swap3A_34, %swap3A_35, %swap3A_36], %stack3A_33 {strides = array<i32>} : memref<2x2048x64xf32, #tpu.memory_space<vmem>>, vector<2x2048x64xf32>,
    return
  }
  func.func @transform_0(%arg0: i32) -> (i32, i32, i32) {
    %c0_i32 = arith.constant 0 : i32
    %c0_i32_0 = arith.constant 0 : i32
    %c0_i32_1 = arith.constant 0 : i32
    return %c0_i32, %arg0, %c0_i32_0 : i32, i32, i32
  }
  func.func @transform_1(%arg0: i32) -> (i32, i32) {
    %c0_i32 = arith.constant 0 : i32
    %c0_i32_0 = arith.constant 0 : i32
    return %arg0, %c0_i32 : i32, i32
  }
  func.func @transform_2(%arg0: i32) -> (i32, i32) {
    %c0_i32 = arith.constant 0 : i32
    %c0_i32_0 = arith.constant 0 : i32
    return %arg0, %c0_i32 : i32, i32
  }
  func.func @transform_3(%arg0: i32) -> (i32, i32) {
    %c0_i32 = arith.constant 0 : i32
    %c0_i32_0 = arith.constant 0 : i32
    %c0_i32_1 = arith.constant 0 : i32
    return %c0_i32, %c0_i32_0 : i32, i32
  }
  func.func @transform_4(%arg0: i32) -> (i32, i32) {
    %c0_i32 = arith.constant 0 : i32
    %c0_i32_0 = arith.constant 0 : i32
    %c0_i32_1 = arith.constant 0 : i32
    return %c0_i32, %c0_i32_0 : i32, i32
  }
  func.func @transform_5(%arg0: i32) -> (i32, i32) {
    %c0_i32 = arith.constant 0 : i32
    %c0_i32_0 = arith.constant 0 : i32
    return %arg0, %c0_i32 : i32, i32
  }
  func.func @transform_6(%arg0: i32) -> (i32, i32, i32) {
    %c0_i32 = arith.constant 0 : i32
    %c0_i32_0 = arith.constant 0 : i32
    %c0_i32_1 = arith.constant 0 : i32
    return %c0_i32, %arg0, %c0_i32_0 : i32, i32, i32
  }
}

module attributes {stable_mosaic.version = 14 : i64} {
  func.func @_tc_post_body(%arg0: i32, %arg1: memref<2x2048x64xf32, #tpu.memory_space<vmem>>, %arg2: memref<2048x128xf32, #tpu.memory_space<vmem>>, %arg3: memref<2048x128xf32, #tpu.memory_space<vmem>>, %arg4: memref<1x128xf32, #tpu.memory_space<vmem>>, %arg5: memref<128x128xf32, #tpu.memory_space<vmem>>, %arg6: memref<2048x128xf32, #tpu.memory_space<vmem>>) attributes {dimension_semantics = [#tpu.dimension_semantics<arbitrary>], iteration_bounds = array<i64: 5>, scalar_prefetch = 0 : i64, scratch_operands = 0 : i64, tpu.core_type = #tpu.core_type<tc>, window_params = [{transform_indices = @transform_0, window_bounds = array<i64: 2, 2048, 64>}, {transform_indices = @transform_1, window_bounds = array<i64: 2048, 128>}, {transform_indices = @transform_2, window_bounds = array<i64: 2048, 128>}, {pipeline_mode = #tpu.pipeline_mode<synchronous>, transform_indices = @transform_3, window_bounds = array<i64: 1, 128>}, {pipeline_mode = #tpu.pipeline_mode<synchronous>, transform_indices = @transform_4, window_bounds = array<i64: 128, 128>}, {transform_indices = @transform_5, window_bounds = array<i64: 2048, 128>}]} {
    %get3A = arith.constant 0 : index
    %get3A_0 = arith.constant 0 : index
    %get3A_1 = vector.load %arg3[%get3A, %get3A_0] : memref<2048x128xf32, #tpu.memory_space<vmem>>, vector<2048x128xf32>
    %get3A_2 = arith.constant 0 : index
    %get3A_3 = arith.constant 0 : index
    %get3A_4 = arith.constant 0 : index
    %get3A_5 = vector.load %arg1[%get3A_2, %get3A_3, %get3A_4] : memref<2x2048x64xf32, #tpu.memory_space<vmem>>, vector<1x2048x64xf32>
    %get3A_6 = vector.shape_cast %get3A_5 : vector<1x2048x64xf32> to vector<2048x64xf32>
    %get3A_7 = arith.constant 1 : index
    %get3A_8 = arith.constant 0 : index
    %get3A_9 = arith.constant 0 : index
    %get3A_10 = vector.load %arg1[%get3A_7, %get3A_8, %get3A_9] : memref<2x2048x64xf32, #tpu.memory_space<vmem>>, vector<1x2048x64xf32>
    %get3A_11 = vector.shape_cast %get3A_10 : vector<1x2048x64xf32> to vector<2048x64xf32>
    %concatenate3A = tpu.concatenate %get3A_6, %get3A_11 in 1 : vector<2048x64xf32>, vector<2048x64xf32> -> vector<2048x128xf32>
    %mul3A = arith.mulf %get3A_1, %concatenate3A : vector<2048x128xf32>
    %mul3A_12 = arith.mulf %get3A_1, %get3A_1 : vector<2048x128xf32>
    %get3A_13 = arith.constant 0 : index
    %get3A_14 = arith.constant 0 : index
    %get3A_15 = vector.load %arg2[%get3A_13, %get3A_14] : memref<2048x128xf32, #tpu.memory_space<vmem>>, vector<2048x128xf32>
    %mul3A_16 = arith.mulf %mul3A_12, %get3A_15 : vector<2048x128xf32>
    %add3A = arith.addf %mul3A, %mul3A_16 : vector<2048x128xf32>
    %get3A_17 = arith.constant 0 : index
    %get3A_18 = arith.constant 0 : index
    %get3A_19 = vector.load %arg5[%get3A_17, %get3A_18] : memref<128x128xf32, #tpu.memory_space<vmem>>, vector<128x128xf32>
    %dot_general3A = arith.constant dense<0.000000e+00> : vector<2048x128xf32>
    %dot_general3A_20 = tpu.matmul %add3A, %get3A_19, %dot_general3A {dimension_numbers = #tpu.dot_dimension_numbers<[1], [0], [0], [1], [0, 0, 1, 1], [], []>, transpose_lhs_hint = false} : vector<2048x128xf32>, vector<128x128xf32>, vector<2048x128xf32> -> vector<2048x128xf32>
    %get3A_21 = arith.constant 0 : index
    %get3A_22 = arith.constant 0 : index
    %get3A_23 = vector.load %arg4[%get3A_21, %get3A_22] : memref<1x128xf32, #tpu.memory_space<vmem>>, vector<1x128xf32>
    %add3A_24 = vector.broadcast %get3A_23 : vector<1x128xf32> to vector<2048x128xf32>
    %add3A_25 = arith.addf %dot_general3A_20, %add3A_24 : vector<2048x128xf32>
    %max3A = arith.constant 0.000000e+00 : f32
    %max3A_26 = vector.broadcast %max3A : f32 to vector<2048x128xf32>
    %max3A_27 = arith.maximumf %add3A_25, %max3A_26 : vector<2048x128xf32>
    %swap3A = arith.constant 0 : index
    %swap3A_28 = arith.constant 0 : index
    %swap3A_29 = vector.load %arg6[%swap3A, %swap3A_28] : memref<2048x128xf32, #tpu.memory_space<vmem>>, vector<2048x128xf32>
    tpu.vector_store %arg6[%swap3A, %swap3A_28], %max3A_27 {strides = array<i32>} : memref<2048x128xf32, #tpu.memory_space<vmem>>, vector<2048x128xf32>,
    return
  }
  func.func @transform_0(%arg0: i32) -> (i32, i32, i32) {
    %c0_i32 = arith.constant 0 : i32
    %c0_i32_0 = arith.constant 0 : i32
    %c0_i32_1 = arith.constant 0 : i32
    return %c0_i32, %arg0, %c0_i32_0 : i32, i32, i32
  }
  func.func @transform_1(%arg0: i32) -> (i32, i32) {
    %c0_i32 = arith.constant 0 : i32
    %c0_i32_0 = arith.constant 0 : i32
    return %arg0, %c0_i32 : i32, i32
  }
  func.func @transform_2(%arg0: i32) -> (i32, i32) {
    %c0_i32 = arith.constant 0 : i32
    %c0_i32_0 = arith.constant 0 : i32
    return %arg0, %c0_i32 : i32, i32
  }
  func.func @transform_3(%arg0: i32) -> (i32, i32) {
    %c0_i32 = arith.constant 0 : i32
    %c0_i32_0 = arith.constant 0 : i32
    %c0_i32_1 = arith.constant 0 : i32
    return %c0_i32, %c0_i32_0 : i32, i32
  }
  func.func @transform_4(%arg0: i32) -> (i32, i32) {
    %c0_i32 = arith.constant 0 : i32
    %c0_i32_0 = arith.constant 0 : i32
    %c0_i32_1 = arith.constant 0 : i32
    return %c0_i32, %c0_i32_0 : i32, i32
  }
  func.func @transform_5(%arg0: i32) -> (i32, i32) {
    %c0_i32 = arith.constant 0 : i32
    %c0_i32_0 = arith.constant 0 : i32
    return %arg0, %c0_i32 : i32, i32
  }
}

</mosaic_0001>

<sc_bundles>
// kernel: kernel.11.cloned.1.call-start
scs
__scs_entry_jumppad:
0x0: {  	(pc) =	sbr.rel $0x88, $3  }
0x1: {  	(tag) =	ssettag $0x0;
	lr =	simm.s32 $0x1  }
0x2: {  	[smem:$0x3F9B] =	sst lr;
	_ =	strace $0xD0000000  }
0x3: {  	_ = 	snop  }
0x4: {  	_ = 	snop  }
0x5: {  	_ = 	snop  }
0x6: {  	_ = 	snop  }
0x7: {  	_ = 	snop  }
__scs_overlays_trampoline_lowered:
0x8: {  	[smem:$0x3FAA] =	sst s0  }
0x9: {  	[smem:$0x3FAB] =	sst s1  }
0xa: {  	[smem:$0x3FAC] =	sst s2  }
0xb: {  	[smem:$0x3FAD] =	sst s3  }
0xc: {  	[smem:$0x3FAE] =	sst s4  }
0xd: {  	[smem:$0x3FAF] =	sst s5  }
0xe: {  	[smem:$0x3FB0] =	sst s6  }
0xf: {  	[smem:$0x3FB1] =	sst s7  }
0x10: {  	[smem:$0x3FB2] =	sst s8  }
0x11: {  	[smem:$0x3FB3] =	sst s9;
	s0 =	simm.s32 @!p0 $0x0  }
0x12: {  	s1 =	sld [smem:$0x3F99];
	s0 =	simm.s32 @p0 $0x1  }
0x13: {  	[smem:$0x3FB4] =	sst s0;
	s0 =	simm.s32 @!p1 $0x0  }
0x14: {  	s2 =	sld [smem:$0x3F98];
	s0 =	simm.s32 @p1 $0x1  }
0x15: {  	[smem:$0x3FB5] =	sst s0;
	s0 =	simm.s32 @!p2 $0x0  }
0x16: {  	s3 =	sld [smem:$0x3FDB];
	s0 =	simm.s32 @p2 $0x1  }
0x17: {  	s4 =	simm.s32 $0x1BF5;
	[smem:$0x3FB7] =	sst s0  }
0x18: {  	s0 =	sld [smem:$0x3F9A];
	_ =	swait.ge [sflag:s4], $0x0  }
0x19: {  	s7 =	sld [smem:$0x3F9B]  }
0x1a: {  	s8 =	sadd.s32 $0xFFFFE003, lr  }
0x1b: {  	s9 =	sadd.s32 $0xFFFFFEF7, lr;
	s5 =	simm.s32 $0xFFFFFFFF;
	p2 =	slt.u32 s8, $0xFFFFF086  }
0x1c: {  	p1 =	slt.u32 s9, $0xF7A;
	s5 =	simm.s32 @!p2 $0x0  }
0x1d: {  	s5 =	simm.s32 @p1 $0x1;
	p0 =	seq.s32 s7, s2  }
0x1e: {  	s7 =	smul.u32 @!p0 $0xF7A, s2;
	p2 =	seq.s32 @!p0 s5, $0x0  }
0x1f: {  	s9 =	smul.u32 $0xF7A, s1;
	s8 =	simm.s32 @!p0 $0x1BF5;
	p2 =	por !p2, p0  }
0x20: {  	[sflag:s8] =	ssyncset.s32 @!p0 $0xFFFFF086;
	s6 =	sadd.s32 @!p0 s3, s7;
	s7 =	simm.s32 @!p0 $0x108  }
0x21: {  	s3 =	sadd.s32 s3, s9;
	s6 =	sadd.s32 @!p0 $0x88, s6;
	s7 =	simm.s32 @p2 $0x1082  }
0x22: {  	[simem:s7], [sflag:s8] =	dma.local @!p0 [hbm:s6], $0xF7A  }
0x23: {  	s9 =	sor.u32 $0xD0000000, s2;
	s6 =	simm.s32 $0x108;
	_ =	swait.ge @!p0 [sflag:s8], $0x0  }
0x24: {  	s3 =	sadd.s32 $0x88, s3;
	s6 =	simm.s32 @!p1 $0x1082;
	[sflag:s4] =	ssyncset.s32 $0xFFFFF086  }
0x25: {  	[simem:s6], [sflag:s4] =	dma.local [hbm:s3], $0xF7A  }
0x26: {  	[smem:$0x3F9B] =	sst s1;
	(tag) =	ssettag s2;
	_ =	strace s9  }
0x27: {  	s1 =	sld [smem:$0x3FAB]  }
0x28: {  	s2 =	sld [smem:$0x3FAC]  }
0x29: {  	s4 =	sld [smem:$0x3FAE]  }
0x2a: {  	p0 =	seq.s32 s5, $0x0;
	s5 =	sld [smem:$0x3FAF]  }
0x2b: {  	s6 =	sld [smem:$0x3FB0]  }
0x2c: {  	s7 =	sld [smem:$0x3FB1]  }
0x2d: {  	s3 =	simm.s32 $0x108;
	s8 =	sld [smem:$0x3FB2]  }
0x2e: {  	s3 =	simm.s32 @!p0 $0x1082;
	s9 =	sld [smem:$0x3FB3]  }
0x2f: {  	lr =	sadd.s32 s0, s3;
	s0 =	sld [smem:$0x3FAA]  }
0x30: {  	s3 =	sld [smem:$0x3FAD]  }
0x31: {  	[smem:$0x3FB6] =	sst s10  }
0x32: {  	s10 =	sld [smem:$0x3FB4];
	_ =	sdelay $0x3  }
0x33: {  	p0 =	seq.s32 s10, $0x1;
	s10 =	sld [smem:$0x3FB6];
	_ =	sdelay $0x3  }
0x34: {  	[smem:$0x3FB6] =	sst s10  }
0x35: {  	s10 =	sld [smem:$0x3FB5];
	_ =	sdelay $0x3  }
0x36: {  	p1 =	seq.s32 s10, $0x1;
	s10 =	sld [smem:$0x3FB6];
	_ =	sdelay $0x3  }
0x37: {  	[smem:$0x3FB6] =	sst s10  }
0x38: {  	s10 =	sld [smem:$0x3FB7]  }
0x39: {  	_ = 	snop;
	(pc) =	sbr.ind lr, $3  }
0x3a: {  	_ = 	snop  }
0x3b: {  	_ = 	snop  }
0x3c: {  	p2 =	seq.s32 s10, $0x1;
	s10 =	sld [smem:$0x3FB6]  }
0x3d: {  	_ =	shalt  }
0x3e: {  	_ =	shalt  }
0x3f: {  	_ =	shalt  }
0x40: {  	_ =	shalt  }
0x41: {  	_ =	shalt  }
0x42: {  	_ =	shalt  }
0x43: {  	_ =	shalt  }
0x44: {  	_ =	shalt  }
0x45: {  	_ =	shalt  }
0x46: {  	_ =	shalt  }
0x47: {  	_ =	shalt  }
0x48: {  	_ =	shalt  }
0x49: {  	_ =	shalt  }
0x4a: {  	_ =	shalt  }
0x4b: {  	_ =	shalt  }
0x4c: {  	_ =	shalt  }
0x4d: {  	_ =	shalt  }
0x4e: {  	_ =	shalt  }
0x4f: {  	_ =	shalt  }
0x50: {  	_ =	shalt  }
0x51: {  	_ =	shalt  }
0x52: {  	_ =	shalt  }
0x53: {  	_ =	shalt  }
0x54: {  	_ =	shalt  }
0x55: {  	_ =	shalt  }
0x56: {  	_ =	shalt  }
0x57: {  	_ =	shalt  }
0x58: {  	_ =	shalt  }
0x59: {  	_ =	shalt  }
0x5a: {  	_ =	shalt  }
0x5b: {  	_ =	shalt  }
0x5c: {  	_ =	shalt  }
0x5d: {  	_ =	shalt  }
0x5e: {  	_ =	shalt  }
0x5f: {  	_ =	shalt  }
0x60: {  	_ =	shalt  }
0x61: {  	_ =	shalt  }
0x62: {  	_ =	shalt  }
0x63: {  	_ =	shalt  }
0x64: {  	_ =	shalt  }
0x65: {  	_ =	shalt  }
0x66: {  	_ =	shalt  }
0x67: {  	_ =	shalt  }
0x68: {  	_ =	shalt  }
0x69: {  	_ =	shalt  }
0x6a: {  	_ =	shalt  }
0x6b: {  	_ =	shalt  }
0x6c: {  	_ =	shalt  }
0x6d: {  	_ =	shalt  }
0x6e: {  	_ =	shalt  }
0x6f: {  	_ =	shalt  }
0x70: {  	_ =	shalt  }
0x71: {  	_ =	shalt  }
0x72: {  	_ =	shalt  }
0x73: {  	_ =	shalt  }
0x74: {  	_ =	shalt  }
0x75: {  	_ =	shalt  }
0x76: {  	_ =	shalt  }
0x77: {  	_ =	shalt  }
0x78: {  	_ =	shalt  }
0x79: {  	_ =	shalt  }
0x7a: {  	_ =	shalt  }
0x7b: {  	_ =	shalt  }
0x7c: {  	_ =	shalt  }
0x7d: {  	_ =	shalt  }
0x7e: {  	_ =	shalt  }
0x7f: {  	_ =	shalt  }
0x80: {  	_ =	shalt  }
0x81: {  	_ =	shalt  }
0x82: {  	_ =	shalt  }
0x83: {  	_ =	shalt  }
0x84: {  	_ =	shalt  }
0x85: {  	_ =	shalt  }
0x86: {  	_ =	shalt  }
0x87: {  	_ =	shalt  }
.Lfunc_end0:
.L_simem_size_0:
called_computation.1_lowered:
.L_overlay_start_0:
0x88: {  	s2 =	sld [smem:$0x3FD9]  }
0x89: {  	s3 =	sld [smem:$0x3FFE];
	_ =	sdelay $0x1  }
0x8a: {  	s1 =	srdreg.scid  }
0x8b: {  	s0 =	sand.u32 $0x1, s1  }
0x8c: {  	s14 =	sshll.u32 s0, $0xA;
	s2 =	sadd.s32 s3, s2  }
0x8d: {  	s2 =	sadd.s32 s2, s14  }
0x8e: {  	[smem:$0x3FC2] =	sst s2  }
0x8f: {  	_ = 	snop  }
0x90: {  	s2 =	sld [smem:$0x3FD0];
	_ =	sdelay $0x2  }
0x91: {  	s15 =	simm.s32 $0xA;
	s4 =	simm.s32 $0x10  }
0x92: {  	[smem:s4], [sflag:s15] =	dma.local [hbm:s2], $0x1  }
0x93: {  	_ =	swait.eq [sflag:s15], $0x1  }
0x94: {  	[sflag:s15] =	ssyncset.done $0x0  }
0x95: {  	[sflag:s15] =	ssyncadd.s32 $0xFFFFFFFF  }
0x96: {  	s16 =	sld [smem:$0x12];
	(tm) =	ssettm $0x1  }
0x97: {  	s17 =	sld [smem:$0x3FFB];
	_ =	sdelay $0x3  }
0x98: {  	_ =	strace s17  }
0x99: {  	s3 =	sld [smem:$0x3FFC];
	_ =	sdelay $0x3  }
0x9a: {  	_ =	strace s3  }
0x9b: {  	s3 =	sld [smem:$0x3FFD];
	_ =	sdelay $0x3  }
0x9c: {  	_ =	strace s3  }
0x9d: {  	_ =	strace $0x8FFFFFFF  }
0x9e: {  	s18 =	sld [smem:$0x3FDB];
	_ =	sdelay $0x1  }
0x9f: {  	s19 =	simm.s32 $_scs_section_size  }
0xa0: {  	s5 =	simm.s32 $_size__tile_overlayer_lowered;
	s6 =	simm.s32 $_tile_overlayer_lowered  }
0xa1: {  	s22 =	simm.s32 $0x1BFF;
	s21 =	sshll.u32 s6, $0x1;
	s3 =	sadd.s32 s19, s18  }
0xa2: {  	s7 =	simm.s32 $0x0;
	s20 =	sshll.u32 s5, $0x1;
	s5 =	sadd.s32 s21, s3  }
0xa3: {  	[timem:s7], [sflag:s22] =	dma.local [hbm:s5], s20  }
0xa4: {  	_ =	swait.ge [sflag:s22], s20  }
0xa5: {  	s4 =	ssub.s32 $0x0, s20;
	[sflag:s22] =	ssyncset.done $0x0  }
0xa6: {  	[sflag:s22] =	ssyncadd.s32 s4;
	_ =	sdelay $0x1  }
0xa7: {  	s23 =	simm.s32 $0x1B8B  }
0xa8: {  	_ =	swait.ge [sflag:s23], $0x1  }
0xa9: {  	[sflag:s23] =	ssyncset.done $0x0  }
0xaa: {  	s25 =	simm.s32 $0x1B8E;
	s24 =	sld [smem:$0x3FFE];
	[sflag:s23] =	ssyncadd.s32 $0xFFFFFFFF  }
0xab: {  	s26 =	simm.s32 $execute0_lowered;
	[smem:$0x3FD2] =	sst s25  }
0xac: {  	s5 =	sshll.u32 s26, $0x1;
	_ =	strace $0x80000049;
	[dreg:$0x1] =	wrdreg $0xFFFFFFFF  }
0xad: {  	s28 =	simm.s32 $_size_execute0_lowered;
	s3 =	sadd.s32 s3, s5;
	[dreg:$0x0] =	wrdreg $0x0  }
0xae: {  	s5 =	sshll.u32 s28, $0x1;
	[dreg:$0x2] =	wrdreg s3  }
0xaf: {  	[dreg:$0x3] =	wrdreg s5  }
0xb0: {  	[dreg:$0x4] =	wrdreg $0xC0  }
0xb1: {  	_ =	task [dreg:s7], $0x5FFFF  }
0xb2: {  	[dreg:$0x1] =	wrdreg $0xFFFFFFFF  }
0xb3: {  	[dreg:$0x0] =	wrdreg $0x60  }
0xb4: {  	[dreg:$0x2] =	wrdreg s24  }
0xb5: {  	[dreg:$0x3] =	wrdreg s16  }
0xb6: {  	[dreg:$0x4] =	wrdreg $0x110400  }
0xb7: {  	[dreg:$0x5] =	wrdreg $0x9  }
0xb8: {  	_ =	task.clear_ibuf [dreg:s7], $0x6FFFF;
	_ =	strace $0x90000049  }
0xb9: {  	s29 =	simm.s32 $0x9;
	_ =	strace $0x8000004B  }
0xba: {  	_ =	swait.ge [sflag:s29], $0x1  }
0xbb: {  	[sflag:s29] =	ssyncadd.s32 $0xFFFFFFFF  }
0xbc: {  	_ =	strace $0x9000004B  }
0xbd: {  	_ =	sfence  }
0xbe: {  	s30 =	sld [smem:$0x0];
	_ =	sdelay $0x2  }
0xbf: {  	s31 =	sshll.u32 s1, $0xD;
	s1 =	sshrl.u32 s1, $0x2  }
0xc0: {  	s3 =	sand.u32 $0x4000, s31;
	s1 =	sadd.s32 s1, s30  }
0xc1: {  	s0 =	sor.u32 s3, s0;
	s1 =	sshll.u32 s1, $0x11  }
0xc2: {  	s0 =	sor.u32 s1, s0  }
0xc3: {  	s0 =	sadd.s32 $0x8F2B, s0  }
0xc4: {  	[sflag:s0] =	ssyncadd.remote.s32 $0x1  }
0xc5: {  	_ =	sfence.sel $0xFFFF  }
0xc6: {  	[dreg:$0x0] =	wrdreg $0xFFFFFFFF;
	(pc) =	sbr.abs _section_cstart, $3  }
0xc7: {  	[dreg:$0x1] =	wrdreg $0xFFFFFFFF  }
0xc8: {  	_ =	task.clear_ibuf [dreg:s7], $0x2FFFF;
	_ =	strace $0x9FFFFFFF  }
0xc9: {  	(tm) =	ssettm $0x7FFFFFFF  }
tec
execute0_lowered:
.L_overlay_start_1:
0x0: {  	(tag) =	ssettag $0x1  }
0x1: {  	s0 =	rddreg [dreg:$0x0]  }
0x2: {  	s2 =	rddreg [dreg:$0x1]  }
0x3: {  	s1 =	rddreg [dreg:$0x2];
	s3 =	srdreg.scid;
	s5 =	simm.s32 $0x0  }
0x4: {  	s7 =	stileid.u32;
	s19 =	simm.s32 $0x10040;
	s29 =	simm.s32 $0xC440  }
0x5: {  	s31 =	simm.s32 $0xD840;
	s18 =	simm.s32 $0xEC40;
	s20 =	smul.u32 $0x9C4, s7  }
0x6: {  	s28 =	simm.s32 $0x2;
	s30 =	simm.s32 $0x3;
	s6 =	smul.u32 $0x28000, s7  }
0x7: {  	s3 =	sand.u32 $0x1, s3;
	[smem:$0x7FF] =	sst s5;
	s7 =	smul.u32 $0xA000, s7  }
0x8: {  	s4 =	smul.u32 $0x14000, s3;
	_ =	strace $0x8000004A;
	s3 =	ssub.s32 $0x2, s3  }
0x9: {  	s21 =	sshrl.u32 s3, $0x1;
	s22 =	sshrl.u32 s6, $0x2;
	s6 =	sadd.s32 s7, s1  }
0xa: {  	s26 =	sshrl.u32 s7, $0x3;
	s0 =	sadd.s32 s4, s0;
	s3 =	ssub.s32 s3, s21  }
0xb: {  	s4 =	sadd.s32 s2, s20;
	s2 =	sadd.s32 s22, s1;
	s20 =	simm.s32 $0x8  }
0xc: {  	s21 =	simm.s32 $0x6;
	s22 =	simm.s32 $0x7;
	s5 =	sadd.s32 $0x9C40, s4  }
0xd: {  	s23 =	sadd.s32 $0x1000, s2;
	s24 =	sadd.s32 $0x2000, s2;
	s25 =	sadd.s32 $0x3000, s2  }
0xe: {  	s10 =	sadd.s32 $0x4000, s2;
	s11 =	sadd.s32 $0x5000, s2;
	s12 =	sadd.s32 $0x6000, s2  }
0xf: {  	s13 =	sadd.s32 $0x7000, s2;
	s14 =	sadd.s32 $0x8000, s2;
	[dreg:$0x4] =	wrdreg s5  }
0x10: {  	s15 =	sadd.s32 $0x9000, s2;
	s16 =	sadd.s32 $0x2200, s0;
	[dreg:$0x5] =	wrdreg s23  }
0x11: {  	s0 =	sadd.s32 $0x2A200, s0;
	s17 =	smax.u32 s3, $0x1;
	[dreg:$0x6] =	wrdreg s24  }
0x12: {  	s2 =	simm.s32 $0x1;
	s3 =	simm.s32 $0x5;
	[dreg:$0x7] =	wrdreg s25  }
0x13: {  	s23 =	simm.s32 $0x50;
	s24 =	sadd.s32 s26, s0;
	s25 =	simm.s32 $0x9C40  }
0x14: {  	v0 =	vimm.f32 $0.0e+00;
	s26 =	simm.s32 $0xB040;
	s0 =	simm.s32 $0x4;
	s5 =	simm.s32 $0x0  }
.LBB2_1:
0x15: {  	s7 =	simm.s32 $0x0  }
0x16: {  	[tilespmem:s7], [sflag:$0x6] =	stream.linear.gather [hbm4b:s4+s7], $0x4E20, $0x38;
	[tilespmem:$0x1B040] =	vst v63  }
0x17: {  	s8 =	rddreg [dreg:$0x4];
	s9 =	simm.s32 $0x4E20  }
0x18: {  	[tilespmem:s9], [sflag:$0x7] =	stream.linear.gather [hbm4b:s8+s7], $0x4E20, $0x38;
	[tilespmem:$0x1B040] =	vst v63  }
0x19: {  	s8 =	simm.s32 $0x100;
	s7 =	simm.s32 $0x0  }
.LBB2_2:
0x1a: {  	p0 =	sne.s32 s8, $0x3F00;
	[tilespmem:s7+$0x10070] =	vst v0;
	s9 =	smov.u32 s8;
	s8 =	sadd.s32 $0x100, s8  }
.Ltmp0:
0x1b: {  	[tilespmem:s7+$0x10060] =	vst v0;
	(pc) =	sbr.rel @p0 .LBB2_2-.Ltmp0, $3  }
0x1c: {  	[tilespmem:s7+$0x10040] =	vst v0  }
0x1d: {  	[tilespmem:s7+$0x10050] =	vst v0;
	_ =	sdelay $0x1  }
0x1e: {  	s7 =	sshra.s32 s9, $0x2  }
0x1f: {  	[tilespmem:s7+$0x10070] =	vst v0  }
0x20: {  	[tilespmem:s7+$0x10060] =	vst v0  }
0x21: {  	[tilespmem:s7+$0x10040] =	vst v0  }
0x22: {  	[tilespmem:s7+$0x10050] =	vst v0  }
0x23: {  	[spmem:s6] =	stream.linear.scatter [tilespmem:s19], [sflag:$0x8], $0x1000, $0x38;
	[tilespmem:$0x1B040] =	vst v63  }
0x24: {  	_ =	swait.ge [sflag:s20], $0x1000  }
0x25: {  	[sflag:s20] =	ssyncset.done $0x0  }
0x26: {  	s8 =	rddreg [dreg:$0x5];
	[sflag:s20] =	ssyncadd.s32 $0xFFFFF000  }
0x27: {  	[spmem:s8] =	stream.linear.scatter [tilespmem:s19], [sflag:$0x8], $0x1000, $0x38;
	[tilespmem:$0x1B040] =	vst v63  }
0x28: {  	_ =	swait.ge [sflag:s20], $0x1000  }
0x29: {  	[sflag:s20] =	ssyncset.done $0x0  }
0x2a: {  	s9 =	rddreg [dreg:$0x6];
	[sflag:s20] =	ssyncadd.s32 $0xFFFFF000  }
0x2b: {  	[spmem:s9] =	stream.linear.scatter [tilespmem:s19], [sflag:$0x8], $0x1000, $0x38;
	[tilespmem:$0x1B040] =	vst v63  }
0x2c: {  	_ =	swait.ge [sflag:s20], $0x1000  }
0x2d: {  	[sflag:s20] =	ssyncset.done $0x0  }
0x2e: {  	s8 =	rddreg [dreg:$0x7];
	[sflag:s20] =	ssyncadd.s32 $0xFFFFF000  }
0x2f: {  	[spmem:s8] =	stream.linear.scatter [tilespmem:s19], [sflag:$0x8], $0x1000, $0x38;
	[tilespmem:$0x1B040] =	vst v63  }
0x30: {  	_ =	swait.ge [sflag:s20], $0x1000  }
0x31: {  	[sflag:s20] =	ssyncset.done $0x0  }
0x32: {  	[sflag:s20] =	ssyncadd.s32 $0xFFFFF000  }
0x33: {  	[spmem:s10] =	stream.linear.scatter [tilespmem:s19], [sflag:$0x8], $0x1000, $0x38;
	[tilespmem:$0x1B040] =	vst v63  }
0x34: {  	_ =	swait.ge [sflag:s20], $0x1000  }
0x35: {  	[sflag:s20] =	ssyncset.done $0x0  }
0x36: {  	[sflag:s20] =	ssyncadd.s32 $0xFFFFF000  }
0x37: {  	[spmem:s11] =	stream.linear.scatter [tilespmem:s19], [sflag:$0x8], $0x1000, $0x38;
	[tilespmem:$0x1B040] =	vst v63  }
0x38: {  	_ =	swait.ge [sflag:s20], $0x1000  }
0x39: {  	[sflag:s20] =	ssyncset.done $0x0  }
0x3a: {  	[sflag:s20] =	ssyncadd.s32 $0xFFFFF000  }
0x3b: {  	[spmem:s12] =	stream.linear.scatter [tilespmem:s19], [sflag:$0x8], $0x1000, $0x38;
	[tilespmem:$0x1B040] =	vst v63  }
0x3c: {  	_ =	swait.ge [sflag:s20], $0x1000  }
0x3d: {  	[sflag:s20] =	ssyncset.done $0x0  }
0x3e: {  	[sflag:s20] =	ssyncadd.s32 $0xFFFFF000  }
0x3f: {  	[spmem:s13] =	stream.linear.scatter [tilespmem:s19], [sflag:$0x8], $0x1000, $0x38;
	[tilespmem:$0x1B040] =	vst v63  }
0x40: {  	_ =	swait.ge [sflag:s20], $0x1000  }
0x41: {  	[sflag:s20] =	ssyncset.done $0x0  }
0x42: {  	[sflag:s20] =	ssyncadd.s32 $0xFFFFF000  }
0x43: {  	[spmem:s14] =	stream.linear.scatter [tilespmem:s19], [sflag:$0x8], $0x1000, $0x38;
	[tilespmem:$0x1B040] =	vst v63  }
0x44: {  	_ =	swait.ge [sflag:s20], $0x1000  }
0x45: {  	[sflag:s20] =	ssyncset.done $0x0  }
0x46: {  	[sflag:s20] =	ssyncadd.s32 $0xFFFFF000  }
0x47: {  	[spmem:s15] =	stream.linear.scatter [tilespmem:s19], [sflag:$0x8], $0x1000, $0x38;
	[tilespmem:$0x1B040] =	vst v63  }
0x48: {  	_ =	swait.ge [sflag:s20], $0x1000  }
0x49: {  	[sflag:s20] =	ssyncset.done $0x0  }
0x4a: {  	[sflag:s20] =	ssyncadd.s32 $0xFFFFF000  }
0x4b: {  	_ =	swait.ge [sflag:s21], $0x4E20  }
0x4c: {  	[sflag:s21] =	ssyncset.done $0x0  }
0x4d: {  	[sflag:s21] =	ssyncadd.s32 $0xFFFFB1E0  }
0x4e: {  	_ =	swait.ge [sflag:s22], $0x4E20  }
0x4f: {  	[sflag:s22] =	ssyncset.done $0x0  }
0x50: {  	[sflag:s22] =	ssyncadd.s32 $0xFFFFB1E0  }
0x51: {  	s9 =	simm.s32 $0x0;
	[bflag:$0x0] =	sbarrier.arrive $0xFFFF  }
0x52: {  	[tilespmem:s25], [sflag:$0x1] =	stream.indirect.gather [hbm4b:s16+s23], $0x40, s9, s23, $0xb8;
	[tilespmem:$0x1B040] =	vst v63  }
0x53: {  	_ = 	snop  }
0x54: {  	[tilespmem:s26], [sflag:$0x2] =	stream.indirect.gather [hbm4b:s16+s23], $0x40, s23, s23, $0xb8;
	[tilespmem:$0x1B040] =	vst v63  }
0x55: {  	s8 =	simm.s32 $0xA0  }
0x56: {  	[tilespmem:s29], [sflag:$0x3] =	stream.indirect.gather [hbm4b:s16+s23], $0x40, s8, s23, $0xb8;
	[tilespmem:$0x1B040] =	vst v63  }
0x57: {  	s9 =	simm.s32 $0xF0  }
0x58: {  	[tilespmem:s31], [sflag:$0x4] =	stream.indirect.gather [hbm4b:s16+s23], $0x40, s9, s23, $0xb8;
	[tilespmem:$0x1B040] =	vst v63  }
0x59: {  	s8 =	simm.s32 $0x140  }
0x5a: {  	[tilespmem:s18], [sflag:$0x5] =	stream.indirect.gather [hbm4b:s16+s23], $0x40, s8, s23, $0xb8;
	[tilespmem:$0x1B040] =	vst v63  }
0x5b: {  	_ =	swait.ge [sflag:s2], $0x1400  }
0x5c: {  	[sflag:s2] =	ssyncset.done $0x0  }
0x5d: {  	s9 =	simm.s32 $0x4E20;
	[sflag:s2] =	ssyncadd.s32 $0xFFFFEC00  }
0x5e: {  	[spmem:s1] =	stream.indirect.scatter.add.f32 [tilespmem:s25], [sflag:$0x8], $0x40, s9, s23, $0xb8;
	[tilespmem:$0x1B040] =	vst v63  }
0x5f: {  	_ =	swait.ge [sflag:s20], $0x1400  }
0x60: {  	[sflag:s20] =	ssyncset.done $0x0  }
0x61: {  	s8 =	simm.s32 $0x190;
	[sflag:s20] =	ssyncadd.s32 $0xFFFFEC00  }
0x62: {  	[tilespmem:s25], [sflag:$0x1] =	stream.indirect.gather [hbm4b:s16+s23], $0x40, s8, s23, $0xb8;
	[tilespmem:$0x1B040] =	vst v63  }
0x63: {  	_ =	swait.ge [sflag:s28], $0x1400  }
0x64: {  	[sflag:s28] =	ssyncset.done $0x0  }
0x65: {  	s9 =	simm.s32 $0x4E70;
	[sflag:s28] =	ssyncadd.s32 $0xFFFFEC00  }
0x66: {  	[spmem:s1] =	stream.indirect.scatter.add.f32 [tilespmem:s26], [sflag:$0x8], $0x40, s9, s23, $0xb8;
	[tilespmem:$0x1B040] =	vst v63  }
0x67: {  	_ =	swait.ge [sflag:s20], $0x1400  }
0x68: {  	[sflag:s20] =	ssyncset.done $0x0  }
0x69: {  	s8 =	simm.s32 $0x1E0;
	[sflag:s20] =	ssyncadd.s32 $0xFFFFEC00  }
0x6a: {  	[tilespmem:s26], [sflag:$0x2] =	stream.indirect.gather [hbm4b:s16+s23], $0x40, s8, s23, $0xb8;
	[tilespmem:$0x1B040] =	vst v63  }
0x6b: {  	_ =	swait.ge [sflag:s30], $0x1400  }
0x6c: {  	[sflag:s30] =	ssyncset.done $0x0  }
0x6d: {  	s9 =	simm.s32 $0x4EC0;
	[sflag:s30] =	ssyncadd.s32 $0xFFFFEC00  }
0x6e: {  	[spmem:s1] =	stream.indirect.scatter.add.f32 [tilespmem:s29], [sflag:$0x8], $0x40, s9, s23, $0xb8;
	[tilespmem:$0x1B040] =	vst v63  }
0x6f: {  	_ =	swait.ge [sflag:s20], $0x1400  }
0x70: {  	[sflag:s20] =	ssyncset.done $0x0  }
0x71: {  	s8 =	simm.s32 $0x230;
	[sflag:s20] =	ssyncadd.s32 $0xFFFFEC00  }
0x72: {  	[tilespmem:s29], [sflag:$0x3] =	stream.indirect.gather [hbm4b:s16+s23], $0x40, s8, s23, $0xb8;
	[tilespmem:$0x1B040] =	vst v63  }
0x73: {  	_ =	swait.ge [sflag:s0], $0x1400  }
0x74: {  	[sflag:s0] =	ssyncset.done $0x0  }
0x75: {  	s9 =	simm.s32 $0x4F10;
	[sflag:s0] =	ssyncadd.s32 $0xFFFFEC00  }
0x76: {  	[spmem:s1] =	stream.indirect.scatter.add.f32 [tilespmem:s31], [sflag:$0x8], $0x40, s9, s23, $0xb8;
	[tilespmem:$0x1B040] =	vst v63  }
0x77: {  	_ =	swait.ge [sflag:s20], $0x1400  }
0x78: {  	[sflag:s20] =	ssyncset.done $0x0  }
0x79: {  	s8 =	simm.s32 $0x280;
	[sflag:s20] =	ssyncadd.s32 $0xFFFFEC00  }
0x7a: {  	[tilespmem:s31], [sflag:$0x4] =	stream.indirect.gather [hbm4b:s16+s23], $0x40, s8, s23, $0xb8;
	[tilespmem:$0x1B040] =	vst v63  }
0x7b: {  	_ =	swait.ge [sflag:s3], $0x1400  }
0x7c: {  	[sflag:s3] =	ssyncset.done $0x0  }
0x7d: {  	s9 =	simm.s32 $0x4F60;
	[sflag:s3] =	ssyncadd.s32 $0xFFFFEC00  }
0x7e: {  	[spmem:s1] =	stream.indirect.scatter.add.f32 [tilespmem:s18], [sflag:$0x8], $0x40, s9, s23, $0xb8;
	[tilespmem:$0x1B040] =	vst v63  }
0x7f: {  	_ =	swait.ge [sflag:s20], $0x1400  }
0x80: {  	[sflag:s20] =	ssyncset.done $0x0  }
0x81: {  	s7 =	simm.s32 $0x640;
	s8 =	simm.s32 $0x2D0;
	[sflag:s20] =	ssyncadd.s32 $0xFFFFEC00  }
.LBB2_4:
0x82: {  	[tilespmem:s18], [sflag:$0x5] =	stream.indirect.gather [hbm4b:s16+s23], $0x40, s8, s23, $0xb8;
	[tilespmem:$0x1B040] =	vst v63  }
0x83: {  	s8 =	smov.u32 s7  }
0x84: {  	p0 =	sne.s32 s7, $0x12C00;
	s7 =	sadd.s32 $0x640, s7;
	_ =	swait.ge [sflag:s2], $0x1400  }
0x85: {  	s8 =	sshra.s32 s8, $0x2;
	[sflag:s2] =	ssyncset.done $0x0  }
0x86: {  	s9 =	sadd.s32 $0x4E20, s8;
	[sflag:s2] =	ssyncadd.s32 $0xFFFFEC00  }
0x87: {  	[spmem:s1] =	stream.indirect.scatter.add.f32 [tilespmem:s25], [sflag:$0x8], $0x40, s9, s23, $0xb8;
	[tilespmem:$0x1B040] =	vst v63  }
0x88: {  	_ =	swait.ge [sflag:s20], $0x1400  }
0x89: {  	[sflag:s20] =	ssyncset.done $0x0  }
0x8a: {  	s9 =	sadd.s32 $0x190, s8;
	[sflag:s20] =	ssyncadd.s32 $0xFFFFEC00  }
0x8b: {  	[tilespmem:s25], [sflag:$0x1] =	stream.indirect.gather [hbm4b:s16+s23], $0x40, s9, s23, $0xb8;
	[tilespmem:$0x1B040] =	vst v63  }
0x8c: {  	_ =	swait.ge [sflag:s28], $0x1400  }
0x8d: {  	[sflag:s28] =	ssyncset.done $0x0  }
0x8e: {  	s9 =	sadd.s32 $0x4E70, s8;
	[sflag:s28] =	ssyncadd.s32 $0xFFFFEC00  }
0x8f: {  	[spmem:s1] =	stream.indirect.scatter.add.f32 [tilespmem:s26], [sflag:$0x8], $0x40, s9, s23, $0xb8;
	[tilespmem:$0x1B040] =	vst v63  }
0x90: {  	_ =	swait.ge [sflag:s20], $0x1400  }
0x91: {  	[sflag:s20] =	ssyncset.done $0x0  }
0x92: {  	s9 =	sadd.s32 $0x1E0, s8;
	[sflag:s20] =	ssyncadd.s32 $0xFFFFEC00  }
0x93: {  	[tilespmem:s26], [sflag:$0x2] =	stream.indirect.gather [hbm4b:s16+s23], $0x40, s9, s23, $0xb8;
	[tilespmem:$0x1B040] =	vst v63  }
0x94: {  	_ =	swait.ge [sflag:s30], $0x1400  }
0x95: {  	[sflag:s30] =	ssyncset.done $0x0  }
0x96: {  	s9 =	sadd.s32 $0x4EC0, s8;
	[sflag:s30] =	ssyncadd.s32 $0xFFFFEC00  }
0x97: {  	[spmem:s1] =	stream.indirect.scatter.add.f32 [tilespmem:s29], [sflag:$0x8], $0x40, s9, s23, $0xb8;
	[tilespmem:$0x1B040] =	vst v63  }
0x98: {  	_ =	swait.ge [sflag:s20], $0x1400  }
0x99: {  	[sflag:s20] =	ssyncset.done $0x0  }
0x9a: {  	s9 =	sadd.s32 $0x230, s8;
	[sflag:s20] =	ssyncadd.s32 $0xFFFFEC00  }
0x9b: {  	[tilespmem:s29], [sflag:$0x3] =	stream.indirect.gather [hbm4b:s16+s23], $0x40, s9, s23, $0xb8;
	[tilespmem:$0x1B040] =	vst v63  }
0x9c: {  	_ =	swait.ge [sflag:s0], $0x1400  }
0x9d: {  	[sflag:s0] =	ssyncset.done $0x0  }
0x9e: {  	s9 =	sadd.s32 $0x4F10, s8;
	[sflag:s0] =	ssyncadd.s32 $0xFFFFEC00  }
0x9f: {  	[spmem:s1] =	stream.indirect.scatter.add.f32 [tilespmem:s31], [sflag:$0x8], $0x40, s9, s23, $0xb8;
	[tilespmem:$0x1B040] =	vst v63  }
0xa0: {  	_ =	swait.ge [sflag:s20], $0x1400  }
0xa1: {  	[sflag:s20] =	ssyncset.done $0x0  }
0xa2: {  	s9 =	sadd.s32 $0x280, s8;
	[sflag:s20] =	ssyncadd.s32 $0xFFFFEC00  }
0xa3: {  	[tilespmem:s31], [sflag:$0x4] =	stream.indirect.gather [hbm4b:s16+s23], $0x40, s9, s23, $0xb8;
	[tilespmem:$0x1B040] =	vst v63  }
0xa4: {  	_ =	swait.ge [sflag:s3], $0x1400  }
0xa5: {  	[sflag:s3] =	ssyncset.done $0x0  }
.Ltmp1:
0xa6: {  	s9 =	sadd.s32 $0x4F60, s8;
	[sflag:s3] =	ssyncadd.s32 $0xFFFFEC00;
	(pc) =	sbr.rel @p0 .LBB2_4-.Ltmp1, $4  }
0xa7: {  	[spmem:s1] =	stream.indirect.scatter.add.f32 [tilespmem:s18], [sflag:$0x8], $0x40, s9, s23, $0xb8;
	[tilespmem:$0x1B040] =	vst v63  }
0xa8: {  	_ =	swait.ge [sflag:s20], $0x1400  }
0xa9: {  	[sflag:s20] =	ssyncset.done $0x0  }
0xaa: {  	s8 =	sadd.s32 $0x2D0, s8;
	[sflag:s20] =	ssyncadd.s32 $0xFFFFEC00  }
0xab: {  	[tilespmem:s18], [sflag:$0x5] =	stream.indirect.gather [hbm4b:s16+s23], $0x40, s8, s23, $0xb8;
	[tilespmem:$0x1B040] =	vst v63  }
0xac: {  	_ =	swait.ge [sflag:s2], $0x1400  }
0xad: {  	[sflag:s2] =	ssyncset.done $0x0  }
0xae: {  	s7 =	simm.s32 $0x9AB0;
	[sflag:s2] =	ssyncadd.s32 $0xFFFFEC00  }
0xaf: {  	[spmem:s1] =	stream.indirect.scatter.add.f32 [tilespmem:s25], [sflag:$0x8], $0x40, s7, s23, $0xb8;
	[tilespmem:$0x1B040] =	vst v63  }
0xb0: {  	_ =	swait.ge [sflag:s20], $0x1400  }
0xb1: {  	[sflag:s20] =	ssyncset.done $0x0  }
0xb2: {  	[sflag:s20] =	ssyncadd.s32 $0xFFFFEC00  }
0xb3: {  	_ =	swait.ge [sflag:s28], $0x1400  }
0xb4: {  	[sflag:s28] =	ssyncset.done $0x0  }
0xb5: {  	s8 =	simm.s32 $0x9B00;
	[sflag:s28] =	ssyncadd.s32 $0xFFFFEC00  }
0xb6: {  	[spmem:s1] =	stream.indirect.scatter.add.f32 [tilespmem:s26], [sflag:$0x8], $0x40, s8, s23, $0xb8;
	[tilespmem:$0x1B040] =	vst v63  }
0xb7: {  	_ =	swait.ge [sflag:s20], $0x1400  }
0xb8: {  	[sflag:s20] =	ssyncset.done $0x0  }
0xb9: {  	[sflag:s20] =	ssyncadd.s32 $0xFFFFEC00  }
0xba: {  	_ =	swait.ge [sflag:s30], $0x1400  }
0xbb: {  	[sflag:s30] =	ssyncset.done $0x0  }
0xbc: {  	s9 =	simm.s32 $0x9B50;
	[sflag:s30] =	ssyncadd.s32 $0xFFFFEC00  }
0xbd: {  	[spmem:s1] =	stream.indirect.scatter.add.f32 [tilespmem:s29], [sflag:$0x8], $0x40, s9, s23, $0xb8;
	[tilespmem:$0x1B040] =	vst v63  }
0xbe: {  	_ =	swait.ge [sflag:s20], $0x1400  }
0xbf: {  	[sflag:s20] =	ssyncset.done $0x0  }
0xc0: {  	[sflag:s20] =	ssyncadd.s32 $0xFFFFEC00  }
0xc1: {  	_ =	swait.ge [sflag:s0], $0x1400  }
0xc2: {  	[sflag:s0] =	ssyncset.done $0x0  }
0xc3: {  	s8 =	simm.s32 $0x9BA0;
	[sflag:s0] =	ssyncadd.s32 $0xFFFFEC00  }
0xc4: {  	[spmem:s1] =	stream.indirect.scatter.add.f32 [tilespmem:s31], [sflag:$0x8], $0x40, s8, s23, $0xb8;
	[tilespmem:$0x1B040] =	vst v63  }
0xc5: {  	_ =	swait.ge [sflag:s20], $0x1400  }
0xc6: {  	[sflag:s20] =	ssyncset.done $0x0  }
0xc7: {  	[sflag:s20] =	ssyncadd.s32 $0xFFFFEC00  }
0xc8: {  	_ =	swait.ge [sflag:s3], $0x1400  }
0xc9: {  	[sflag:s3] =	ssyncset.done $0x0  }
0xca: {  	s9 =	simm.s32 $0x9BF0;
	[sflag:s3] =	ssyncadd.s32 $0xFFFFEC00  }
0xcb: {  	[spmem:s1] =	stream.indirect.scatter.add.f32 [tilespmem:s18], [sflag:$0x8], $0x40, s9, s23, $0xb8;
	[tilespmem:$0x1B040] =	vst v63  }
0xcc: {  	s8 =	stileid.u32;
	_ =	swait.ge [sflag:s20], $0x1400  }
0xcd: {  	s5 =	sadd.s32 $0x1, s5;
	s7 =	sshll.u32 s8, $0x6;
	[sflag:s20] =	ssyncset.done $0x0  }
0xce: {  	p0 =	sne.s32 s5, s17;
	s7 =	sor.u32 $0x1C08, s7;
	[sflag:s20] =	ssyncadd.s32 $0xFFFFEC00  }
.Ltmp2:
0xcf: {  	s9 =	sshrl.u32 s6, $0x3;
	[bflag:$0x0] =	sbarrier.arrive $0xFFFF;
	(pc) =	sbr.rel @p0 .LBB2_1-.Ltmp2, $4  }
0xd0: {  	[hbm:s24], [sflag:s7] =	dma.local [spmem:s9], $0x1400  }
0xd1: {  	_ =	swait.ge [sflag:s20], $0x1400  }
0xd2: {  	[sflag:s20] =	ssyncset.done $0x0  }
0xd3: {  	[sflag:s20] =	ssyncadd.s32 $0xFFFFEC00  }
0xd4: {  	_ =	sfence.sel $0x180000  }
0xd5: {  	[bflag:$0x0] =	sbarrier.arrive $0xFFFF  }
0xd6: {  	_ =	strace $0x9000004A  }
0xd7: {  	s0 =	stileid.u32;
	[bflag:$0x2] =	sbarrier.arrive $0xFFFF  }
0xd8: {  	p0 =	sne.s32 s0, $0x0;
	s0 =	rddreg [dreg:$0x3]  }
0xd9: {  	s0 =	sadd.s32 @!p0 $0x100000, s0  }
0xda: {  	[sflag:s0] =	ssyncadd.tile.s32 @!p0 $0x1;
	_ =	shalt  }
.Lfunc_end2:
_tile_overlayer_lowered:
.L_overlay_start_2:
0xdb: {  	(tag) =	ssettag $0x2  }
0xdc: {  	s0 =	rddreg [dreg:$0x0];
	s2 =	stileid.u32  }
0xdd: {  	s1 =	rddreg [dreg:$0x1];
	p0 =	sne.s32 s2, $0x0  }
0xde: {  	s3 =	rddreg [dreg:$0x2];
	[bflag:$0x3] =	sbarrier.arrive $0xFFFF;
	s2 =	simm.s32 @!p0 $0x1C08  }
0xdf: {  	[timem:s3], [sflag:s2] =	dma.local @!p0 [hbm:s0], s1  }
0xe0: {  	s0 =	simm.s32 @!p0 $0x8  }
0xe1: {  	_ =	swait.ge @!p0 [sflag:s0], s1  }
0xe2: {  	s1 =	ssub.s32 @!p0 $0x0, s1;
	[sflag:s0] =	ssyncset.done @!p0 $0x0  }
0xe3: {  	[sflag:s0] =	ssyncadd.s32 @!p0 s1  }
0xe4: {  	[bflag:$0x3] =	sbarrier.arrive $0xFFFF  }
0xe5: {  	_ =	shalt  }

// kernel: kernel.14.cloned.1.call-start
scs
__scs_entry_jumppad:
0x0: {  	(pc) =	sbr.rel $0x88, $3  }
0x1: {  	(tag) =	ssettag $0x0;
	lr =	simm.s32 $0x1  }
0x2: {  	[smem:$0x3F9B] =	sst lr;
	_ =	strace $0xD0000000  }
0x3: {  	_ = 	snop  }
0x4: {  	_ = 	snop  }
0x5: {  	_ = 	snop  }
0x6: {  	_ = 	snop  }
0x7: {  	_ = 	snop  }
__scs_overlays_trampoline_lowered:
0x8: {  	[smem:$0x3FAA] =	sst s0  }
0x9: {  	[smem:$0x3FAB] =	sst s1  }
0xa: {  	[smem:$0x3FAC] =	sst s2  }
0xb: {  	[smem:$0x3FAD] =	sst s3  }
0xc: {  	[smem:$0x3FAE] =	sst s4  }
0xd: {  	[smem:$0x3FAF] =	sst s5  }
0xe: {  	[smem:$0x3FB0] =	sst s6  }
0xf: {  	[smem:$0x3FB1] =	sst s7  }
0x10: {  	[smem:$0x3FB2] =	sst s8  }
0x11: {  	[smem:$0x3FB3] =	sst s9;
	s0 =	simm.s32 @!p0 $0x0  }
0x12: {  	s1 =	sld [smem:$0x3F99];
	s0 =	simm.s32 @p0 $0x1  }
0x13: {  	[smem:$0x3FB4] =	sst s0;
	s0 =	simm.s32 @!p1 $0x0  }
0x14: {  	s2 =	sld [smem:$0x3F98];
	s0 =	simm.s32 @p1 $0x1  }
0x15: {  	[smem:$0x3FB5] =	sst s0;
	s0 =	simm.s32 @!p2 $0x0  }
0x16: {  	s3 =	sld [smem:$0x3FDB];
	s0 =	simm.s32 @p2 $0x1  }
0x17: {  	s4 =	simm.s32 $0x1BF5;
	[smem:$0x3FB7] =	sst s0  }
0x18: {  	s0 =	sld [smem:$0x3F9A];
	_ =	swait.ge [sflag:s4], $0x0  }
0x19: {  	s7 =	sld [smem:$0x3F9B]  }
0x1a: {  	s8 =	sadd.s32 $0xFFFFE003, lr  }
0x1b: {  	s9 =	sadd.s32 $0xFFFFFEF7, lr;
	s5 =	simm.s32 $0xFFFFFFFF;
	p2 =	slt.u32 s8, $0xFFFFF086  }
0x1c: {  	p1 =	slt.u32 s9, $0xF7A;
	s5 =	simm.s32 @!p2 $0x0  }
0x1d: {  	s5 =	simm.s32 @p1 $0x1;
	p0 =	seq.s32 s7, s2  }
0x1e: {  	s7 =	smul.u32 @!p0 $0xF7A, s2;
	p2 =	seq.s32 @!p0 s5, $0x0  }
0x1f: {  	s9 =	smul.u32 $0xF7A, s1;
	s8 =	simm.s32 @!p0 $0x1BF5;
	p2 =	por !p2, p0  }
0x20: {  	[sflag:s8] =	ssyncset.s32 @!p0 $0xFFFFF086;
	s6 =	sadd.s32 @!p0 s3, s7;
	s7 =	simm.s32 @!p0 $0x108  }
0x21: {  	s3 =	sadd.s32 s3, s9;
	s6 =	sadd.s32 @!p0 $0x88, s6;
	s7 =	simm.s32 @p2 $0x1082  }
0x22: {  	[simem:s7], [sflag:s8] =	dma.local @!p0 [hbm:s6], $0xF7A  }
0x23: {  	s9 =	sor.u32 $0xD0000000, s2;
	s6 =	simm.s32 $0x108;
	_ =	swait.ge @!p0 [sflag:s8], $0x0  }
0x24: {  	s3 =	sadd.s32 $0x88, s3;
	s6 =	simm.s32 @!p1 $0x1082;
	[sflag:s4] =	ssyncset.s32 $0xFFFFF086  }
0x25: {  	[simem:s6], [sflag:s4] =	dma.local [hbm:s3], $0xF7A  }
0x26: {  	[smem:$0x3F9B] =	sst s1;
	(tag) =	ssettag s2;
	_ =	strace s9  }
0x27: {  	s1 =	sld [smem:$0x3FAB]  }
0x28: {  	s2 =	sld [smem:$0x3FAC]  }
0x29: {  	s4 =	sld [smem:$0x3FAE]  }
0x2a: {  	p0 =	seq.s32 s5, $0x0;
	s5 =	sld [smem:$0x3FAF]  }
0x2b: {  	s6 =	sld [smem:$0x3FB0]  }
0x2c: {  	s7 =	sld [smem:$0x3FB1]  }
0x2d: {  	s3 =	simm.s32 $0x108;
	s8 =	sld [smem:$0x3FB2]  }
0x2e: {  	s3 =	simm.s32 @!p0 $0x1082;
	s9 =	sld [smem:$0x3FB3]  }
0x2f: {  	lr =	sadd.s32 s0, s3;
	s0 =	sld [smem:$0x3FAA]  }
0x30: {  	s3 =	sld [smem:$0x3FAD]  }
0x31: {  	[smem:$0x3FB6] =	sst s10  }
0x32: {  	s10 =	sld [smem:$0x3FB4];
	_ =	sdelay $0x3  }
0x33: {  	p0 =	seq.s32 s10, $0x1;
	s10 =	sld [smem:$0x3FB6];
	_ =	sdelay $0x3  }
0x34: {  	[smem:$0x3FB6] =	sst s10  }
0x35: {  	s10 =	sld [smem:$0x3FB5];
	_ =	sdelay $0x3  }
0x36: {  	p1 =	seq.s32 s10, $0x1;
	s10 =	sld [smem:$0x3FB6];
	_ =	sdelay $0x3  }
0x37: {  	[smem:$0x3FB6] =	sst s10  }
0x38: {  	s10 =	sld [smem:$0x3FB7]  }
0x39: {  	_ = 	snop;
	(pc) =	sbr.ind lr, $3  }
0x3a: {  	_ = 	snop  }
0x3b: {  	_ = 	snop  }
0x3c: {  	p2 =	seq.s32 s10, $0x1;
	s10 =	sld [smem:$0x3FB6]  }
0x3d: {  	_ =	shalt  }
0x3e: {  	_ =	shalt  }
0x3f: {  	_ =	shalt  }
0x40: {  	_ =	shalt  }
0x41: {  	_ =	shalt  }
0x42: {  	_ =	shalt  }
0x43: {  	_ =	shalt  }
0x44: {  	_ =	shalt  }
0x45: {  	_ =	shalt  }
0x46: {  	_ =	shalt  }
0x47: {  	_ =	shalt  }
0x48: {  	_ =	shalt  }
0x49: {  	_ =	shalt  }
0x4a: {  	_ =	shalt  }
0x4b: {  	_ =	shalt  }
0x4c: {  	_ =	shalt  }
0x4d: {  	_ =	shalt  }
0x4e: {  	_ =	shalt  }
0x4f: {  	_ =	shalt  }
0x50: {  	_ =	shalt  }
0x51: {  	_ =	shalt  }
0x52: {  	_ =	shalt  }
0x53: {  	_ =	shalt  }
0x54: {  	_ =	shalt  }
0x55: {  	_ =	shalt  }
0x56: {  	_ =	shalt  }
0x57: {  	_ =	shalt  }
0x58: {  	_ =	shalt  }
0x59: {  	_ =	shalt  }
0x5a: {  	_ =	shalt  }
0x5b: {  	_ =	shalt  }
0x5c: {  	_ =	shalt  }
0x5d: {  	_ =	shalt  }
0x5e: {  	_ =	shalt  }
0x5f: {  	_ =	shalt  }
0x60: {  	_ =	shalt  }
0x61: {  	_ =	shalt  }
0x62: {  	_ =	shalt  }
0x63: {  	_ =	shalt  }
0x64: {  	_ =	shalt  }
0x65: {  	_ =	shalt  }
0x66: {  	_ =	shalt  }
0x67: {  	_ =	shalt  }
0x68: {  	_ =	shalt  }
0x69: {  	_ =	shalt  }
0x6a: {  	_ =	shalt  }
0x6b: {  	_ =	shalt  }
0x6c: {  	_ =	shalt  }
0x6d: {  	_ =	shalt  }
0x6e: {  	_ =	shalt  }
0x6f: {  	_ =	shalt  }
0x70: {  	_ =	shalt  }
0x71: {  	_ =	shalt  }
0x72: {  	_ =	shalt  }
0x73: {  	_ =	shalt  }
0x74: {  	_ =	shalt  }
0x75: {  	_ =	shalt  }
0x76: {  	_ =	shalt  }
0x77: {  	_ =	shalt  }
0x78: {  	_ =	shalt  }
0x79: {  	_ =	shalt  }
0x7a: {  	_ =	shalt  }
0x7b: {  	_ =	shalt  }
0x7c: {  	_ =	shalt  }
0x7d: {  	_ =	shalt  }
0x7e: {  	_ =	shalt  }
0x7f: {  	_ =	shalt  }
0x80: {  	_ =	shalt  }
0x81: {  	_ =	shalt  }
0x82: {  	_ =	shalt  }
0x83: {  	_ =	shalt  }
0x84: {  	_ =	shalt  }
0x85: {  	_ =	shalt  }
0x86: {  	_ =	shalt  }
0x87: {  	_ =	shalt  }
.Lfunc_end0:
.L_simem_size_0:
called_computation.2_lowered:
.L_overlay_start_0:
0x88: {  	s2 =	sld [smem:$0x3FD9]  }
0x89: {  	s3 =	sld [smem:$0x3FFE];
	_ =	sdelay $0x1  }
0x8a: {  	s1 =	srdreg.scid  }
0x8b: {  	s0 =	sand.u32 $0x1, s1  }
0x8c: {  	s14 =	sshll.u32 s0, $0xA;
	s2 =	sadd.s32 s3, s2  }
0x8d: {  	s2 =	sadd.s32 s2, s14  }
0x8e: {  	[smem:$0x3FC2] =	sst s2  }
0x8f: {  	_ = 	snop  }
0x90: {  	s2 =	sld [smem:$0x3FD0];
	_ =	sdelay $0x2  }
0x91: {  	s15 =	simm.s32 $0xA;
	s4 =	simm.s32 $0x10  }
0x92: {  	[smem:s4], [sflag:s15] =	dma.local [hbm:s2], $0x1  }
0x93: {  	_ =	swait.eq [sflag:s15], $0x1  }
0x94: {  	[sflag:s15] =	ssyncset.done $0x0  }
0x95: {  	[sflag:s15] =	ssyncadd.s32 $0xFFFFFFFF  }
0x96: {  	s16 =	sld [smem:$0x12];
	(tm) =	ssettm $0x1  }
0x97: {  	s17 =	sld [smem:$0x3FFB];
	_ =	sdelay $0x3  }
0x98: {  	_ =	strace s17  }
0x99: {  	s3 =	sld [smem:$0x3FFC];
	_ =	sdelay $0x3  }
0x9a: {  	_ =	strace s3  }
0x9b: {  	s3 =	sld [smem:$0x3FFD];
	_ =	sdelay $0x3  }
0x9c: {  	_ =	strace s3  }
0x9d: {  	_ =	strace $0x8FFFFFFF  }
0x9e: {  	s18 =	sld [smem:$0x3FDB];
	_ =	sdelay $0x1  }
0x9f: {  	s19 =	simm.s32 $_scs_section_size  }
0xa0: {  	s5 =	simm.s32 $_size__tile_overlayer_lowered;
	s6 =	simm.s32 $_tile_overlayer_lowered  }
0xa1: {  	s22 =	simm.s32 $0x1BFF;
	s21 =	sshll.u32 s6, $0x1;
	s3 =	sadd.s32 s19, s18  }
0xa2: {  	s7 =	simm.s32 $0x0;
	s20 =	sshll.u32 s5, $0x1;
	s5 =	sadd.s32 s21, s3  }
0xa3: {  	[timem:s7], [sflag:s22] =	dma.local [hbm:s5], s20  }
0xa4: {  	_ =	swait.ge [sflag:s22], s20  }
0xa5: {  	s4 =	ssub.s32 $0x0, s20;
	[sflag:s22] =	ssyncset.done $0x0  }
0xa6: {  	[sflag:s22] =	ssyncadd.s32 s4;
	_ =	sdelay $0x1  }
0xa7: {  	s23 =	simm.s32 $0x1B8B  }
0xa8: {  	_ =	swait.ge [sflag:s23], $0x1  }
0xa9: {  	[sflag:s23] =	ssyncset.done $0x0  }
0xaa: {  	s25 =	simm.s32 $0x1B8E;
	s24 =	sld [smem:$0x3FFE];
	[sflag:s23] =	ssyncadd.s32 $0xFFFFFFFF  }
0xab: {  	s26 =	simm.s32 $execute0_lowered;
	[smem:$0x3FD2] =	sst s25  }
0xac: {  	s5 =	sshll.u32 s26, $0x1;
	_ =	strace $0x8000004C;
	[dreg:$0x1] =	wrdreg $0xFFFFFFFF  }
0xad: {  	s28 =	simm.s32 $_size_execute0_lowered;
	s3 =	sadd.s32 s3, s5;
	[dreg:$0x0] =	wrdreg $0x0  }
0xae: {  	s5 =	sshll.u32 s28, $0x1;
	[dreg:$0x2] =	wrdreg s3  }
0xaf: {  	[dreg:$0x3] =	wrdreg s5  }
0xb0: {  	[dreg:$0x4] =	wrdreg $0xC0  }
0xb1: {  	_ =	task [dreg:s7], $0x5FFFF  }
0xb2: {  	[dreg:$0x1] =	wrdreg $0xFFFFFFFF  }
0xb3: {  	[dreg:$0x0] =	wrdreg $0x60  }
0xb4: {  	[dreg:$0x2] =	wrdreg s24  }
0xb5: {  	[dreg:$0x3] =	wrdreg s16  }
0xb6: {  	[dreg:$0x4] =	wrdreg $0x110400  }
0xb7: {  	[dreg:$0x5] =	wrdreg $0x9  }
0xb8: {  	_ =	task.clear_ibuf [dreg:s7], $0x6FFFF;
	_ =	strace $0x9000004C  }
0xb9: {  	s29 =	simm.s32 $0x9;
	_ =	strace $0x8000004E  }
0xba: {  	_ =	swait.ge [sflag:s29], $0x1  }
0xbb: {  	[sflag:s29] =	ssyncadd.s32 $0xFFFFFFFF  }
0xbc: {  	_ =	strace $0x9000004E  }
0xbd: {  	_ =	sfence  }
0xbe: {  	s30 =	sld [smem:$0x0];
	_ =	sdelay $0x2  }
0xbf: {  	s31 =	sshll.u32 s1, $0xD;
	s1 =	sshrl.u32 s1, $0x2  }
0xc0: {  	s3 =	sand.u32 $0x4000, s31;
	s1 =	sadd.s32 s1, s30  }
0xc1: {  	s0 =	sor.u32 s3, s0;
	s1 =	sshll.u32 s1, $0x11  }
0xc2: {  	s0 =	sor.u32 s1, s0  }
0xc3: {  	s0 =	sadd.s32 $0x8F2B, s0  }
0xc4: {  	[sflag:s0] =	ssyncadd.remote.s32 $0x1  }
0xc5: {  	_ =	sfence.sel $0xFFFF  }
0xc6: {  	[dreg:$0x0] =	wrdreg $0xFFFFFFFF;
	(pc) =	sbr.abs _section_cstart, $3  }
0xc7: {  	[dreg:$0x1] =	wrdreg $0xFFFFFFFF  }
0xc8: {  	_ =	task.clear_ibuf [dreg:s7], $0x2FFFF;
	_ =	strace $0x9FFFFFFF  }
0xc9: {  	(tm) =	ssettm $0x7FFFFFFF  }
tec
execute0_lowered:
.L_overlay_start_1:
0x0: {  	(tag) =	ssettag $0x1  }
0x1: {  	s0 =	rddreg [dreg:$0x0]  }
0x2: {  	s2 =	rddreg [dreg:$0x1]  }
0x3: {  	s1 =	rddreg [dreg:$0x2];
	s3 =	srdreg.scid;
	s5 =	simm.s32 $0x0  }
0x4: {  	s7 =	stileid.u32;
	s19 =	simm.s32 $0x10040;
	s29 =	simm.s32 $0xC440  }
0x5: {  	s31 =	simm.s32 $0xD840;
	s18 =	simm.s32 $0xEC40;
	s20 =	smul.u32 $0x9C4, s7  }
0x6: {  	s28 =	simm.s32 $0x2;
	s30 =	simm.s32 $0x3;
	s6 =	smul.u32 $0x28000, s7  }
0x7: {  	s3 =	sand.u32 $0x1, s3;
	[smem:$0x7FF] =	sst s5;
	s7 =	smul.u32 $0xA000, s7  }
0x8: {  	s4 =	smul.u32 $0x14000, s3;
	_ =	strace $0x8000004D;
	s3 =	ssub.s32 $0x2, s3  }
0x9: {  	s21 =	sshrl.u32 s3, $0x1;
	s22 =	sshrl.u32 s6, $0x2;
	s6 =	sadd.s32 s7, s1  }
0xa: {  	s26 =	sshrl.u32 s7, $0x3;
	s0 =	sadd.s32 s4, s0;
	s3 =	ssub.s32 s3, s21  }
0xb: {  	s4 =	sadd.s32 s2, s20;
	s2 =	sadd.s32 s22, s1;
	s20 =	simm.s32 $0x8  }
0xc: {  	s21 =	simm.s32 $0x6;
	s22 =	simm.s32 $0x7;
	s5 =	sadd.s32 $0x9C40, s4  }
0xd: {  	s23 =	sadd.s32 $0x1000, s2;
	s24 =	sadd.s32 $0x2000, s2;
	s25 =	sadd.s32 $0x3000, s2  }
0xe: {  	s10 =	sadd.s32 $0x4000, s2;
	s11 =	sadd.s32 $0x5000, s2;
	s12 =	sadd.s32 $0x6000, s2  }
0xf: {  	s13 =	sadd.s32 $0x7000, s2;
	s14 =	sadd.s32 $0x8000, s2;
	[dreg:$0x4] =	wrdreg s5  }
0x10: {  	s15 =	sadd.s32 $0x9000, s2;
	s16 =	sadd.s32 $0x52200, s0;
	[dreg:$0x5] =	wrdreg s23  }
0x11: {  	s0 =	sadd.s32 $0x2200, s0;
	s17 =	smax.u32 s3, $0x1;
	[dreg:$0x6] =	wrdreg s24  }
0x12: {  	s2 =	simm.s32 $0x1;
	s3 =	simm.s32 $0x5;
	[dreg:$0x7] =	wrdreg s25  }
0x13: {  	s23 =	simm.s32 $0x50;
	s24 =	sadd.s32 s26, s0;
	s25 =	simm.s32 $0x9C40  }
0x14: {  	v0 =	vimm.f32 $0.0e+00;
	s26 =	simm.s32 $0xB040;
	s0 =	simm.s32 $0x4;
	s5 =	simm.s32 $0x0  }
.LBB2_1:
0x15: {  	s7 =	simm.s32 $0x0  }
0x16: {  	[tilespmem:s7], [sflag:$0x6] =	stream.linear.gather [hbm4b:s4+s7], $0x4E20, $0x38;
	[tilespmem:$0x1B040] =	vst v63  }
0x17: {  	s8 =	rddreg [dreg:$0x4];
	s9 =	simm.s32 $0x4E20  }
0x18: {  	[tilespmem:s9], [sflag:$0x7] =	stream.linear.gather [hbm4b:s8+s7], $0x4E20, $0x38;
	[tilespmem:$0x1B040] =	vst v63  }
0x19: {  	s8 =	simm.s32 $0x100;
	s7 =	simm.s32 $0x0  }
.LBB2_2:
0x1a: {  	p0 =	sne.s32 s8, $0x3F00;
	[tilespmem:s7+$0x10070] =	vst v0;
	s9 =	smov.u32 s8;
	s8 =	sadd.s32 $0x100, s8  }
.Ltmp0:
0x1b: {  	[tilespmem:s7+$0x10060] =	vst v0;
	(pc) =	sbr.rel @p0 .LBB2_2-.Ltmp0, $3  }
0x1c: {  	[tilespmem:s7+$0x10040] =	vst v0  }
0x1d: {  	[tilespmem:s7+$0x10050] =	vst v0;
	_ =	sdelay $0x1  }
0x1e: {  	s7 =	sshra.s32 s9, $0x2  }
0x1f: {  	[tilespmem:s7+$0x10070] =	vst v0  }
0x20: {  	[tilespmem:s7+$0x10060] =	vst v0  }
0x21: {  	[tilespmem:s7+$0x10040] =	vst v0  }
0x22: {  	[tilespmem:s7+$0x10050] =	vst v0  }
0x23: {  	[spmem:s6] =	stream.linear.scatter [tilespmem:s19], [sflag:$0x8], $0x1000, $0x38;
	[tilespmem:$0x1B040] =	vst v63  }
0x24: {  	_ =	swait.ge [sflag:s20], $0x1000  }
0x25: {  	[sflag:s20] =	ssyncset.done $0x0  }
0x26: {  	s8 =	rddreg [dreg:$0x5];
	[sflag:s20] =	ssyncadd.s32 $0xFFFFF000  }
0x27: {  	[spmem:s8] =	stream.linear.scatter [tilespmem:s19], [sflag:$0x8], $0x1000, $0x38;
	[tilespmem:$0x1B040] =	vst v63  }
0x28: {  	_ =	swait.ge [sflag:s20], $0x1000  }
0x29: {  	[sflag:s20] =	ssyncset.done $0x0  }
0x2a: {  	s9 =	rddreg [dreg:$0x6];
	[sflag:s20] =	ssyncadd.s32 $0xFFFFF000  }
0x2b: {  	[spmem:s9] =	stream.linear.scatter [tilespmem:s19], [sflag:$0x8], $0x1000, $0x38;
	[tilespmem:$0x1B040] =	vst v63  }
0x2c: {  	_ =	swait.ge [sflag:s20], $0x1000  }
0x2d: {  	[sflag:s20] =	ssyncset.done $0x0  }
0x2e: {  	s8 =	rddreg [dreg:$0x7];
	[sflag:s20] =	ssyncadd.s32 $0xFFFFF000  }
0x2f: {  	[spmem:s8] =	stream.linear.scatter [tilespmem:s19], [sflag:$0x8], $0x1000, $0x38;
	[tilespmem:$0x1B040] =	vst v63  }
0x30: {  	_ =	swait.ge [sflag:s20], $0x1000  }
0x31: {  	[sflag:s20] =	ssyncset.done $0x0  }
0x32: {  	[sflag:s20] =	ssyncadd.s32 $0xFFFFF000  }
0x33: {  	[spmem:s10] =	stream.linear.scatter [tilespmem:s19], [sflag:$0x8], $0x1000, $0x38;
	[tilespmem:$0x1B040] =	vst v63  }
0x34: {  	_ =	swait.ge [sflag:s20], $0x1000  }
0x35: {  	[sflag:s20] =	ssyncset.done $0x0  }
0x36: {  	[sflag:s20] =	ssyncadd.s32 $0xFFFFF000  }
0x37: {  	[spmem:s11] =	stream.linear.scatter [tilespmem:s19], [sflag:$0x8], $0x1000, $0x38;
	[tilespmem:$0x1B040] =	vst v63  }
0x38: {  	_ =	swait.ge [sflag:s20], $0x1000  }
0x39: {  	[sflag:s20] =	ssyncset.done $0x0  }
0x3a: {  	[sflag:s20] =	ssyncadd.s32 $0xFFFFF000  }
0x3b: {  	[spmem:s12] =	stream.linear.scatter [tilespmem:s19], [sflag:$0x8], $0x1000, $0x38;
	[tilespmem:$0x1B040] =	vst v63  }
0x3c: {  	_ =	swait.ge [sflag:s20], $0x1000  }
0x3d: {  	[sflag:s20] =	ssyncset.done $0x0  }
0x3e: {  	[sflag:s20] =	ssyncadd.s32 $0xFFFFF000  }
0x3f: {  	[spmem:s13] =	stream.linear.scatter [tilespmem:s19], [sflag:$0x8], $0x1000, $0x38;
	[tilespmem:$0x1B040] =	vst v63  }
0x40: {  	_ =	swait.ge [sflag:s20], $0x1000  }
0x41: {  	[sflag:s20] =	ssyncset.done $0x0  }
0x42: {  	[sflag:s20] =	ssyncadd.s32 $0xFFFFF000  }
0x43: {  	[spmem:s14] =	stream.linear.scatter [tilespmem:s19], [sflag:$0x8], $0x1000, $0x38;
	[tilespmem:$0x1B040] =	vst v63  }
0x44: {  	_ =	swait.ge [sflag:s20], $0x1000  }
0x45: {  	[sflag:s20] =	ssyncset.done $0x0  }
0x46: {  	[sflag:s20] =	ssyncadd.s32 $0xFFFFF000  }
0x47: {  	[spmem:s15] =	stream.linear.scatter [tilespmem:s19], [sflag:$0x8], $0x1000, $0x38;
	[tilespmem:$0x1B040] =	vst v63  }
0x48: {  	_ =	swait.ge [sflag:s20], $0x1000  }
0x49: {  	[sflag:s20] =	ssyncset.done $0x0  }
0x4a: {  	[sflag:s20] =	ssyncadd.s32 $0xFFFFF000  }
0x4b: {  	_ =	swait.ge [sflag:s21], $0x4E20  }
0x4c: {  	[sflag:s21] =	ssyncset.done $0x0  }
0x4d: {  	[sflag:s21] =	ssyncadd.s32 $0xFFFFB1E0  }
0x4e: {  	_ =	swait.ge [sflag:s22], $0x4E20  }
0x4f: {  	[sflag:s22] =	ssyncset.done $0x0  }
0x50: {  	[sflag:s22] =	ssyncadd.s32 $0xFFFFB1E0  }
0x51: {  	s9 =	simm.s32 $0x0;
	[bflag:$0x0] =	sbarrier.arrive $0xFFFF  }
0x52: {  	[tilespmem:s25], [sflag:$0x1] =	stream.indirect.gather [hbm4b:s16+s23], $0x40, s9, s23, $0xb8;
	[tilespmem:$0x1B040] =	vst v63  }
0x53: {  	_ = 	snop  }
0x54: {  	[tilespmem:s26], [sflag:$0x2] =	stream.indirect.gather [hbm4b:s16+s23], $0x40, s23, s23, $0xb8;
	[tilespmem:$0x1B040] =	vst v63  }
0x55: {  	s8 =	simm.s32 $0xA0  }
0x56: {  	[tilespmem:s29], [sflag:$0x3] =	stream.indirect.gather [hbm4b:s16+s23], $0x40, s8, s23, $0xb8;
	[tilespmem:$0x1B040] =	vst v63  }
0x57: {  	s9 =	simm.s32 $0xF0  }
0x58: {  	[tilespmem:s31], [sflag:$0x4] =	stream.indirect.gather [hbm4b:s16+s23], $0x40, s9, s23, $0xb8;
	[tilespmem:$0x1B040] =	vst v63  }
0x59: {  	s8 =	simm.s32 $0x140  }
0x5a: {  	[tilespmem:s18], [sflag:$0x5] =	stream.indirect.gather [hbm4b:s16+s23], $0x40, s8, s23, $0xb8;
	[tilespmem:$0x1B040] =	vst v63  }
0x5b: {  	_ =	swait.ge [sflag:s2], $0x1400  }
0x5c: {  	[sflag:s2] =	ssyncset.done $0x0  }
0x5d: {  	s9 =	simm.s32 $0x4E20;
	[sflag:s2] =	ssyncadd.s32 $0xFFFFEC00  }
0x5e: {  	[spmem:s1] =	stream.indirect.scatter.add.f32 [tilespmem:s25], [sflag:$0x8], $0x40, s9, s23, $0xb8;
	[tilespmem:$0x1B040] =	vst v63  }
0x5f: {  	_ =	swait.ge [sflag:s20], $0x1400  }
0x60: {  	[sflag:s20] =	ssyncset.done $0x0  }
0x61: {  	s8 =	simm.s32 $0x190;
	[sflag:s20] =	ssyncadd.s32 $0xFFFFEC00  }
0x62: {  	[tilespmem:s25], [sflag:$0x1] =	stream.indirect.gather [hbm4b:s16+s23], $0x40, s8, s23, $0xb8;
	[tilespmem:$0x1B040] =	vst v63  }
0x63: {  	_ =	swait.ge [sflag:s28], $0x1400  }
0x64: {  	[sflag:s28] =	ssyncset.done $0x0  }
0x65: {  	s9 =	simm.s32 $0x4E70;
	[sflag:s28] =	ssyncadd.s32 $0xFFFFEC00  }
0x66: {  	[spmem:s1] =	stream.indirect.scatter.add.f32 [tilespmem:s26], [sflag:$0x8], $0x40, s9, s23, $0xb8;
	[tilespmem:$0x1B040] =	vst v63  }
0x67: {  	_ =	swait.ge [sflag:s20], $0x1400  }
0x68: {  	[sflag:s20] =	ssyncset.done $0x0  }
0x69: {  	s8 =	simm.s32 $0x1E0;
	[sflag:s20] =	ssyncadd.s32 $0xFFFFEC00  }
0x6a: {  	[tilespmem:s26], [sflag:$0x2] =	stream.indirect.gather [hbm4b:s16+s23], $0x40, s8, s23, $0xb8;
	[tilespmem:$0x1B040] =	vst v63  }
0x6b: {  	_ =	swait.ge [sflag:s30], $0x1400  }
0x6c: {  	[sflag:s30] =	ssyncset.done $0x0  }
0x6d: {  	s9 =	simm.s32 $0x4EC0;
	[sflag:s30] =	ssyncadd.s32 $0xFFFFEC00  }
0x6e: {  	[spmem:s1] =	stream.indirect.scatter.add.f32 [tilespmem:s29], [sflag:$0x8], $0x40, s9, s23, $0xb8;
	[tilespmem:$0x1B040] =	vst v63  }
0x6f: {  	_ =	swait.ge [sflag:s20], $0x1400  }
0x70: {  	[sflag:s20] =	ssyncset.done $0x0  }
0x71: {  	s8 =	simm.s32 $0x230;
	[sflag:s20] =	ssyncadd.s32 $0xFFFFEC00  }
0x72: {  	[tilespmem:s29], [sflag:$0x3] =	stream.indirect.gather [hbm4b:s16+s23], $0x40, s8, s23, $0xb8;
	[tilespmem:$0x1B040] =	vst v63  }
0x73: {  	_ =	swait.ge [sflag:s0], $0x1400  }
0x74: {  	[sflag:s0] =	ssyncset.done $0x0  }
0x75: {  	s9 =	simm.s32 $0x4F10;
	[sflag:s0] =	ssyncadd.s32 $0xFFFFEC00  }
0x76: {  	[spmem:s1] =	stream.indirect.scatter.add.f32 [tilespmem:s31], [sflag:$0x8], $0x40, s9, s23, $0xb8;
	[tilespmem:$0x1B040] =	vst v63  }
0x77: {  	_ =	swait.ge [sflag:s20], $0x1400  }
0x78: {  	[sflag:s20] =	ssyncset.done $0x0  }
0x79: {  	s8 =	simm.s32 $0x280;
	[sflag:s20] =	ssyncadd.s32 $0xFFFFEC00  }
0x7a: {  	[tilespmem:s31], [sflag:$0x4] =	stream.indirect.gather [hbm4b:s16+s23], $0x40, s8, s23, $0xb8;
	[tilespmem:$0x1B040] =	vst v63  }
0x7b: {  	_ =	swait.ge [sflag:s3], $0x1400  }
0x7c: {  	[sflag:s3] =	ssyncset.done $0x0  }
0x7d: {  	s9 =	simm.s32 $0x4F60;
	[sflag:s3] =	ssyncadd.s32 $0xFFFFEC00  }
0x7e: {  	[spmem:s1] =	stream.indirect.scatter.add.f32 [tilespmem:s18], [sflag:$0x8], $0x40, s9, s23, $0xb8;
	[tilespmem:$0x1B040] =	vst v63  }
0x7f: {  	_ =	swait.ge [sflag:s20], $0x1400  }
0x80: {  	[sflag:s20] =	ssyncset.done $0x0  }
0x81: {  	s7 =	simm.s32 $0x640;
	s8 =	simm.s32 $0x2D0;
	[sflag:s20] =	ssyncadd.s32 $0xFFFFEC00  }
.LBB2_4:
0x82: {  	[tilespmem:s18], [sflag:$0x5] =	stream.indirect.gather [hbm4b:s16+s23], $0x40, s8, s23, $0xb8;
	[tilespmem:$0x1B040] =	vst v63  }
0x83: {  	s8 =	smov.u32 s7  }
0x84: {  	p0 =	sne.s32 s7, $0x12C00;
	s7 =	sadd.s32 $0x640, s7;
	_ =	swait.ge [sflag:s2], $0x1400  }
0x85: {  	s8 =	sshra.s32 s8, $0x2;
	[sflag:s2] =	ssyncset.done $0x0  }
0x86: {  	s9 =	sadd.s32 $0x4E20, s8;
	[sflag:s2] =	ssyncadd.s32 $0xFFFFEC00  }
0x87: {  	[spmem:s1] =	stream.indirect.scatter.add.f32 [tilespmem:s25], [sflag:$0x8], $0x40, s9, s23, $0xb8;
	[tilespmem:$0x1B040] =	vst v63  }
0x88: {  	_ =	swait.ge [sflag:s20], $0x1400  }
0x89: {  	[sflag:s20] =	ssyncset.done $0x0  }
0x8a: {  	s9 =	sadd.s32 $0x190, s8;
	[sflag:s20] =	ssyncadd.s32 $0xFFFFEC00  }
0x8b: {  	[tilespmem:s25], [sflag:$0x1] =	stream.indirect.gather [hbm4b:s16+s23], $0x40, s9, s23, $0xb8;
	[tilespmem:$0x1B040] =	vst v63  }
0x8c: {  	_ =	swait.ge [sflag:s28], $0x1400  }
0x8d: {  	[sflag:s28] =	ssyncset.done $0x0  }
0x8e: {  	s9 =	sadd.s32 $0x4E70, s8;
	[sflag:s28] =	ssyncadd.s32 $0xFFFFEC00  }
0x8f: {  	[spmem:s1] =	stream.indirect.scatter.add.f32 [tilespmem:s26], [sflag:$0x8], $0x40, s9, s23, $0xb8;
	[tilespmem:$0x1B040] =	vst v63  }
0x90: {  	_ =	swait.ge [sflag:s20], $0x1400  }
0x91: {  	[sflag:s20] =	ssyncset.done $0x0  }
0x92: {  	s9 =	sadd.s32 $0x1E0, s8;
	[sflag:s20] =	ssyncadd.s32 $0xFFFFEC00  }
0x93: {  	[tilespmem:s26], [sflag:$0x2] =	stream.indirect.gather [hbm4b:s16+s23], $0x40, s9, s23, $0xb8;
	[tilespmem:$0x1B040] =	vst v63  }
0x94: {  	_ =	swait.ge [sflag:s30], $0x1400  }
0x95: {  	[sflag:s30] =	ssyncset.done $0x0  }
0x96: {  	s9 =	sadd.s32 $0x4EC0, s8;
	[sflag:s30] =	ssyncadd.s32 $0xFFFFEC00  }
0x97: {  	[spmem:s1] =	stream.indirect.scatter.add.f32 [tilespmem:s29], [sflag:$0x8], $0x40, s9, s23, $0xb8;
	[tilespmem:$0x1B040] =	vst v63  }
0x98: {  	_ =	swait.ge [sflag:s20], $0x1400  }
0x99: {  	[sflag:s20] =	ssyncset.done $0x0  }
0x9a: {  	s9 =	sadd.s32 $0x230, s8;
	[sflag:s20] =	ssyncadd.s32 $0xFFFFEC00  }
0x9b: {  	[tilespmem:s29], [sflag:$0x3] =	stream.indirect.gather [hbm4b:s16+s23], $0x40, s9, s23, $0xb8;
	[tilespmem:$0x1B040] =	vst v63  }
0x9c: {  	_ =	swait.ge [sflag:s0], $0x1400  }
0x9d: {  	[sflag:s0] =	ssyncset.done $0x0  }
0x9e: {  	s9 =	sadd.s32 $0x4F10, s8;
	[sflag:s0] =	ssyncadd.s32 $0xFFFFEC00  }
0x9f: {  	[spmem:s1] =	stream.indirect.scatter.add.f32 [tilespmem:s31], [sflag:$0x8], $0x40, s9, s23, $0xb8;
	[tilespmem:$0x1B040] =	vst v63  }
0xa0: {  	_ =	swait.ge [sflag:s20], $0x1400  }
0xa1: {  	[sflag:s20] =	ssyncset.done $0x0  }
0xa2: {  	s9 =	sadd.s32 $0x280, s8;
	[sflag:s20] =	ssyncadd.s32 $0xFFFFEC00  }
0xa3: {  	[tilespmem:s31], [sflag:$0x4] =	stream.indirect.gather [hbm4b:s16+s23], $0x40, s9, s23, $0xb8;
	[tilespmem:$0x1B040] =	vst v63  }
0xa4: {  	_ =	swait.ge [sflag:s3], $0x1400  }
0xa5: {  	[sflag:s3] =	ssyncset.done $0x0  }
.Ltmp1:
0xa6: {  	s9 =	sadd.s32 $0x4F60, s8;
	[sflag:s3] =	ssyncadd.s32 $0xFFFFEC00;
	(pc) =	sbr.rel @p0 .LBB2_4-.Ltmp1, $4  }
0xa7: {  	[spmem:s1] =	stream.indirect.scatter.add.f32 [tilespmem:s18], [sflag:$0x8], $0x40, s9, s23, $0xb8;
	[tilespmem:$0x1B040] =	vst v63  }
0xa8: {  	_ =	swait.ge [sflag:s20], $0x1400  }
0xa9: {  	[sflag:s20] =	ssyncset.done $0x0  }
0xaa: {  	s8 =	sadd.s32 $0x2D0, s8;
	[sflag:s20] =	ssyncadd.s32 $0xFFFFEC00  }
0xab: {  	[tilespmem:s18], [sflag:$0x5] =	stream.indirect.gather [hbm4b:s16+s23], $0x40, s8, s23, $0xb8;
	[tilespmem:$0x1B040] =	vst v63  }
0xac: {  	_ =	swait.ge [sflag:s2], $0x1400  }
0xad: {  	[sflag:s2] =	ssyncset.done $0x0  }
0xae: {  	s7 =	simm.s32 $0x9AB0;
	[sflag:s2] =	ssyncadd.s32 $0xFFFFEC00  }
0xaf: {  	[spmem:s1] =	stream.indirect.scatter.add.f32 [tilespmem:s25], [sflag:$0x8], $0x40, s7, s23, $0xb8;
	[tilespmem:$0x1B040] =	vst v63  }
0xb0: {  	_ =	swait.ge [sflag:s20], $0x1400  }
0xb1: {  	[sflag:s20] =	ssyncset.done $0x0  }
0xb2: {  	[sflag:s20] =	ssyncadd.s32 $0xFFFFEC00  }
0xb3: {  	_ =	swait.ge [sflag:s28], $0x1400  }
0xb4: {  	[sflag:s28] =	ssyncset.done $0x0  }
0xb5: {  	s8 =	simm.s32 $0x9B00;
	[sflag:s28] =	ssyncadd.s32 $0xFFFFEC00  }
0xb6: {  	[spmem:s1] =	stream.indirect.scatter.add.f32 [tilespmem:s26], [sflag:$0x8], $0x40, s8, s23, $0xb8;
	[tilespmem:$0x1B040] =	vst v63  }
0xb7: {  	_ =	swait.ge [sflag:s20], $0x1400  }
0xb8: {  	[sflag:s20] =	ssyncset.done $0x0  }
0xb9: {  	[sflag:s20] =	ssyncadd.s32 $0xFFFFEC00  }
0xba: {  	_ =	swait.ge [sflag:s30], $0x1400  }
0xbb: {  	[sflag:s30] =	ssyncset.done $0x0  }
0xbc: {  	s9 =	simm.s32 $0x9B50;
	[sflag:s30] =	ssyncadd.s32 $0xFFFFEC00  }
0xbd: {  	[spmem:s1] =	stream.indirect.scatter.add.f32 [tilespmem:s29], [sflag:$0x8], $0x40, s9, s23, $0xb8;
	[tilespmem:$0x1B040] =	vst v63  }
0xbe: {  	_ =	swait.ge [sflag:s20], $0x1400  }
0xbf: {  	[sflag:s20] =	ssyncset.done $0x0  }
0xc0: {  	[sflag:s20] =	ssyncadd.s32 $0xFFFFEC00  }
0xc1: {  	_ =	swait.ge [sflag:s0], $0x1400  }
0xc2: {  	[sflag:s0] =	ssyncset.done $0x0  }
0xc3: {  	s8 =	simm.s32 $0x9BA0;
	[sflag:s0] =	ssyncadd.s32 $0xFFFFEC00  }
0xc4: {  	[spmem:s1] =	stream.indirect.scatter.add.f32 [tilespmem:s31], [sflag:$0x8], $0x40, s8, s23, $0xb8;
	[tilespmem:$0x1B040] =	vst v63  }
0xc5: {  	_ =	swait.ge [sflag:s20], $0x1400  }
0xc6: {  	[sflag:s20] =	ssyncset.done $0x0  }
0xc7: {  	[sflag:s20] =	ssyncadd.s32 $0xFFFFEC00  }
0xc8: {  	_ =	swait.ge [sflag:s3], $0x1400  }
0xc9: {  	[sflag:s3] =	ssyncset.done $0x0  }
0xca: {  	s9 =	simm.s32 $0x9BF0;
	[sflag:s3] =	ssyncadd.s32 $0xFFFFEC00  }
0xcb: {  	[spmem:s1] =	stream.indirect.scatter.add.f32 [tilespmem:s18], [sflag:$0x8], $0x40, s9, s23, $0xb8;
	[tilespmem:$0x1B040] =	vst v63  }
0xcc: {  	s8 =	stileid.u32;
	_ =	swait.ge [sflag:s20], $0x1400  }
0xcd: {  	s5 =	sadd.s32 $0x1, s5;
	s7 =	sshll.u32 s8, $0x6;
	[sflag:s20] =	ssyncset.done $0x0  }
0xce: {  	p0 =	sne.s32 s5, s17;
	s7 =	sor.u32 $0x1C08, s7;
	[sflag:s20] =	ssyncadd.s32 $0xFFFFEC00  }
.Ltmp2:
0xcf: {  	s9 =	sshrl.u32 s6, $0x3;
	[bflag:$0x0] =	sbarrier.arrive $0xFFFF;
	(pc) =	sbr.rel @p0 .LBB2_1-.Ltmp2, $4  }
0xd0: {  	[hbm:s24], [sflag:s7] =	dma.local [spmem:s9], $0x1400  }
0xd1: {  	_ =	swait.ge [sflag:s20], $0x1400  }
0xd2: {  	[sflag:s20] =	ssyncset.done $0x0  }
0xd3: {  	[sflag:s20] =	ssyncadd.s32 $0xFFFFEC00  }
0xd4: {  	_ =	sfence.sel $0x180000  }
0xd5: {  	[bflag:$0x0] =	sbarrier.arrive $0xFFFF  }
0xd6: {  	_ =	strace $0x9000004D  }
0xd7: {  	s0 =	stileid.u32;
	[bflag:$0x2] =	sbarrier.arrive $0xFFFF  }
0xd8: {  	p0 =	sne.s32 s0, $0x0;
	s0 =	rddreg [dreg:$0x3]  }
0xd9: {  	s0 =	sadd.s32 @!p0 $0x100000, s0  }
0xda: {  	[sflag:s0] =	ssyncadd.tile.s32 @!p0 $0x1;
	_ =	shalt  }
.Lfunc_end2:
_tile_overlayer_lowered:
.L_overlay_start_2:
0xdb: {  	(tag) =	ssettag $0x2  }
0xdc: {  	s0 =	rddreg [dreg:$0x0];
	s2 =	stileid.u32  }
0xdd: {  	s1 =	rddreg [dreg:$0x1];
	p0 =	sne.s32 s2, $0x0  }
0xde: {  	s3 =	rddreg [dreg:$0x2];
	[bflag:$0x3] =	sbarrier.arrive $0xFFFF;
	s2 =	simm.s32 @!p0 $0x1C08  }
0xdf: {  	[timem:s3], [sflag:s2] =	dma.local @!p0 [hbm:s0], s1  }
0xe0: {  	s0 =	simm.s32 @!p0 $0x8  }
0xe1: {  	_ =	swait.ge @!p0 [sflag:s0], s1  }
0xe2: {  	s1 =	ssub.s32 @!p0 $0x0, s1;
	[sflag:s0] =	ssyncset.done @!p0 $0x0  }
0xe3: {  	[sflag:s0] =	ssyncadd.s32 @!p0 s1  }
0xe4: {  	[bflag:$0x3] =	sbarrier.arrive $0xFFFF  }
0xe5: {  	_ =	shalt  }

// kernel: kernel.8.cloned.1.call-start
scs
__scs_entry_jumppad:
0x0: {  	(pc) =	sbr.rel $0x88, $3  }
0x1: {  	(tag) =	ssettag $0x0;
	lr =	simm.s32 $0x1  }
0x2: {  	[smem:$0x3F9B] =	sst lr;
	_ =	strace $0xD0000000  }
0x3: {  	_ = 	snop  }
0x4: {  	_ = 	snop  }
0x5: {  	_ = 	snop  }
0x6: {  	_ = 	snop  }
0x7: {  	_ = 	snop  }
__scs_overlays_trampoline_lowered:
0x8: {  	[smem:$0x3FAA] =	sst s0  }
0x9: {  	[smem:$0x3FAB] =	sst s1  }
0xa: {  	[smem:$0x3FAC] =	sst s2  }
0xb: {  	[smem:$0x3FAD] =	sst s3  }
0xc: {  	[smem:$0x3FAE] =	sst s4  }
0xd: {  	[smem:$0x3FAF] =	sst s5  }
0xe: {  	[smem:$0x3FB0] =	sst s6  }
0xf: {  	[smem:$0x3FB1] =	sst s7  }
0x10: {  	[smem:$0x3FB2] =	sst s8  }
0x11: {  	[smem:$0x3FB3] =	sst s9;
	s0 =	simm.s32 @!p0 $0x0  }
0x12: {  	s1 =	sld [smem:$0x3F99];
	s0 =	simm.s32 @p0 $0x1  }
0x13: {  	[smem:$0x3FB4] =	sst s0;
	s0 =	simm.s32 @!p1 $0x0  }
0x14: {  	s2 =	sld [smem:$0x3F98];
	s0 =	simm.s32 @p1 $0x1  }
0x15: {  	[smem:$0x3FB5] =	sst s0;
	s0 =	simm.s32 @!p2 $0x0  }
0x16: {  	s3 =	sld [smem:$0x3FDB];
	s0 =	simm.s32 @p2 $0x1  }
0x17: {  	s4 =	simm.s32 $0x1BF5;
	[smem:$0x3FB7] =	sst s0  }
0x18: {  	s0 =	sld [smem:$0x3F9A];
	_ =	swait.ge [sflag:s4], $0x0  }
0x19: {  	s7 =	sld [smem:$0x3F9B]  }
0x1a: {  	s8 =	sadd.s32 $0xFFFFE003, lr  }
0x1b: {  	s9 =	sadd.s32 $0xFFFFFEF7, lr;
	s5 =	simm.s32 $0xFFFFFFFF;
	p2 =	slt.u32 s8, $0xFFFFF086  }
0x1c: {  	p1 =	slt.u32 s9, $0xF7A;
	s5 =	simm.s32 @!p2 $0x0  }
0x1d: {  	s5 =	simm.s32 @p1 $0x1;
	p0 =	seq.s32 s7, s2  }
0x1e: {  	s7 =	smul.u32 @!p0 $0xF7A, s2;
	p2 =	seq.s32 @!p0 s5, $0x0  }
0x1f: {  	s9 =	smul.u32 $0xF7A, s1;
	s8 =	simm.s32 @!p0 $0x1BF5;
	p2 =	por !p2, p0  }
0x20: {  	[sflag:s8] =	ssyncset.s32 @!p0 $0xFFFFF086;
	s6 =	sadd.s32 @!p0 s3, s7;
	s7 =	simm.s32 @!p0 $0x108  }
0x21: {  	s3 =	sadd.s32 s3, s9;
	s6 =	sadd.s32 @!p0 $0x88, s6;
	s7 =	simm.s32 @p2 $0x1082  }
0x22: {  	[simem:s7], [sflag:s8] =	dma.local @!p0 [hbm:s6], $0xF7A  }
0x23: {  	s9 =	sor.u32 $0xD0000000, s2;
	s6 =	simm.s32 $0x108;
	_ =	swait.ge @!p0 [sflag:s8], $0x0  }
0x24: {  	s3 =	sadd.s32 $0x88, s3;
	s6 =	simm.s32 @!p1 $0x1082;
	[sflag:s4] =	ssyncset.s32 $0xFFFFF086  }
0x25: {  	[simem:s6], [sflag:s4] =	dma.local [hbm:s3], $0xF7A  }
0x26: {  	[smem:$0x3F9B] =	sst s1;
	(tag) =	ssettag s2;
	_ =	strace s9  }
0x27: {  	s1 =	sld [smem:$0x3FAB]  }
0x28: {  	s2 =	sld [smem:$0x3FAC]  }
0x29: {  	s4 =	sld [smem:$0x3FAE]  }
0x2a: {  	p0 =	seq.s32 s5, $0x0;
	s5 =	sld [smem:$0x3FAF]  }
0x2b: {  	s6 =	sld [smem:$0x3FB0]  }
0x2c: {  	s7 =	sld [smem:$0x3FB1]  }
0x2d: {  	s3 =	simm.s32 $0x108;
	s8 =	sld [smem:$0x3FB2]  }
0x2e: {  	s3 =	simm.s32 @!p0 $0x1082;
	s9 =	sld [smem:$0x3FB3]  }
0x2f: {  	lr =	sadd.s32 s0, s3;
	s0 =	sld [smem:$0x3FAA]  }
0x30: {  	s3 =	sld [smem:$0x3FAD]  }
0x31: {  	[smem:$0x3FB6] =	sst s10  }
0x32: {  	s10 =	sld [smem:$0x3FB4];
	_ =	sdelay $0x3  }
0x33: {  	p0 =	seq.s32 s10, $0x1;
	s10 =	sld [smem:$0x3FB6];
	_ =	sdelay $0x3  }
0x34: {  	[smem:$0x3FB6] =	sst s10  }
0x35: {  	s10 =	sld [smem:$0x3FB5];
	_ =	sdelay $0x3  }
0x36: {  	p1 =	seq.s32 s10, $0x1;
	s10 =	sld [smem:$0x3FB6];
	_ =	sdelay $0x3  }
0x37: {  	[smem:$0x3FB6] =	sst s10  }
0x38: {  	s10 =	sld [smem:$0x3FB7]  }
0x39: {  	_ = 	snop;
	(pc) =	sbr.ind lr, $3  }
0x3a: {  	_ = 	snop  }
0x3b: {  	_ = 	snop  }
0x3c: {  	p2 =	seq.s32 s10, $0x1;
	s10 =	sld [smem:$0x3FB6]  }
0x3d: {  	_ =	shalt  }
0x3e: {  	_ =	shalt  }
0x3f: {  	_ =	shalt  }
0x40: {  	_ =	shalt  }
0x41: {  	_ =	shalt  }
0x42: {  	_ =	shalt  }
0x43: {  	_ =	shalt  }
0x44: {  	_ =	shalt  }
0x45: {  	_ =	shalt  }
0x46: {  	_ =	shalt  }
0x47: {  	_ =	shalt  }
0x48: {  	_ =	shalt  }
0x49: {  	_ =	shalt  }
0x4a: {  	_ =	shalt  }
0x4b: {  	_ =	shalt  }
0x4c: {  	_ =	shalt  }
0x4d: {  	_ =	shalt  }
0x4e: {  	_ =	shalt  }
0x4f: {  	_ =	shalt  }
0x50: {  	_ =	shalt  }
0x51: {  	_ =	shalt  }
0x52: {  	_ =	shalt  }
0x53: {  	_ =	shalt  }
0x54: {  	_ =	shalt  }
0x55: {  	_ =	shalt  }
0x56: {  	_ =	shalt  }
0x57: {  	_ =	shalt  }
0x58: {  	_ =	shalt  }
0x59: {  	_ =	shalt  }
0x5a: {  	_ =	shalt  }
0x5b: {  	_ =	shalt  }
0x5c: {  	_ =	shalt  }
0x5d: {  	_ =	shalt  }
0x5e: {  	_ =	shalt  }
0x5f: {  	_ =	shalt  }
0x60: {  	_ =	shalt  }
0x61: {  	_ =	shalt  }
0x62: {  	_ =	shalt  }
0x63: {  	_ =	shalt  }
0x64: {  	_ =	shalt  }
0x65: {  	_ =	shalt  }
0x66: {  	_ =	shalt  }
0x67: {  	_ =	shalt  }
0x68: {  	_ =	shalt  }
0x69: {  	_ =	shalt  }
0x6a: {  	_ =	shalt  }
0x6b: {  	_ =	shalt  }
0x6c: {  	_ =	shalt  }
0x6d: {  	_ =	shalt  }
0x6e: {  	_ =	shalt  }
0x6f: {  	_ =	shalt  }
0x70: {  	_ =	shalt  }
0x71: {  	_ =	shalt  }
0x72: {  	_ =	shalt  }
0x73: {  	_ =	shalt  }
0x74: {  	_ =	shalt  }
0x75: {  	_ =	shalt  }
0x76: {  	_ =	shalt  }
0x77: {  	_ =	shalt  }
0x78: {  	_ =	shalt  }
0x79: {  	_ =	shalt  }
0x7a: {  	_ =	shalt  }
0x7b: {  	_ =	shalt  }
0x7c: {  	_ =	shalt  }
0x7d: {  	_ =	shalt  }
0x7e: {  	_ =	shalt  }
0x7f: {  	_ =	shalt  }
0x80: {  	_ =	shalt  }
0x81: {  	_ =	shalt  }
0x82: {  	_ =	shalt  }
0x83: {  	_ =	shalt  }
0x84: {  	_ =	shalt  }
0x85: {  	_ =	shalt  }
0x86: {  	_ =	shalt  }
0x87: {  	_ =	shalt  }
.Lfunc_end0:
.L_simem_size_0:
called_computation_lowered:
.L_overlay_start_0:
0x88: {  	s2 =	sld [smem:$0x3FD9]  }
0x89: {  	s3 =	sld [smem:$0x3FFE];
	_ =	sdelay $0x1  }
0x8a: {  	s1 =	srdreg.scid  }
0x8b: {  	s0 =	sand.u32 $0x1, s1  }
0x8c: {  	s15 =	sshll.u32 s0, $0xA;
	s2 =	sadd.s32 s3, s2  }
0x8d: {  	s2 =	sadd.s32 s2, s15  }
0x8e: {  	[smem:$0x3FC2] =	sst s2  }
0x8f: {  	_ = 	snop  }
0x90: {  	s2 =	sld [smem:$0x3FD0];
	_ =	sdelay $0x2  }
0x91: {  	s16 =	simm.s32 $0xA;
	s4 =	simm.s32 $0x10  }
0x92: {  	[smem:s4], [sflag:s16] =	dma.local [hbm:s2], $0x1  }
0x93: {  	_ =	swait.eq [sflag:s16], $0x1  }
0x94: {  	[sflag:s16] =	ssyncset.done $0x0  }
0x95: {  	s17 =	sld [smem:$0x11];
	[sflag:s16] =	ssyncadd.s32 $0xFFFFFFFF  }
0x96: {  	s18 =	sld [smem:$0x12];
	(tm) =	ssettm $0x1  }
0x97: {  	s19 =	sld [smem:$0x3FFB];
	_ =	sdelay $0x3  }
0x98: {  	_ =	strace s19  }
0x99: {  	s4 =	sld [smem:$0x3FFC];
	_ =	sdelay $0x3  }
0x9a: {  	_ =	strace s4  }
0x9b: {  	s4 =	sld [smem:$0x3FFD];
	_ =	sdelay $0x3  }
0x9c: {  	_ =	strace s4  }
0x9d: {  	_ =	strace $0x8FFFFFFF  }
0x9e: {  	s20 =	sld [smem:$0x3FDB];
	_ =	sdelay $0x1  }
0x9f: {  	s5 =	simm.s32 $_scs_section_size  }
0xa0: {  	s6 =	simm.s32 $_size__tile_overlayer_lowered;
	s7 =	simm.s32 $_tile_overlayer_lowered  }
0xa1: {  	s23 =	simm.s32 $0x1BFF;
	s22 =	sshll.u32 s7, $0x1;
	s4 =	sadd.s32 s5, s20  }
0xa2: {  	s8 =	simm.s32 $0x0;
	s21 =	sshll.u32 s6, $0x1;
	s6 =	sadd.s32 s22, s4  }
0xa3: {  	[timem:s8], [sflag:s23] =	dma.local [hbm:s6], s21  }
0xa4: {  	_ =	swait.ge [sflag:s23], s21  }
0xa5: {  	s5 =	ssub.s32 $0x0, s21;
	[sflag:s23] =	ssyncset.done $0x0  }
0xa6: {  	[sflag:s23] =	ssyncadd.s32 s5;
	_ =	sdelay $0x1  }
0xa7: {  	s24 =	simm.s32 $0x1B8B  }
0xa8: {  	_ =	swait.ge [sflag:s24], $0x1  }
0xa9: {  	[sflag:s24] =	ssyncset.done $0x0  }
0xaa: {  	s25 =	simm.s32 $0x1B8E;
	[sflag:s24] =	ssyncadd.s32 $0xFFFFFFFF  }
0xab: {  	s26 =	simm.s32 $execute0_lowered;
	[smem:$0x3FD2] =	sst s25  }
0xac: {  	s5 =	sshll.u32 s26, $0x1;
	_ =	strace $0x80000046;
	[dreg:$0x1] =	wrdreg $0xFFFFFFFF  }
0xad: {  	s28 =	simm.s32 $_size_execute0_lowered;
	s4 =	sadd.s32 s4, s5;
	[dreg:$0x0] =	wrdreg $0x0  }
0xae: {  	s5 =	sshll.u32 s28, $0x1;
	[dreg:$0x2] =	wrdreg s4  }
0xaf: {  	[dreg:$0x3] =	wrdreg s5  }
0xb0: {  	[dreg:$0x4] =	wrdreg $0xC0  }
0xb1: {  	_ =	task [dreg:s8], $0x5FFFF  }
0xb2: {  	[dreg:$0x1] =	wrdreg $0xFFFFFFFF  }
0xb3: {  	[dreg:$0x0] =	wrdreg $0x60  }
0xb4: {  	[dreg:$0x2] =	wrdreg s18  }
0xb5: {  	[dreg:$0x3] =	wrdreg s17  }
0xb6: {  	[dreg:$0x4] =	wrdreg $0x54100  }
0xb7: {  	[dreg:$0x5] =	wrdreg $0x9  }
0xb8: {  	_ =	task.clear_ibuf [dreg:s8], $0x6FFFF;
	_ =	strace $0x90000046  }
0xb9: {  	s29 =	simm.s32 $0x9;
	_ =	strace $0x80000048  }
0xba: {  	_ =	swait.ge [sflag:s29], $0x1  }
0xbb: {  	[sflag:s29] =	ssyncadd.s32 $0xFFFFFFFF  }
0xbc: {  	_ =	strace $0x90000048  }
0xbd: {  	_ =	sfence  }
0xbe: {  	s30 =	sld [smem:$0x0];
	_ =	sdelay $0x2  }
0xbf: {  	s31 =	sshll.u32 s1, $0xD;
	s1 =	sshrl.u32 s1, $0x2  }
0xc0: {  	s3 =	sand.u32 $0x4000, s31;
	s1 =	sadd.s32 s1, s30  }
0xc1: {  	s0 =	sor.u32 s3, s0;
	s1 =	sshll.u32 s1, $0x11  }
0xc2: {  	s0 =	sor.u32 s1, s0  }
0xc3: {  	s0 =	sadd.s32 $0x8F2B, s0  }
0xc4: {  	[sflag:s0] =	ssyncadd.remote.s32 $0x1  }
0xc5: {  	_ =	sfence.sel $0xFFFF  }
0xc6: {  	[dreg:$0x0] =	wrdreg $0xFFFFFFFF;
	(pc) =	sbr.abs _section_cstart, $3  }
0xc7: {  	[dreg:$0x1] =	wrdreg $0xFFFFFFFF  }
0xc8: {  	_ =	task.clear_ibuf [dreg:s8], $0x2FFFF;
	_ =	strace $0x9FFFFFFF  }
0xc9: {  	(tm) =	ssettm $0x7FFFFFFF  }
tec
execute0_lowered:
.L_overlay_start_1:
0x0: {  	(tag) =	ssettag $0x1  }
0x1: {  	s4 =	rddreg [dreg:$0x0]  }
0x2: {  	s6 =	rddreg [dreg:$0x1]  }
0x3: {  	s0 =	srdreg.scid;
	s2 =	rddreg [dreg:$0x2]  }
0x4: {  	s15 =	simm.s32 $0x0;
	s5 =	sand.u32 $0x1, s0;
	s0 =	stileid.u32  }
0x5: {  	s1 =	sshll.u32 s5, $0x4;
	s8 =	ssub.s32 $0x2, s5;
	s9 =	smul.u32 $0x2800, s0  }
0x6: {  	s11 =	smul.u32 $0x5000, s5;
	s31 =	sshll.u32 s0, $0x6;
	s3 =	sor.u32 s0, s1  }
0x7: {  	s1 =	rddreg [dreg:$0x3];
	s10 =	sshrl.u32 s8, $0x1;
	s7 =	smul.u32 $0x4E2, s3  }
0x8: {  	s3 =	simm.s32 $0x0;
	s8 =	ssub.s32 s8, s10;
	s5 =	sadd.s32 s9, s2  }
0x9: {  	s12 =	sadd.s32 s6, s11;
	s13 =	sshrl.u32 s9, $0x3;
	s9 =	simm.s32 $0x50  }
0xa: {  	s10 =	simm.s32 $0x2710;
	s11 =	simm.s32 $0x1;
	[smem:$0x7FF] =	sst s3  }
0xb: {  	s6 =	smax.u32 s8, $0x1;
	s8 =	simm.s32 $0x2C10;
	s12 =	sadd.s32 s13, s12  }
0xc: {  	s13 =	sor.u32 $0x1C02, s31;
	s14 =	sshrl.u32 s5, $0x3;
	s4 =	sadd.s32 s7, s4  }
0xd: {  	v0 =	vimm.f32 $1.000000000e+00;
	v1 =	vimm.f32 $0.0e+00;
	_ =	strace $0x80000047;
	s7 =	simm.s32 $0x2;
	s4 =	sadd.s32 $0x9C40, s4  }
.LBB2_1:
0xe: {  	[tilespmem:s3], [sflag:$0x2] =	stream.linear.gather [hbm4b:s4+s3], $0x2710, $0x38;
	[tilespmem:$0x7C10] =	vst v63  }
0xf: {  	_ =	swait.ge [sflag:s7], $0x2710  }
0x10: {  	[sflag:s7] =	ssyncset.done $0x0  }
0x11: {  	s16 =	simm.s32 $0x0;
	[sflag:s7] =	ssyncadd.s32 $0xFFFFD8F0  }
.LBB2_2:
0x12: {  	p0 =	sne.s32 s16, $0x13C0  }
.Ltmp0:
0x13: {  	_ = 	snop;
	(pc) =	sbr.rel @p0 .LBB2_2-.Ltmp0, $3  }
0x14: {  	_ =	sdelay $0x1  }
0x15: {  	s17 =	sshra.s32 s16, $0x2  }
0x16: {  	s16 =	sadd.s32 $0x40, s16;
	[tilespmem:s17+$0x2710] =	vst v0  }
0x17: {  	s16 =	simm.s32 $0x40;
	s17 =	simm.s32 $0x0  }
.LBB2_4:
0x18: {  	p0 =	sne.s32 s16, $0x9FC0;
	[tilespmem:s17+$0x2C10] =	vst v1;
	s17 =	smov.u32 s16;
	s16 =	sadd.s32 $0x40, s16  }
.Ltmp1:
0x19: {  	(pc) =	sbr.rel @p0 .LBB2_4-.Ltmp1, $2  }
0x1a: {  	_ =	sdelay $0x2  }
0x1b: {  	s17 =	sshra.s32 s17, $0x2  }
0x1c: {  	[tilespmem:s17+$0x2C10] =	vst v1  }
0x1d: {  	[spmem:s5] =	stream.linear.scatter [tilespmem:s8], [sflag:$0x2], $0x2800, $0x38;
	[tilespmem:$0x7C10] =	vst v63  }
0x1e: {  	_ =	swait.ge [sflag:s7], $0x2800  }
0x1f: {  	[sflag:s7] =	ssyncset.done $0x0  }
0x20: {  	[sflag:s7] =	ssyncadd.s32 $0xFFFFD800  }
0x21: {  	s16 =	simm.s32 $0x0;
	[bflag:$0x0] =	sbarrier.arrive $0xFFFF  }
.LBB2_6:
0x22: {  	p0 =	sne.s32 s16, $0x9B00  }
.Ltmp2:
0x23: {  	_ = 	snop;
	(pc) =	sbr.rel @p0 .LBB2_6-.Ltmp2, $3  }
0x24: {  	_ =	sdelay $0x1  }
0x25: {  	s17 =	sshra.s32 s16, $0x2;
	s16 =	sadd.s32 $0x140, s16  }
0x26: {  	[spmem:s2] =	stream.indirect.scatter.add.f32 [tilespmem:s10], [sflag:$0x1], $0x10, s17, s9, $0xb8;
	[tilespmem:$0x7C10] =	vst v63  }
0x27: {  	_ =	swait.ge [sflag:s11], $0x500  }
0x28: {  	s16 =	simm.s32 $0x7C;
	[sflag:s11] =	ssyncset.done $0x0  }
.LBB2_8:
0x29: {  	p0 =	sne.s32 s16, $0x1;
	s16 =	sadd.s32 $0xFFFFFFFF, s16;
	[sflag:s11] =	ssyncadd.s32 $0xFFFFFB00  }
.Ltmp3:
0x2a: {  	(pc) =	sbr.rel @p0 .LBB2_8-.Ltmp3, $3  }
0x2b: {  	_ =	sdelay $0x1  }
0x2c: {  	_ =	swait.ge [sflag:s11], $0x500  }
0x2d: {  	[sflag:s11] =	ssyncset.done $0x0  }
0x2e: {  	s15 =	sadd.s32 $0x1, s15  }
0x2f: {  	[sflag:s11] =	ssyncadd.s32 $0xFFFFFB00;
	p0 =	sne.s32 s15, s6  }
.Ltmp4:
0x30: {  	[bflag:$0x0] =	sbarrier.arrive $0xFFFF;
	(pc) =	sbr.rel @p0 .LBB2_1-.Ltmp4, $4  }
0x31: {  	[hbm:s12], [sflag:s13] =	dma.local [spmem:s14], $0x500  }
0x32: {  	_ =	swait.ge [sflag:s7], $0x500  }
0x33: {  	[sflag:s7] =	ssyncset.done $0x0  }
0x34: {  	[sflag:s7] =	ssyncadd.s32 $0xFFFFFB00  }
0x35: {  	_ =	sfence.sel $0x180000  }
0x36: {  	[bflag:$0x0] =	sbarrier.arrive $0xFFFF  }
0x37: {  	p0 =	sne.s32 s0, $0x0;
	_ =	strace $0x90000047  }
0x38: {  	s0 =	sadd.s32 @!p0 $0x100000, s1;
	[bflag:$0x2] =	sbarrier.arrive $0xFFFF  }
0x39: {  	[sflag:s0] =	ssyncadd.tile.s32 @!p0 $0x1;
	_ =	shalt  }
.Lfunc_end2:
_tile_overlayer_lowered:
.L_overlay_start_2:
0x3a: {  	(tag) =	ssettag $0x2  }
0x3b: {  	s0 =	rddreg [dreg:$0x0];
	s2 =	stileid.u32  }
0x3c: {  	s1 =	rddreg [dreg:$0x1];
	p0 =	sne.s32 s2, $0x0  }
0x3d: {  	s3 =	rddreg [dreg:$0x2];
	[bflag:$0x3] =	sbarrier.arrive $0xFFFF;
	s2 =	simm.s32 @!p0 $0x1C02  }
0x3e: {  	[timem:s3], [sflag:s2] =	dma.local @!p0 [hbm:s0], s1  }
0x3f: {  	s0 =	simm.s32 @!p0 $0x2  }
0x40: {  	_ =	swait.ge @!p0 [sflag:s0], s1  }
0x41: {  	s1 =	ssub.s32 @!p0 $0x0, s1;
	[sflag:s0] =	ssyncset.done @!p0 $0x0  }
0x42: {  	[sflag:s0] =	ssyncadd.s32 @!p0 s1  }
0x43: {  	[bflag:$0x3] =	sbarrier.arrive $0xFFFF  }
0x44: {  	_ =	shalt  }

</sc_bundles>
